<compile_context>
chip_gen: v7x
topology: tpu7x:2x2x1
jax: 0.10.2.dev20260603
libtpu: 0.0.44.dev20260713+nightly
codegen_flags: <defaults>
</compile_context>

<pallas_src>
import functools

import jax
import jax.numpy as jnp
from jax import lax
from jax.experimental import pallas as pl
from jax.experimental.pallas import tpu as pltpu
from jax.experimental.pallas import tpu_sc as plsc

VOCAB = 100000
SEQ = 200
DIM = 64
BATCH = 4096

_NC = 2
_NS = 16
_NW = _NC * _NS
_NSLICE = 2
_SB = BATCH // _NSLICE
_BPW = _SB // _NW
_SW = _SB // 128
_H = SEQ // 2
_HP = 56


def _gather_body(x_hbm, tbl_hbm, pos_hbm, out_hbm,
                 idx_v, pos_v, gb0, gb1, ob0, ob1, g0, g1, o0, o1):
    wid = lax.axis_index("s") * _NC + lax.axis_index("c")
    b0 = wid * _BPW

    gbuf = (gb0, gb1)
    obuf = (ob0, ob1)
    gsem = (g0, g1)
    osem = (o0, o1)

    pltpu.sync_copy(pos_hbm, pos_v)
    pltpu.sync_copy(x_hbm.at[pl.ds(b0, _BPW)], idx_v)

    def gather(i, par):
        return [pltpu.make_async_copy(
            tbl_hbm.at[idx_v.at[i, k]], gbuf[par].at[k], gsem[par])
            for k in range(2)]

    def outcopy(i, par):
        return pltpu.make_async_copy(
            obuf[par], out_hbm.at[b0 + i, :, pl.ds(0, _H // 2)], osem[par])

    for cp in gather(0, 0):
        cp.start()

    @pl.loop(0, _BPW, step=2)
    def _row(g):
        for par in range(2):
            i = g + par
            nxt = 1 - par

            @pl.when(i + 1 < _BPW)
            def _():
                for cp in gather(i + 1, nxt):
                    cp.start()

            for cp in gather(i, par):
                cp.wait()

            @pl.when(i >= 2)
            def _():
                outcopy(i - 2, par).wait()

            @pl.loop(0, _H // 2)
            def _pos(u):
                for k in range(2):
                    for h in range(2):
                        for j in range(DIM // 16):
                            sl = pl.ds(j * 16, 16)
                            obuf[par][k, u, pl.ds(h * DIM + j * 16, 16)] = (
                                gbuf[par][k, 2 * u + h, sl]
                                + pos_v[k, 2 * u + h, sl])

            outcopy(i, par).start()

    outcopy(_BPW - 2, 0).wait()
    outcopy(_BPW - 1, 1).wait()


def _transpose_body(x_ref, o_ref):
    def body(u, carry):
        for k in range(2):
            xm = x_ref[:, k, u, :]
            o_ref[pl.ds(k * SEQ // 2 + 2 * u, 2), :, 0, :, :] = (
                xm.T.reshape(2, 8, 8, 128))
        return carry

    lax.fori_loop(0, _H // 2, body, 0)


def _transpose_alias_body(x_ref, prev_ref, o_ref):
    del prev_ref
    _transpose_body(x_ref, o_ref)


@jax.jit
def _tpe(x3, token_table, pos3):
    sc = functools.partial(
        pl.kernel,
        out_type=jax.ShapeDtypeStruct((_SB, 2, _HP, 128), jnp.float32),
        mesh=plsc.VectorSubcoreMesh(core_axis_name="c", subcore_axis_name="s"),
        scratch_types=[
            pltpu.VMEM((_BPW, 2, _H), jnp.int32),
            pltpu.VMEM((2, _H, DIM), jnp.float32),
            pltpu.VMEM((2, _H, DIM), jnp.float32),
            pltpu.VMEM((2, _H, DIM), jnp.float32),
            pltpu.VMEM((2, _H // 2, 128), jnp.float32),
            pltpu.VMEM((2, _H // 2, 128), jnp.float32),
            pltpu.SemaphoreType.DMA,
            pltpu.SemaphoreType.DMA,
            pltpu.SemaphoreType.DMA,
            pltpu.SemaphoreType.DMA,
        ],
        compiler_params=pltpu.CompilerParams(use_tc_tiling_on_sc=False),
    )(_gather_body)

    lins = [sc(x3[i * _SB:(i + 1) * _SB], token_table, pos3)
            for i in range(_NSLICE)]

    out_sds = jax.ShapeDtypeStruct((SEQ, 8, _NW, 8, 128), jnp.float32)
    in_block = pl.BlockSpec((128, 2, _HP, 128), lambda w: (w, 0, 0, 0))
    params = pltpu.CompilerParams(dimension_semantics=("arbitrary",))

    part = None
    for i in range(_NSLICE):
        out_block = pl.BlockSpec(
            (SEQ, 8, 1, 8, 128),
            functools.partial(lambda off, w: (0, 0, off + w, 0, 0), i * _SW))
        if part is None:
            part = pl.pallas_call(
                _transpose_body,
                out_shape=out_sds,
                grid=(_SW,),
                in_specs=[in_block],
                out_specs=out_block,
                compiler_params=params,
            )(lins[i])
        else:
            part = pl.pallas_call(
                _transpose_alias_body,
                out_shape=out_sds,
                grid=(_SW,),
                in_specs=[in_block, pl.BlockSpec(memory_space=pl.ANY)],
                out_specs=out_block,
                input_output_aliases={1: 0},
                compiler_params=params,
            )(lins[i], part)

    return part


def kernel(x, token_table, pos_table):
    x3 = x.reshape(BATCH, 2, _H).astype(jnp.int32)
    pos3 = pos_table.reshape(2, _H, DIM)
    out = _tpe(x3, token_table, pos3)
    return out.transpose(2, 4, 0, 1, 3).reshape(BATCH, SEQ, DIM)

# --- scband reference (transcript-rebuilt; emitter-appended) ---
"""Pipeline reference for scband-token-position-embedding-38800734552195 (READ-ONLY COPY).

The authoritative reference and input builder live on the scoring server;
editing this copy changes nothing except your own understanding.
"""

import jax, jax.numpy as jnp
import numpy as np

VOCAB = 100000
MAX_SEQ_LEN = 200
EMBED_DIM = 64
BATCH = 4096


def positional_encoding(position, dim):
    pos = np.arange(position)[:, np.newaxis].astype(np.float32)
    i = np.arange(dim)[np.newaxis, :].astype(np.float32)
    angle_rates = 1.0 / np.power(10000.0, 2.0 * (np.floor(i / 2.0)) / np.float32(dim))
    ang = pos * angle_rates
    ang[:, 0::2] = np.sin(ang[:, 0::2])
    ang[:, 1::2] = np.cos(ang[:, 1::2])
    return jnp.asarray(ang, dtype=jnp.float32)


def setup_inputs(seed: int = 0) -> dict:
    key = jax.random.key(seed)
    k1, k2 = jax.random.split(key)
    x = jax.random.randint(k1, (BATCH, MAX_SEQ_LEN), 0, VOCAB, dtype=jnp.int64 if jax.config.jax_enable_x64 else jnp.int32)
    token_table = jax.random.normal(k2, (VOCAB, EMBED_DIM), dtype=jnp.float32) * 0.02
    pos_table = positional_encoding(MAX_SEQ_LEN, EMBED_DIM)
    return {"x": x, "token_table": token_table, "pos_table": pos_table}


def reference(x, token_table, pos_table):
    # positions = tf.range(0, max_seq_len); pos_embedding lookup is identity gather over the whole table
    positions = jnp.arange(pos_table.shape[0])
    pos = jnp.take(pos_table, positions, axis=0)            # [max_seq_len, embed_dim]
    tokens = jnp.take(token_table, x, axis=0)               # [B, max_seq_len, embed_dim]
    return tokens + pos[None, :, :]

if __name__ == "__main__":
    import jax
    _d = setup_inputs()
    print(jax.jit(kernel)(*tuple(_d.values())))

</pallas_src>

<mosaic_0001>
#map = affine_map<(d0, d1) -> (0, 0, 0)>
#map1 = affine_map<(d0, d1) -> (0, 0)>
#map2 = affine_map<(d0, d1) -> (0, 0, 0, 0)>
module attributes {stable_mosaic.version = 14 : i64} {
  func.func @_gather_body(%arg0: i32, %arg1: i32, %arg2: memref<2048x2x100xi32, #tpu.memory_space<hbm>>, %arg3: memref<100000x64xf32, #tpu.memory_space<hbm>>, %arg4: memref<2x100x64xf32, #tpu.memory_space<hbm>>, %arg5: memref<2048x2x56x128xf32, #tpu.memory_space<hbm>>, %arg6: memref<64x2x100xi32, #tpu.memory_space<vmem>>, %arg7: memref<2x100x64xf32, #tpu.memory_space<vmem>>, %arg8: memref<2x100x64xf32, #tpu.memory_space<vmem>>, %arg9: memref<2x100x64xf32, #tpu.memory_space<vmem>>, %arg10: memref<2x50x128xf32, #tpu.memory_space<vmem>>, %arg11: memref<2x50x128xf32, #tpu.memory_space<vmem>>, %arg12: memref<!tpu.dma_semaphore, #tpu.memory_space<semaphore_mem>>, %arg13: memref<!tpu.dma_semaphore, #tpu.memory_space<semaphore_mem>>, %arg14: memref<!tpu.dma_semaphore, #tpu.memory_space<semaphore_mem>>, %arg15: memref<!tpu.dma_semaphore, #tpu.memory_space<semaphore_mem>>) attributes {dimension_semantics = [#tpu.dimension_semantics<core_parallel>, #tpu.dimension_semantics<subcore_parallel>], iteration_bounds = array<i64: 2, 16>, scalar_prefetch = 0 : i64, scratch_operands = 10 : i64, tpu.core_type = #tpu.core_type<sc_vector_subcore>, window_params = [{transform_indices = #map}, {transform_indices = #map1}, {transform_indices = #map}, {transform_indices = #map2}]} {
    %mul3A = arith.constant 2 : i32
    %mul3A_0 = arith.muli %arg1, %mul3A : i32
    %add3A = arith.addi %mul3A_0, %arg0 : i32
    %mul3A_1 = arith.constant 64 : i32
    %mul3A_2 = arith.muli %add3A, %mul3A_1 : i32
    "tpu.region"() ({
      %run_scoped3A = tpu.sem_alloc : memref<!tpu.dma_semaphore, #tpu.memory_space<semaphore_mem>>
      tpu.enqueue_dma source(%arg4 : memref<2x100x64xf32, #tpu.memory_space<hbm>>) target(%arg7 : memref<2x100x64xf32, #tpu.memory_space<vmem>>) target_semaphore(%run_scoped3A : memref<!tpu.dma_semaphore, #tpu.memory_space<semaphore_mem>>)
      tpu.wait_dma2 semaphore(%run_scoped3A : memref<!tpu.dma_semaphore, #tpu.memory_space<semaphore_mem>>) src(%arg4 : memref<2x100x64xf32, #tpu.memory_space<hbm>>) dst(%arg7 : memref<2x100x64xf32, #tpu.memory_space<vmem>>)
      tpu.yield
    }) : () -> ()
    "tpu.region"() ({
      %run_scoped3A = tpu.sem_alloc : memref<!tpu.dma_semaphore, #tpu.memory_space<semaphore_mem>>
      %dma_start3A_55 = arith.constant 0 : i32
      %dma_start3A_56 = arith.constant 0 : i32
      %dma_start3A_57 = tpu.memref_slice %arg2[%mul3A_2, %dma_start3A_55, %dma_start3A_56] : memref<2048x2x100xi32, #tpu.memory_space<hbm>> -> memref<64x2x100xi32, #tpu.memory_space<hbm>>
      %dma_start3A_58 = arith.constant 0 : i32
      %dma_start3A_59 = arith.constant 0 : i32
      %dma_start3A_60 = tpu.memref_slice %arg2[%mul3A_2, %dma_start3A_58, %dma_start3A_59] : memref<2048x2x100xi32, #tpu.memory_space<hbm>> -> memref<64x2x100xi32, #tpu.memory_space<hbm>>
      tpu.enqueue_dma source(%dma_start3A_60 : memref<64x2x100xi32, #tpu.memory_space<hbm>>) target(%arg6 : memref<64x2x100xi32, #tpu.memory_space<vmem>>) target_semaphore(%run_scoped3A : memref<!tpu.dma_semaphore, #tpu.memory_space<semaphore_mem>>)
      %dma_wait3A_61 = arith.constant 0 : i32
      %dma_wait3A_62 = arith.constant 0 : i32
      %dma_wait3A_63 = tpu.memref_slice %arg2[%mul3A_2, %dma_wait3A_61, %dma_wait3A_62] : memref<2048x2x100xi32, #tpu.memory_space<hbm>> -> memref<64x2x100xi32, #tpu.memory_space<hbm>>
      %dma_wait3A_64 = arith.constant 0 : i32
      %dma_wait3A_65 = arith.constant 0 : i32
      %dma_wait3A_66 = tpu.memref_slice %arg2[%mul3A_2, %dma_wait3A_64, %dma_wait3A_65] : memref<2048x2x100xi32, #tpu.memory_space<hbm>> -> memref<64x2x100xi32, #tpu.memory_space<hbm>>
      tpu.wait_dma2 semaphore(%run_scoped3A : memref<!tpu.dma_semaphore, #tpu.memory_space<semaphore_mem>>) src(%dma_wait3A_66 : memref<64x2x100xi32, #tpu.memory_space<hbm>>) dst(%arg6 : memref<64x2x100xi32, #tpu.memory_space<vmem>>)
      tpu.yield
    }) : () -> ()
    %dma_start3A = arith.constant 0 : i32
    %dma_start3A_3 = arith.constant 0 : i32
    %dma_start3A_4 = arith.constant 0 : i32
    %dma_start3A_5 = arith.constant 0 : i32
    %dma_start3A_6 = arith.constant 0 : i32
    %dma_start3A_7 = tpu.memref_slice %arg8[%dma_start3A_4, %dma_start3A_5, %dma_start3A_6] : memref<2x100x64xf32, #tpu.memory_space<vmem>> -> memref<1x100x64xf32, #tpu.memory_space<vmem>>
    %dma_start3A_8 = tpu.memref_squeeze %dma_start3A_7 : memref<1x100x64xf32, #tpu.memory_space<vmem>> -> memref<100x64xf32, #tpu.memory_space<vmem>>
    %dma_start3A_9 = arith.constant 0 : i32
    %dma_start3A_10 = tpu.memref_slice %arg6[%dma_start3A, %dma_start3A_3, %dma_start3A_9] : memref<64x2x100xi32, #tpu.memory_space<vmem>> -> memref<1x1x100xi32, #tpu.memory_space<vmem>>
    %dma_start3A_11 = tpu.memref_squeeze %dma_start3A_10 : memref<1x1x100xi32, #tpu.memory_space<vmem>> -> memref<100xi32, #tpu.memory_space<vmem>>
    %dma_start3A_12 = arith.constant 0 : i32
    %dma_start3A_13 = arith.constant 0 : i32
    %dma_start3A_14 = tpu.memref_slice %arg3[%dma_start3A_12, %dma_start3A_13] : memref<100000x64xf32, #tpu.memory_space<hbm>> -> memref<100000x64xf32, #tpu.memory_space<hbm>>
    tpu.enqueue_indirect_dma source(%dma_start3A_14 : memref<100000x64xf32, #tpu.memory_space<hbm>>) target(%dma_start3A_8 : memref<100x64xf32, #tpu.memory_space<vmem>>) offsets(%dma_start3A_11 : memref<100xi32, #tpu.memory_space<vmem>>) semaphore(%arg12 : memref<!tpu.dma_semaphore, #tpu.memory_space<semaphore_mem>>)
    %dma_start3A_15 = arith.constant 0 : i32
    %dma_start3A_16 = arith.constant 1 : i32
    %dma_start3A_17 = arith.constant 1 : i32
    %dma_start3A_18 = arith.constant 0 : i32
    %dma_start3A_19 = arith.constant 0 : i32
    %dma_start3A_20 = tpu.memref_slice %arg8[%dma_start3A_17, %dma_start3A_18, %dma_start3A_19] : memref<2x100x64xf32, #tpu.memory_space<vmem>> -> memref<1x100x64xf32, #tpu.memory_space<vmem>>
    %dma_start3A_21 = tpu.memref_squeeze %dma_start3A_20 : memref<1x100x64xf32, #tpu.memory_space<vmem>> -> memref<100x64xf32, #tpu.memory_space<vmem>>
    %dma_start3A_22 = arith.constant 0 : i32
    %dma_start3A_23 = tpu.memref_slice %arg6[%dma_start3A_15, %dma_start3A_16, %dma_start3A_22] : memref<64x2x100xi32, #tpu.memory_space<vmem>> -> memref<1x1x100xi32, #tpu.memory_space<vmem>>
    %dma_start3A_24 = tpu.memref_squeeze %dma_start3A_23 : memref<1x1x100xi32, #tpu.memory_space<vmem>> -> memref<100xi32, #tpu.memory_space<vmem>>
    %dma_start3A_25 = arith.constant 0 : i32
    %dma_start3A_26 = arith.constant 0 : i32
    %dma_start3A_27 = tpu.memref_slice %arg3[%dma_start3A_25, %dma_start3A_26] : memref<100000x64xf32, #tpu.memory_space<hbm>> -> memref<100000x64xf32, #tpu.memory_space<hbm>>
    tpu.enqueue_indirect_dma source(%dma_start3A_27 : memref<100000x64xf32, #tpu.memory_space<hbm>>) target(%dma_start3A_21 : memref<100x64xf32, #tpu.memory_space<vmem>>) offsets(%dma_start3A_24 : memref<100xi32, #tpu.memory_space<vmem>>) semaphore(%arg12 : memref<!tpu.dma_semaphore, #tpu.memory_space<semaphore_mem>>)
    %scan3A = arith.constant 0 : i32
    %scan3A_28 = arith.constant 32 : i32
    %scan3A_29 = arith.addi %scan3A, %scan3A_28 : i32
    %scan3A_30 = arith.constant 1 : i32
    scf.for %scan3A_55 = %scan3A to %scan3A_29 step %scan3A_30  : i32 {
      %mul3A_56 = arith.constant 2 : i32
      %mul3A_57 = arith.muli %scan3A_55, %mul3A_56 : i32
      %add3A_58 = arith.constant 0 : i32
      %add3A_59 = arith.addi %add3A_58, %mul3A_57 : i32
      %add3A_60 = arith.constant 0 : i32
      %add3A_61 = arith.addi %add3A_59, %add3A_60 : i32
      %add3A_62 = arith.constant 1 : i32
      %add3A_63 = arith.addi %add3A_61, %add3A_62 : i32
      %lt3A = arith.constant 64 : i32
      %lt3A_64 = arith.cmpi slt, %add3A_63, %lt3A : i32
      %convert_element_type3A = arith.extui %lt3A_64 : i1 to i32
      %cond3A = arith.constant 0 : i32
      %cond3A_65 = arith.cmpi ne, %convert_element_type3A, %cond3A : i32
      scf.if %cond3A_65 {
        %add3A_164 = arith.constant 1 : i32
        %add3A_165 = arith.addi %add3A_61, %add3A_164 : i32
        %dma_start3A_166 = arith.constant 0 : i32
        %dma_start3A_167 = arith.constant 0 : i32
        %dma_start3A_168 = arith.constant 0 : i32
        %dma_start3A_169 = arith.constant 0 : i32
        %dma_start3A_170 = tpu.memref_slice %arg9[%dma_start3A_167, %dma_start3A_168, %dma_start3A_169] : memref<2x100x64xf32, #tpu.memory_space<vmem>> -> memref<1x100x64xf32, #tpu.memory_space<vmem>>
        %dma_start3A_171 = tpu.memref_squeeze %dma_start3A_170 : memref<1x100x64xf32, #tpu.memory_space<vmem>> -> memref<100x64xf32, #tpu.memory_space<vmem>>
        %dma_start3A_172 = arith.constant 0 : i32
        %dma_start3A_173 = tpu.memref_slice %arg6[%add3A_165, %dma_start3A_166, %dma_start3A_172] : memref<64x2x100xi32, #tpu.memory_space<vmem>> -> memref<1x1x100xi32, #tpu.memory_space<vmem>>
        %dma_start3A_174 = tpu.memref_squeeze %dma_start3A_173 : memref<1x1x100xi32, #tpu.memory_space<vmem>> -> memref<100xi32, #tpu.memory_space<vmem>>
        %dma_start3A_175 = arith.constant 0 : i32
        %dma_start3A_176 = arith.constant 0 : i32
        %dma_start3A_177 = tpu.memref_slice %arg3[%dma_start3A_175, %dma_start3A_176] : memref<100000x64xf32, #tpu.memory_space<hbm>> -> memref<100000x64xf32, #tpu.memory_space<hbm>>
        tpu.enqueue_indirect_dma source(%dma_start3A_177 : memref<100000x64xf32, #tpu.memory_space<hbm>>) target(%dma_start3A_171 : memref<100x64xf32, #tpu.memory_space<vmem>>) offsets(%dma_start3A_174 : memref<100xi32, #tpu.memory_space<vmem>>) semaphore(%arg13 : memref<!tpu.dma_semaphore, #tpu.memory_space<semaphore_mem>>)
        %dma_start3A_178 = arith.constant 1 : i32
        %dma_start3A_179 = arith.constant 1 : i32
        %dma_start3A_180 = arith.constant 0 : i32
        %dma_start3A_181 = arith.constant 0 : i32
        %dma_start3A_182 = tpu.memref_slice %arg9[%dma_start3A_179, %dma_start3A_180, %dma_start3A_181] : memref<2x100x64xf32, #tpu.memory_space<vmem>> -> memref<1x100x64xf32, #tpu.memory_space<vmem>>
        %dma_start3A_183 = tpu.memref_squeeze %dma_start3A_182 : memref<1x100x64xf32, #tpu.memory_space<vmem>> -> memref<100x64xf32, #tpu.memory_space<vmem>>
        %dma_start3A_184 = arith.constant 0 : i32
        %dma_start3A_185 = tpu.memref_slice %arg6[%add3A_165, %dma_start3A_178, %dma_start3A_184] : memref<64x2x100xi32, #tpu.memory_space<vmem>> -> memref<1x1x100xi32, #tpu.memory_space<vmem>>
        %dma_start3A_186 = tpu.memref_squeeze %dma_start3A_185 : memref<1x1x100xi32, #tpu.memory_space<vmem>> -> memref<100xi32, #tpu.memory_space<vmem>>
        %dma_start3A_187 = arith.constant 0 : i32
        %dma_start3A_188 = arith.constant 0 : i32
        %dma_start3A_189 = tpu.memref_slice %arg3[%dma_start3A_187, %dma_start3A_188] : memref<100000x64xf32, #tpu.memory_space<hbm>> -> memref<100000x64xf32, #tpu.memory_space<hbm>>
        tpu.enqueue_indirect_dma source(%dma_start3A_189 : memref<100000x64xf32, #tpu.memory_space<hbm>>) target(%dma_start3A_183 : memref<100x64xf32, #tpu.memory_space<vmem>>) offsets(%dma_start3A_186 : memref<100xi32, #tpu.memory_space<vmem>>) semaphore(%arg13 : memref<!tpu.dma_semaphore, #tpu.memory_space<semaphore_mem>>)
      } else {
      }
      %dma_wait3A_66 = arith.constant 0 : i32
      %dma_wait3A_67 = arith.constant 0 : i32
      %dma_wait3A_68 = arith.constant 0 : i32
      %dma_wait3A_69 = arith.constant 0 : i32
      %dma_wait3A_70 = tpu.memref_slice %arg8[%dma_wait3A_67, %dma_wait3A_68, %dma_wait3A_69] : memref<2x100x64xf32, #tpu.memory_space<vmem>> -> memref<1x100x64xf32, #tpu.memory_space<vmem>>
      %dma_wait3A_71 = tpu.memref_squeeze %dma_wait3A_70 : memref<1x100x64xf32, #tpu.memory_space<vmem>> -> memref<100x64xf32, #tpu.memory_space<vmem>>
      %dma_wait3A_72 = arith.constant 0 : i32
      %dma_wait3A_73 = tpu.memref_slice %arg6[%add3A_61, %dma_wait3A_66, %dma_wait3A_72] : memref<64x2x100xi32, #tpu.memory_space<vmem>> -> memref<1x1x100xi32, #tpu.memory_space<vmem>>
      %dma_wait3A_74 = tpu.memref_squeeze %dma_wait3A_73 : memref<1x1x100xi32, #tpu.memory_space<vmem>> -> memref<100xi32, #tpu.memory_space<vmem>>
      %dma_wait3A_75 = arith.constant 0 : i32
      %dma_wait3A_76 = arith.constant 0 : i32
      %dma_wait3A_77 = tpu.memref_slice %arg3[%dma_wait3A_75, %dma_wait3A_76] : memref<100000x64xf32, #tpu.memory_space<hbm>> -> memref<100000x64xf32, #tpu.memory_space<hbm>>
      tpu.wait_indirect_dma semaphore(%arg12 : memref<!tpu.dma_semaphore, #tpu.memory_space<semaphore_mem>>) src(%dma_wait3A_77 : memref<100000x64xf32, #tpu.memory_space<hbm>>) dst(%dma_wait3A_71 : memref<100x64xf32, #tpu.memory_space<vmem>>)
      %dma_wait3A_78 = arith.constant 1 : i32
      %dma_wait3A_79 = arith.constant 1 : i32
      %dma_wait3A_80 = arith.constant 0 : i32
      %dma_wait3A_81 = arith.constant 0 : i32
      %dma_wait3A_82 = tpu.memref_slice %arg8[%dma_wait3A_79, %dma_wait3A_80, %dma_wait3A_81] : memref<2x100x64xf32, #tpu.memory_space<vmem>> -> memref<1x100x64xf32, #tpu.memory_space<vmem>>
      %dma_wait3A_83 = tpu.memref_squeeze %dma_wait3A_82 : memref<1x100x64xf32, #tpu.memory_space<vmem>> -> memref<100x64xf32, #tpu.memory_space<vmem>>
      %dma_wait3A_84 = arith.constant 0 : i32
      %dma_wait3A_85 = tpu.memref_slice %arg6[%add3A_61, %dma_wait3A_78, %dma_wait3A_84] : memref<64x2x100xi32, #tpu.memory_space<vmem>> -> memref<1x1x100xi32, #tpu.memory_space<vmem>>
      %dma_wait3A_86 = tpu.memref_squeeze %dma_wait3A_85 : memref<1x1x100xi32, #tpu.memory_space<vmem>> -> memref<100xi32, #tpu.memory_space<vmem>>
      %dma_wait3A_87 = arith.constant 0 : i32
      %dma_wait3A_88 = arith.constant 0 : i32
      %dma_wait3A_89 = tpu.memref_slice %arg3[%dma_wait3A_87, %dma_wait3A_88] : memref<100000x64xf32, #tpu.memory_space<hbm>> -> memref<100000x64xf32, #tpu.memory_space<hbm>>
      tpu.wait_indirect_dma semaphore(%arg12 : memref<!tpu.dma_semaphore, #tpu.memory_space<semaphore_mem>>) src(%dma_wait3A_89 : memref<100000x64xf32, #tpu.memory_space<hbm>>) dst(%dma_wait3A_83 : memref<100x64xf32, #tpu.memory_space<vmem>>)
      %ge3A = arith.constant 2 : i32
      %ge3A_90 = arith.cmpi sge, %add3A_61, %ge3A : i32
      %convert_element_type3A_91 = arith.extui %ge3A_90 : i1 to i32
      %cond3A_92 = arith.constant 0 : i32
      %cond3A_93 = arith.cmpi ne, %convert_element_type3A_91, %cond3A_92 : i32
      scf.if %cond3A_93 {
        %sub3A = arith.constant 2 : i32
        %sub3A_164 = arith.subi %add3A_61, %sub3A : i32
        %add3A_165 = arith.addi %mul3A_2, %sub3A_164 : i32
        %dma_wait3A_166 = arith.constant 0 : i32
        %dma_wait3A_167 = arith.constant 0 : i32
        %dma_wait3A_168 = arith.constant 0 : i32
        %dma_wait3A_169 = tpu.memref_slice %arg5[%add3A_165, %dma_wait3A_166, %dma_wait3A_167, %dma_wait3A_168] : memref<2048x2x56x128xf32, #tpu.memory_space<hbm>> -> memref<1x2x50x128xf32, #tpu.memory_space<hbm>>
        %dma_wait3A_170 = tpu.memref_squeeze %dma_wait3A_169 : memref<1x2x50x128xf32, #tpu.memory_space<hbm>> -> memref<2x50x128xf32, #tpu.memory_space<hbm>>
        %dma_wait3A_171 = arith.constant 0 : i32
        %dma_wait3A_172 = arith.constant 0 : i32
        %dma_wait3A_173 = arith.constant 0 : i32
        %dma_wait3A_174 = tpu.memref_slice %arg5[%add3A_165, %dma_wait3A_171, %dma_wait3A_172, %dma_wait3A_173] : memref<2048x2x56x128xf32, #tpu.memory_space<hbm>> -> memref<1x2x50x128xf32, #tpu.memory_space<hbm>>
        %dma_wait3A_175 = tpu.memref_squeeze %dma_wait3A_174 : memref<1x2x50x128xf32, #tpu.memory_space<hbm>> -> memref<2x50x128xf32, #tpu.memory_space<hbm>>
        tpu.wait_dma2 semaphore(%arg14 : memref<!tpu.dma_semaphore, #tpu.memory_space<semaphore_mem>>) src(%arg10 : memref<2x50x128xf32, #tpu.memory_space<vmem>>) dst(%dma_wait3A_175 : memref<2x50x128xf32, #tpu.memory_space<hbm>>)
      } else {
      }
      %scan3A_94 = arith.constant 0 : i32
      %scan3A_95 = arith.constant 50 : i32
      %scan3A_96 = arith.addi %scan3A_94, %scan3A_95 : i32
      %scan3A_97 = arith.constant 1 : i32
      scf.for %scan3A_164 = %scan3A_94 to %scan3A_96 step %scan3A_97  : i32 {
        %mul3A_165 = arith.constant 1 : i32
        %mul3A_166 = arith.muli %scan3A_164, %mul3A_165 : i32
        %add3A_167 = arith.constant 0 : i32
        %add3A_168 = arith.addi %add3A_167, %mul3A_166 : i32
        %mul3A_169 = arith.constant 2 : i32
        %mul3A_170 = arith.muli %mul3A_169, %add3A_168 : i32
        %add3A_171 = arith.constant 0 : i32
        %add3A_172 = arith.addi %mul3A_170, %add3A_171 : i32
        %get3A = arith.constant 0 : i32
        %get3A_173 = arith.index_cast %get3A : i32 to index
        %get3A_174 = arith.index_cast %add3A_172 : i32 to index
        %get3A_175 = arith.constant 0 : index
        %get3A_176 = tpu.vector_load %arg8[%get3A_173, %get3A_174, %get3A_175] {strides = array<i32>} : memref<2x100x64xf32, #tpu.memory_space<vmem>>, vector<1x1x16xf32>,
        %get3A_177 = vector.shape_cast %get3A_176 : vector<1x1x16xf32> to vector<16xf32>
        %mul3A_178 = arith.constant 2 : i32
        %mul3A_179 = arith.muli %mul3A_178, %add3A_168 : i32
        %add3A_180 = arith.constant 0 : i32
        %add3A_181 = arith.addi %mul3A_179, %add3A_180 : i32
        %get3A_182 = arith.constant 0 : i32
        %get3A_183 = arith.index_cast %get3A_182 : i32 to index
        %get3A_184 = arith.index_cast %add3A_181 : i32 to index
        %get3A_185 = arith.constant 0 : index
        %get3A_186 = tpu.vector_load %arg7[%get3A_183, %get3A_184, %get3A_185] {strides = array<i32>} : memref<2x100x64xf32, #tpu.memory_space<vmem>>, vector<1x1x16xf32>,
        %get3A_187 = vector.shape_cast %get3A_186 : vector<1x1x16xf32> to vector<16xf32>
        %add3A_188 = arith.addf %get3A_177, %get3A_187 : vector<16xf32>
        %swap3A = arith.constant 0 : i32
        %swap3A_189 = arith.index_cast %swap3A : i32 to index
        %swap3A_190 = arith.index_cast %add3A_168 : i32 to index
        %swap3A_191 = arith.constant 0 : index
        %swap3A_192 = tpu.vector_load %arg10[%swap3A_189, %swap3A_190, %swap3A_191] {strides = array<i32>} : memref<2x50x128xf32, #tpu.memory_space<vmem>>, vector<1x1x16xf32>,
        %swap3A_193 = vector.shape_cast %swap3A_192 : vector<1x1x16xf32> to vector<16xf32>
        %swap3A_194 = vector.shape_cast %add3A_188 : vector<16xf32> to vector<1x1x16xf32>
        tpu.vector_store %arg10[%swap3A_189, %swap3A_190, %swap3A_191], %swap3A_194 {strides = array<i32>} : memref<2x50x128xf32, #tpu.memory_space<vmem>>, vector<1x1x16xf32>,
        %mul3A_195 = arith.constant 2 : i32
        %mul3A_196 = arith.muli %mul3A_195, %add3A_168 : i32
        %add3A_197 = arith.constant 0 : i32
        %add3A_198 = arith.addi %mul3A_196, %add3A_197 : i32
        %get3A_199 = arith.constant 0 : i32
        %get3A_200 = arith.index_cast %get3A_199 : i32 to index
        %get3A_201 = arith.index_cast %add3A_198 : i32 to index
        %get3A_202 = arith.constant 16 : index
        %get3A_203 = tpu.vector_load %arg8[%get3A_200, %get3A_201, %get3A_202] {strides = array<i32>} : memref<2x100x64xf32, #tpu.memory_space<vmem>>, vector<1x1x16xf32>,
        %get3A_204 = vector.shape_cast %get3A_203 : vector<1x1x16xf32> to vector<16xf32>
        %mul3A_205 = arith.constant 2 : i32
        %mul3A_206 = arith.muli %mul3A_205, %add3A_168 : i32
        %add3A_207 = arith.constant 0 : i32
        %add3A_208 = arith.addi %mul3A_206, %add3A_207 : i32
        %get3A_209 = arith.constant 0 : i32
        %get3A_210 = arith.index_cast %get3A_209 : i32 to index
        %get3A_211 = arith.index_cast %add3A_208 : i32 to index
        %get3A_212 = arith.constant 16 : index
        %get3A_213 = tpu.vector_load %arg7[%get3A_210, %get3A_211, %get3A_212] {strides = array<i32>} : memref<2x100x64xf32, #tpu.memory_space<vmem>>, vector<1x1x16xf32>,
        %get3A_214 = vector.shape_cast %get3A_213 : vector<1x1x16xf32> to vector<16xf32>
        %add3A_215 = arith.addf %get3A_204, %get3A_214 : vector<16xf32>
        %swap3A_216 = arith.constant 0 : i32
        %swap3A_217 = arith.index_cast %swap3A_216 : i32 to index
        %swap3A_218 = arith.index_cast %add3A_168 : i32 to index
        %swap3A_219 = arith.constant 16 : index
        %swap3A_220 = tpu.vector_load %arg10[%swap3A_217, %swap3A_218, %swap3A_219] {strides = array<i32>} : memref<2x50x128xf32, #tpu.memory_space<vmem>>, vector<1x1x16xf32>,
        %swap3A_221 = vector.shape_cast %swap3A_220 : vector<1x1x16xf32> to vector<16xf32>
        %swap3A_222 = vector.shape_cast %add3A_215 : vector<16xf32> to vector<1x1x16xf32>
        tpu.vector_store %arg10[%swap3A_217, %swap3A_218, %swap3A_219], %swap3A_222 {strides = array<i32>} : memref<2x50x128xf32, #tpu.memory_space<vmem>>, vector<1x1x16xf32>,
        %mul3A_223 = arith.constant 2 : i32
        %mul3A_224 = arith.muli %mul3A_223, %add3A_168 : i32
        %add3A_225 = arith.constant 0 : i32
        %add3A_226 = arith.addi %mul3A_224, %add3A_225 : i32
        %get3A_227 = arith.constant 0 : i32
        %get3A_228 = arith.index_cast %get3A_227 : i32 to index
        %get3A_229 = arith.index_cast %add3A_226 : i32 to index
        %get3A_230 = arith.constant 32 : index
        %get3A_231 = tpu.vector_load %arg8[%get3A_228, %get3A_229, %get3A_230] {strides = array<i32>} : memref<2x100x64xf32, #tpu.memory_space<vmem>>, vector<1x1x16xf32>,
        %get3A_232 = vector.shape_cast %get3A_231 : vector<1x1x16xf32> to vector<16xf32>
        %mul3A_233 = arith.constant 2 : i32
        %mul3A_234 = arith.muli %mul3A_233, %add3A_168 : i32
        %add3A_235 = arith.constant 0 : i32
        %add3A_236 = arith.addi %mul3A_234, %add3A_235 : i32
        %get3A_237 = arith.constant 0 : i32
        %get3A_238 = arith.index_cast %get3A_237 : i32 to index
        %get3A_239 = arith.index_cast %add3A_236 : i32 to index
        %get3A_240 = arith.constant 32 : index
        %get3A_241 = tpu.vector_load %arg7[%get3A_238, %get3A_239, %get3A_240] {strides = array<i32>} : memref<2x100x64xf32, #tpu.memory_space<vmem>>, vector<1x1x16xf32>,
        %get3A_242 = vector.shape_cast %get3A_241 : vector<1x1x16xf32> to vector<16xf32>
        %add3A_243 = arith.addf %get3A_232, %get3A_242 : vector<16xf32>
        %swap3A_244 = arith.constant 0 : i32
        %swap3A_245 = arith.index_cast %swap3A_244 : i32 to index
        %swap3A_246 = arith.index_cast %add3A_168 : i32 to index
        %swap3A_247 = arith.constant 32 : index
        %swap3A_248 = tpu.vector_load %arg10[%swap3A_245, %swap3A_246, %swap3A_247] {strides = array<i32>} : memref<2x50x128xf32, #tpu.memory_space<vmem>>, vector<1x1x16xf32>,
        %swap3A_249 = vector.shape_cast %swap3A_248 : vector<1x1x16xf32> to vector<16xf32>
        %swap3A_250 = vector.shape_cast %add3A_243 : vector<16xf32> to vector<1x1x16xf32>
        tpu.vector_store %arg10[%swap3A_245, %swap3A_246, %swap3A_247], %swap3A_250 {strides = array<i32>} : memref<2x50x128xf32, #tpu.memory_space<vmem>>, vector<1x1x16xf32>,
        %mul3A_251 = arith.constant 2 : i32
        %mul3A_252 = arith.muli %mul3A_251, %add3A_168 : i32
        %add3A_253 = arith.constant 0 : i32
        %add3A_254 = arith.addi %mul3A_252, %add3A_253 : i32
        %get3A_255 = arith.constant 0 : i32
        %get3A_256 = arith.index_cast %get3A_255 : i32 to index
        %get3A_257 = arith.index_cast %add3A_254 : i32 to index
        %get3A_258 = arith.constant 48 : index
        %get3A_259 = tpu.vector_load %arg8[%get3A_256, %get3A_257, %get3A_258] {strides = array<i32>} : memref<2x100x64xf32, #tpu.memory_space<vmem>>, vector<1x1x16xf32>,
        %get3A_260 = vector.shape_cast %get3A_259 : vector<1x1x16xf32> to vector<16xf32>
        %mul3A_261 = arith.constant 2 : i32
        %mul3A_262 = arith.muli %mul3A_261, %add3A_168 : i32
        %add3A_263 = arith.constant 0 : i32
        %add3A_264 = arith.addi %mul3A_262, %add3A_263 : i32
        %get3A_265 = arith.constant 0 : i32
        %get3A_266 = arith.index_cast %get3A_265 : i32 to index
        %get3A_267 = arith.index_cast %add3A_264 : i32 to index
        %get3A_268 = arith.constant 48 : index
        %get3A_269 = tpu.vector_load %arg7[%get3A_266, %get3A_267, %get3A_268] {strides = array<i32>} : memref<2x100x64xf32, #tpu.memory_space<vmem>>, vector<1x1x16xf32>,
        %get3A_270 = vector.shape_cast %get3A_269 : vector<1x1x16xf32> to vector<16xf32>
        %add3A_271 = arith.addf %get3A_260, %get3A_270 : vector<16xf32>
        %swap3A_272 = arith.constant 0 : i32
        %swap3A_273 = arith.index_cast %swap3A_272 : i32 to index
        %swap3A_274 = arith.index_cast %add3A_168 : i32 to index
        %swap3A_275 = arith.constant 48 : index
        %swap3A_276 = tpu.vector_load %arg10[%swap3A_273, %swap3A_274, %swap3A_275] {strides = array<i32>} : memref<2x50x128xf32, #tpu.memory_space<vmem>>, vector<1x1x16xf32>,
        %swap3A_277 = vector.shape_cast %swap3A_276 : vector<1x1x16xf32> to vector<16xf32>
        %swap3A_278 = vector.shape_cast %add3A_271 : vector<16xf32> to vector<1x1x16xf32>
        tpu.vector_store %arg10[%swap3A_273, %swap3A_274, %swap3A_275], %swap3A_278 {strides = array<i32>} : memref<2x50x128xf32, #tpu.memory_space<vmem>>, vector<1x1x16xf32>,
        %mul3A_279 = arith.constant 2 : i32
        %mul3A_280 = arith.muli %mul3A_279, %add3A_168 : i32
        %add3A_281 = arith.constant 1 : i32
        %add3A_282 = arith.addi %mul3A_280, %add3A_281 : i32
        %get3A_283 = arith.constant 0 : i32
        %get3A_284 = arith.index_cast %get3A_283 : i32 to index
        %get3A_285 = arith.index_cast %add3A_282 : i32 to index
        %get3A_286 = arith.constant 0 : index
        %get3A_287 = tpu.vector_load %arg8[%get3A_284, %get3A_285, %get3A_286] {strides = array<i32>} : memref<2x100x64xf32, #tpu.memory_space<vmem>>, vector<1x1x16xf32>,
        %get3A_288 = vector.shape_cast %get3A_287 : vector<1x1x16xf32> to vector<16xf32>
        %mul3A_289 = arith.constant 2 : i32
        %mul3A_290 = arith.muli %mul3A_289, %add3A_168 : i32
        %add3A_291 = arith.constant 1 : i32
        %add3A_292 = arith.addi %mul3A_290, %add3A_291 : i32
        %get3A_293 = arith.constant 0 : i32
        %get3A_294 = arith.index_cast %get3A_293 : i32 to index
        %get3A_295 = arith.index_cast %add3A_292 : i32 to index
        %get3A_296 = arith.constant 0 : index
        %get3A_297 = tpu.vector_load %arg7[%get3A_294, %get3A_295, %get3A_296] {strides = array<i32>} : memref<2x100x64xf32, #tpu.memory_space<vmem>>, vector<1x1x16xf32>,
        %get3A_298 = vector.shape_cast %get3A_297 : vector<1x1x16xf32> to vector<16xf32>
        %add3A_299 = arith.addf %get3A_288, %get3A_298 : vector<16xf32>
        %swap3A_300 = arith.constant 0 : i32
        %swap3A_301 = arith.index_cast %swap3A_300 : i32 to index
        %swap3A_302 = arith.index_cast %add3A_168 : i32 to index
        %swap3A_303 = arith.constant 64 : index
        %swap3A_304 = tpu.vector_load %arg10[%swap3A_301, %swap3A_302, %swap3A_303] {strides = array<i32>} : memref<2x50x128xf32, #tpu.memory_space<vmem>>, vector<1x1x16xf32>,
        %swap3A_305 = vector.shape_cast %swap3A_304 : vector<1x1x16xf32> to vector<16xf32>
        %swap3A_306 = vector.shape_cast %add3A_299 : vector<16xf32> to vector<1x1x16xf32>
        tpu.vector_store %arg10[%swap3A_301, %swap3A_302, %swap3A_303], %swap3A_306 {strides = array<i32>} : memref<2x50x128xf32, #tpu.memory_space<vmem>>, vector<1x1x16xf32>,
        %mul3A_307 = arith.constant 2 : i32
        %mul3A_308 = arith.muli %mul3A_307, %add3A_168 : i32
        %add3A_309 = arith.constant 1 : i32
        %add3A_310 = arith.addi %mul3A_308, %add3A_309 : i32
        %get3A_311 = arith.constant 0 : i32
        %get3A_312 = arith.index_cast %get3A_311 : i32 to index
        %get3A_313 = arith.index_cast %add3A_310 : i32 to index
        %get3A_314 = arith.constant 16 : index
        %get3A_315 = tpu.vector_load %arg8[%get3A_312, %get3A_313, %get3A_314] {strides = array<i32>} : memref<2x100x64xf32, #tpu.memory_space<vmem>>, vector<1x1x16xf32>,
        %get3A_316 = vector.shape_cast %get3A_315 : vector<1x1x16xf32> to vector<16xf32>
        %mul3A_317 = arith.constant 2 : i32
        %mul3A_318 = arith.muli %mul3A_317, %add3A_168 : i32
        %add3A_319 = arith.constant 1 : i32
        %add3A_320 = arith.addi %mul3A_318, %add3A_319 : i32
        %get3A_321 = arith.constant 0 : i32
        %get3A_322 = arith.index_cast %get3A_321 : i32 to index
        %get3A_323 = arith.index_cast %add3A_320 : i32 to index
        %get3A_324 = arith.constant 16 : index
        %get3A_325 = tpu.vector_load %arg7[%get3A_322, %get3A_323, %get3A_324] {strides = array<i32>} : memref<2x100x64xf32, #tpu.memory_space<vmem>>, vector<1x1x16xf32>,
        %get3A_326 = vector.shape_cast %get3A_325 : vector<1x1x16xf32> to vector<16xf32>
        %add3A_327 = arith.addf %get3A_316, %get3A_326 : vector<16xf32>
        %swap3A_328 = arith.constant 0 : i32
        %swap3A_329 = arith.index_cast %swap3A_328 : i32 to index
        %swap3A_330 = arith.index_cast %add3A_168 : i32 to index
        %swap3A_331 = arith.constant 80 : index
        %swap3A_332 = tpu.vector_load %arg10[%swap3A_329, %swap3A_330, %swap3A_331] {strides = array<i32>} : memref<2x50x128xf32, #tpu.memory_space<vmem>>, vector<1x1x16xf32>,
        %swap3A_333 = vector.shape_cast %swap3A_332 : vector<1x1x16xf32> to vector<16xf32>
        %swap3A_334 = vector.shape_cast %add3A_327 : vector<16xf32> to vector<1x1x16xf32>
        tpu.vector_store %arg10[%swap3A_329, %swap3A_330, %swap3A_331], %swap3A_334 {strides = array<i32>} : memref<2x50x128xf32, #tpu.memory_space<vmem>>, vector<1x1x16xf32>,
        %mul3A_335 = arith.constant 2 : i32
        %mul3A_336 = arith.muli %mul3A_335, %add3A_168 : i32
        %add3A_337 = arith.constant 1 : i32
        %add3A_338 = arith.addi %mul3A_336, %add3A_337 : i32
        %get3A_339 = arith.constant 0 : i32
        %get3A_340 = arith.index_cast %get3A_339 : i32 to index
        %get3A_341 = arith.index_cast %add3A_338 : i32 to index
        %get3A_342 = arith.constant 32 : index
        %get3A_343 = tpu.vector_load %arg8[%get3A_340, %get3A_341, %get3A_342] {strides = array<i32>} : memref<2x100x64xf32, #tpu.memory_space<vmem>>, vector<1x1x16xf32>,
        %get3A_344 = vector.shape_cast %get3A_343 : vector<1x1x16xf32> to vector<16xf32>
        %mul3A_345 = arith.constant 2 : i32
        %mul3A_346 = arith.muli %mul3A_345, %add3A_168 : i32
        %add3A_347 = arith.constant 1 : i32
        %add3A_348 = arith.addi %mul3A_346, %add3A_347 : i32
        %get3A_349 = arith.constant 0 : i32
        %get3A_350 = arith.index_cast %get3A_349 : i32 to index
        %get3A_351 = arith.index_cast %add3A_348 : i32 to index
        %get3A_352 = arith.constant 32 : index
        %get3A_353 = tpu.vector_load %arg7[%get3A_350, %get3A_351, %get3A_352] {strides = array<i32>} : memref<2x100x64xf32, #tpu.memory_space<vmem>>, vector<1x1x16xf32>,
        %get3A_354 = vector.shape_cast %get3A_353 : vector<1x1x16xf32> to vector<16xf32>
        %add3A_355 = arith.addf %get3A_344, %get3A_354 : vector<16xf32>
        %swap3A_356 = arith.constant 0 : i32
        %swap3A_357 = arith.index_cast %swap3A_356 : i32 to index
        %swap3A_358 = arith.index_cast %add3A_168 : i32 to index
        %swap3A_359 = arith.constant 96 : index
        %swap3A_360 = tpu.vector_load %arg10[%swap3A_357, %swap3A_358, %swap3A_359] {strides = array<i32>} : memref<2x50x128xf32, #tpu.memory_space<vmem>>, vector<1x1x16xf32>,
        %swap3A_361 = vector.shape_cast %swap3A_360 : vector<1x1x16xf32> to vector<16xf32>
        %swap3A_362 = vector.shape_cast %add3A_355 : vector<16xf32> to vector<1x1x16xf32>
        tpu.vector_store %arg10[%swap3A_357, %swap3A_358, %swap3A_359], %swap3A_362 {strides = array<i32>} : memref<2x50x128xf32, #tpu.memory_space<vmem>>, vector<1x1x16xf32>,
        %mul3A_363 = arith.constant 2 : i32
        %mul3A_364 = arith.muli %mul3A_363, %add3A_168 : i32
        %add3A_365 = arith.constant 1 : i32
        %add3A_366 = arith.addi %mul3A_364, %add3A_365 : i32
        %get3A_367 = arith.constant 0 : i32
        %get3A_368 = arith.index_cast %get3A_367 : i32 to index
        %get3A_369 = arith.index_cast %add3A_366 : i32 to index
        %get3A_370 = arith.constant 48 : index
        %get3A_371 = tpu.vector_load %arg8[%get3A_368, %get3A_369, %get3A_370] {strides = array<i32>} : memref<2x100x64xf32, #tpu.memory_space<vmem>>, vector<1x1x16xf32>,
        %get3A_372 = vector.shape_cast %get3A_371 : vector<1x1x16xf32> to vector<16xf32>
        %mul3A_373 = arith.constant 2 : i32
        %mul3A_374 = arith.muli %mul3A_373, %add3A_168 : i32
        %add3A_375 = arith.constant 1 : i32
        %add3A_376 = arith.addi %mul3A_374, %add3A_375 : i32
        %get3A_377 = arith.constant 0 : i32
        %get3A_378 = arith.index_cast %get3A_377 : i32 to index
        %get3A_379 = arith.index_cast %add3A_376 : i32 to index
        %get3A_380 = arith.constant 48 : index
        %get3A_381 = tpu.vector_load %arg7[%get3A_378, %get3A_379, %get3A_380] {strides = array<i32>} : memref<2x100x64xf32, #tpu.memory_space<vmem>>, vector<1x1x16xf32>,
        %get3A_382 = vector.shape_cast %get3A_381 : vector<1x1x16xf32> to vector<16xf32>
        %add3A_383 = arith.addf %get3A_372, %get3A_382 : vector<16xf32>
        %swap3A_384 = arith.constant 0 : i32
        %swap3A_385 = arith.index_cast %swap3A_384 : i32 to index
        %swap3A_386 = arith.index_cast %add3A_168 : i32 to index
        %swap3A_387 = arith.constant 112 : index
        %swap3A_388 = tpu.vector_load %arg10[%swap3A_385, %swap3A_386, %swap3A_387] {strides = array<i32>} : memref<2x50x128xf32, #tpu.memory_space<vmem>>, vector<1x1x16xf32>,
        %swap3A_389 = vector.shape_cast %swap3A_388 : vector<1x1x16xf32> to vector<16xf32>
        %swap3A_390 = vector.shape_cast %add3A_383 : vector<16xf32> to vector<1x1x16xf32>
        tpu.vector_store %arg10[%swap3A_385, %swap3A_386, %swap3A_387], %swap3A_390 {strides = array<i32>} : memref<2x50x128xf32, #tpu.memory_space<vmem>>, vector<1x1x16xf32>,
        %mul3A_391 = arith.constant 2 : i32
        %mul3A_392 = arith.muli %mul3A_391, %add3A_168 : i32
        %add3A_393 = arith.constant 0 : i32
        %add3A_394 = arith.addi %mul3A_392, %add3A_393 : i32
        %get3A_395 = arith.constant 1 : i32
        %get3A_396 = arith.index_cast %get3A_395 : i32 to index
        %get3A_397 = arith.index_cast %add3A_394 : i32 to index
        %get3A_398 = arith.constant 0 : index
        %get3A_399 = tpu.vector_load %arg8[%get3A_396, %get3A_397, %get3A_398] {strides = array<i32>} : memref<2x100x64xf32, #tpu.memory_space<vmem>>, vector<1x1x16xf32>,
        %get3A_400 = vector.shape_cast %get3A_399 : vector<1x1x16xf32> to vector<16xf32>
        %mul3A_401 = arith.constant 2 : i32
        %mul3A_402 = arith.muli %mul3A_401, %add3A_168 : i32
        %add3A_403 = arith.constant 0 : i32
        %add3A_404 = arith.addi %mul3A_402, %add3A_403 : i32
        %get3A_405 = arith.constant 1 : i32
        %get3A_406 = arith.index_cast %get3A_405 : i32 to index
        %get3A_407 = arith.index_cast %add3A_404 : i32 to index
        %get3A_408 = arith.constant 0 : index
        %get3A_409 = tpu.vector_load %arg7[%get3A_406, %get3A_407, %get3A_408] {strides = array<i32>} : memref<2x100x64xf32, #tpu.memory_space<vmem>>, vector<1x1x16xf32>,
        %get3A_410 = vector.shape_cast %get3A_409 : vector<1x1x16xf32> to vector<16xf32>
        %add3A_411 = arith.addf %get3A_400, %get3A_410 : vector<16xf32>
        %swap3A_412 = arith.constant 1 : i32
        %swap3A_413 = arith.index_cast %swap3A_412 : i32 to index
        %swap3A_414 = arith.index_cast %add3A_168 : i32 to index
        %swap3A_415 = arith.constant 0 : index
        %swap3A_416 = tpu.vector_load %arg10[%swap3A_413, %swap3A_414, %swap3A_415] {strides = array<i32>} : memref<2x50x128xf32, #tpu.memory_space<vmem>>, vector<1x1x16xf32>,
        %swap3A_417 = vector.shape_cast %swap3A_416 : vector<1x1x16xf32> to vector<16xf32>
        %swap3A_418 = vector.shape_cast %add3A_411 : vector<16xf32> to vector<1x1x16xf32>
        tpu.vector_store %arg10[%swap3A_413, %swap3A_414, %swap3A_415], %swap3A_418 {strides = array<i32>} : memref<2x50x128xf32, #tpu.memory_space<vmem>>, vector<1x1x16xf32>,
        %mul3A_419 = arith.constant 2 : i32
        %mul3A_420 = arith.muli %mul3A_419, %add3A_168 : i32
        %add3A_421 = arith.constant 0 : i32
        %add3A_422 = arith.addi %mul3A_420, %add3A_421 : i32
        %get3A_423 = arith.constant 1 : i32
        %get3A_424 = arith.index_cast %get3A_423 : i32 to index
        %get3A_425 = arith.index_cast %add3A_422 : i32 to index
        %get3A_426 = arith.constant 16 : index
        %get3A_427 = tpu.vector_load %arg8[%get3A_424, %get3A_425, %get3A_426] {strides = array<i32>} : memref<2x100x64xf32, #tpu.memory_space<vmem>>, vector<1x1x16xf32>,
        %get3A_428 = vector.shape_cast %get3A_427 : vector<1x1x16xf32> to vector<16xf32>
        %mul3A_429 = arith.constant 2 : i32
        %mul3A_430 = arith.muli %mul3A_429, %add3A_168 : i32
        %add3A_431 = arith.constant 0 : i32
        %add3A_432 = arith.addi %mul3A_430, %add3A_431 : i32
        %get3A_433 = arith.constant 1 : i32
        %get3A_434 = arith.index_cast %get3A_433 : i32 to index
        %get3A_435 = arith.index_cast %add3A_432 : i32 to index
        %get3A_436 = arith.constant 16 : index
        %get3A_437 = tpu.vector_load %arg7[%get3A_434, %get3A_435, %get3A_436] {strides = array<i32>} : memref<2x100x64xf32, #tpu.memory_space<vmem>>, vector<1x1x16xf32>,
        %get3A_438 = vector.shape_cast %get3A_437 : vector<1x1x16xf32> to vector<16xf32>
        %add3A_439 = arith.addf %get3A_428, %get3A_438 : vector<16xf32>
        %swap3A_440 = arith.constant 1 : i32
        %swap3A_441 = arith.index_cast %swap3A_440 : i32 to index
        %swap3A_442 = arith.index_cast %add3A_168 : i32 to index
        %swap3A_443 = arith.constant 16 : index
        %swap3A_444 = tpu.vector_load %arg10[%swap3A_441, %swap3A_442, %swap3A_443] {strides = array<i32>} : memref<2x50x128xf32, #tpu.memory_space<vmem>>, vector<1x1x16xf32>,
        %swap3A_445 = vector.shape_cast %swap3A_444 : vector<1x1x16xf32> to vector<16xf32>
        %swap3A_446 = vector.shape_cast %add3A_439 : vector<16xf32> to vector<1x1x16xf32>
        tpu.vector_store %arg10[%swap3A_441, %swap3A_442, %swap3A_443], %swap3A_446 {strides = array<i32>} : memref<2x50x128xf32, #tpu.memory_space<vmem>>, vector<1x1x16xf32>,
        %mul3A_447 = arith.constant 2 : i32
        %mul3A_448 = arith.muli %mul3A_447, %add3A_168 : i32
        %add3A_449 = arith.constant 0 : i32
        %add3A_450 = arith.addi %mul3A_448, %add3A_449 : i32
        %get3A_451 = arith.constant 1 : i32
        %get3A_452 = arith.index_cast %get3A_451 : i32 to index
        %get3A_453 = arith.index_cast %add3A_450 : i32 to index
        %get3A_454 = arith.constant 32 : index
        %get3A_455 = tpu.vector_load %arg8[%get3A_452, %get3A_453, %get3A_454] {strides = array<i32>} : memref<2x100x64xf32, #tpu.memory_space<vmem>>, vector<1x1x16xf32>,
        %get3A_456 = vector.shape_cast %get3A_455 : vector<1x1x16xf32> to vector<16xf32>
        %mul3A_457 = arith.constant 2 : i32
        %mul3A_458 = arith.muli %mul3A_457, %add3A_168 : i32
        %add3A_459 = arith.constant 0 : i32
        %add3A_460 = arith.addi %mul3A_458, %add3A_459 : i32
        %get3A_461 = arith.constant 1 : i32
        %get3A_462 = arith.index_cast %get3A_461 : i32 to index
        %get3A_463 = arith.index_cast %add3A_460 : i32 to index
        %get3A_464 = arith.constant 32 : index
        %get3A_465 = tpu.vector_load %arg7[%get3A_462, %get3A_463, %get3A_464] {strides = array<i32>} : memref<2x100x64xf32, #tpu.memory_space<vmem>>, vector<1x1x16xf32>,
        %get3A_466 = vector.shape_cast %get3A_465 : vector<1x1x16xf32> to vector<16xf32>
        %add3A_467 = arith.addf %get3A_456, %get3A_466 : vector<16xf32>
        %swap3A_468 = arith.constant 1 : i32
        %swap3A_469 = arith.index_cast %swap3A_468 : i32 to index
        %swap3A_470 = arith.index_cast %add3A_168 : i32 to index
        %swap3A_471 = arith.constant 32 : index
        %swap3A_472 = tpu.vector_load %arg10[%swap3A_469, %swap3A_470, %swap3A_471] {strides = array<i32>} : memref<2x50x128xf32, #tpu.memory_space<vmem>>, vector<1x1x16xf32>,
        %swap3A_473 = vector.shape_cast %swap3A_472 : vector<1x1x16xf32> to vector<16xf32>
        %swap3A_474 = vector.shape_cast %add3A_467 : vector<16xf32> to vector<1x1x16xf32>
        tpu.vector_store %arg10[%swap3A_469, %swap3A_470, %swap3A_471], %swap3A_474 {strides = array<i32>} : memref<2x50x128xf32, #tpu.memory_space<vmem>>, vector<1x1x16xf32>,
        %mul3A_475 = arith.constant 2 : i32
        %mul3A_476 = arith.muli %mul3A_475, %add3A_168 : i32
        %add3A_477 = arith.constant 0 : i32
        %add3A_478 = arith.addi %mul3A_476, %add3A_477 : i32
        %get3A_479 = arith.constant 1 : i32
        %get3A_480 = arith.index_cast %get3A_479 : i32 to index
        %get3A_481 = arith.index_cast %add3A_478 : i32 to index
        %get3A_482 = arith.constant 48 : index
        %get3A_483 = tpu.vector_load %arg8[%get3A_480, %get3A_481, %get3A_482] {strides = array<i32>} : memref<2x100x64xf32, #tpu.memory_space<vmem>>, vector<1x1x16xf32>,
        %get3A_484 = vector.shape_cast %get3A_483 : vector<1x1x16xf32> to vector<16xf32>
        %mul3A_485 = arith.constant 2 : i32
        %mul3A_486 = arith.muli %mul3A_485, %add3A_168 : i32
        %add3A_487 = arith.constant 0 : i32
        %add3A_488 = arith.addi %mul3A_486, %add3A_487 : i32
        %get3A_489 = arith.constant 1 : i32
        %get3A_490 = arith.index_cast %get3A_489 : i32 to index
        %get3A_491 = arith.index_cast %add3A_488 : i32 to index
        %get3A_492 = arith.constant 48 : index
        %get3A_493 = tpu.vector_load %arg7[%get3A_490, %get3A_491, %get3A_492] {strides = array<i32>} : memref<2x100x64xf32, #tpu.memory_space<vmem>>, vector<1x1x16xf32>,
        %get3A_494 = vector.shape_cast %get3A_493 : vector<1x1x16xf32> to vector<16xf32>
        %add3A_495 = arith.addf %get3A_484, %get3A_494 : vector<16xf32>
        %swap3A_496 = arith.constant 1 : i32
        %swap3A_497 = arith.index_cast %swap3A_496 : i32 to index
        %swap3A_498 = arith.index_cast %add3A_168 : i32 to index
        %swap3A_499 = arith.constant 48 : index
        %swap3A_500 = tpu.vector_load %arg10[%swap3A_497, %swap3A_498, %swap3A_499] {strides = array<i32>} : memref<2x50x128xf32, #tpu.memory_space<vmem>>, vector<1x1x16xf32>,
        %swap3A_501 = vector.shape_cast %swap3A_500 : vector<1x1x16xf32> to vector<16xf32>
        %swap3A_502 = vector.shape_cast %add3A_495 : vector<16xf32> to vector<1x1x16xf32>
        tpu.vector_store %arg10[%swap3A_497, %swap3A_498, %swap3A_499], %swap3A_502 {strides = array<i32>} : memref<2x50x128xf32, #tpu.memory_space<vmem>>, vector<1x1x16xf32>,
        %mul3A_503 = arith.constant 2 : i32
        %mul3A_504 = arith.muli %mul3A_503, %add3A_168 : i32
        %add3A_505 = arith.constant 1 : i32
        %add3A_506 = arith.addi %mul3A_504, %add3A_505 : i32
        %get3A_507 = arith.constant 1 : i32
        %get3A_508 = arith.index_cast %get3A_507 : i32 to index
        %get3A_509 = arith.index_cast %add3A_506 : i32 to index
        %get3A_510 = arith.constant 0 : index
        %get3A_511 = tpu.vector_load %arg8[%get3A_508, %get3A_509, %get3A_510] {strides = array<i32>} : memref<2x100x64xf32, #tpu.memory_space<vmem>>, vector<1x1x16xf32>,
        %get3A_512 = vector.shape_cast %get3A_511 : vector<1x1x16xf32> to vector<16xf32>
        %mul3A_513 = arith.constant 2 : i32
        %mul3A_514 = arith.muli %mul3A_513, %add3A_168 : i32
        %add3A_515 = arith.constant 1 : i32
        %add3A_516 = arith.addi %mul3A_514, %add3A_515 : i32
        %get3A_517 = arith.constant 1 : i32
        %get3A_518 = arith.index_cast %get3A_517 : i32 to index
        %get3A_519 = arith.index_cast %add3A_516 : i32 to index
        %get3A_520 = arith.constant 0 : index
        %get3A_521 = tpu.vector_load %arg7[%get3A_518, %get3A_519, %get3A_520] {strides = array<i32>} : memref<2x100x64xf32, #tpu.memory_space<vmem>>, vector<1x1x16xf32>,
        %get3A_522 = vector.shape_cast %get3A_521 : vector<1x1x16xf32> to vector<16xf32>
        %add3A_523 = arith.addf %get3A_512, %get3A_522 : vector<16xf32>
        %swap3A_524 = arith.constant 1 : i32
        %swap3A_525 = arith.index_cast %swap3A_524 : i32 to index
        %swap3A_526 = arith.index_cast %add3A_168 : i32 to index
        %swap3A_527 = arith.constant 64 : index
        %swap3A_528 = tpu.vector_load %arg10[%swap3A_525, %swap3A_526, %swap3A_527] {strides = array<i32>} : memref<2x50x128xf32, #tpu.memory_space<vmem>>, vector<1x1x16xf32>,
        %swap3A_529 = vector.shape_cast %swap3A_528 : vector<1x1x16xf32> to vector<16xf32>
        %swap3A_530 = vector.shape_cast %add3A_523 : vector<16xf32> to vector<1x1x16xf32>
        tpu.vector_store %arg10[%swap3A_525, %swap3A_526, %swap3A_527], %swap3A_530 {strides = array<i32>} : memref<2x50x128xf32, #tpu.memory_space<vmem>>, vector<1x1x16xf32>,
        %mul3A_531 = arith.constant 2 : i32
        %mul3A_532 = arith.muli %mul3A_531, %add3A_168 : i32
        %add3A_533 = arith.constant 1 : i32
        %add3A_534 = arith.addi %mul3A_532, %add3A_533 : i32
        %get3A_535 = arith.constant 1 : i32
        %get3A_536 = arith.index_cast %get3A_535 : i32 to index
        %get3A_537 = arith.index_cast %add3A_534 : i32 to index
        %get3A_538 = arith.constant 16 : index
        %get3A_539 = tpu.vector_load %arg8[%get3A_536, %get3A_537, %get3A_538] {strides = array<i32>} : memref<2x100x64xf32, #tpu.memory_space<vmem>>, vector<1x1x16xf32>,
        %get3A_540 = vector.shape_cast %get3A_539 : vector<1x1x16xf32> to vector<16xf32>
        %mul3A_541 = arith.constant 2 : i32
        %mul3A_542 = arith.muli %mul3A_541, %add3A_168 : i32
        %add3A_543 = arith.constant 1 : i32
        %add3A_544 = arith.addi %mul3A_542, %add3A_543 : i32
        %get3A_545 = arith.constant 1 : i32
        %get3A_546 = arith.index_cast %get3A_545 : i32 to index
        %get3A_547 = arith.index_cast %add3A_544 : i32 to index
        %get3A_548 = arith.constant 16 : index
        %get3A_549 = tpu.vector_load %arg7[%get3A_546, %get3A_547, %get3A_548] {strides = array<i32>} : memref<2x100x64xf32, #tpu.memory_space<vmem>>, vector<1x1x16xf32>,
        %get3A_550 = vector.shape_cast %get3A_549 : vector<1x1x16xf32> to vector<16xf32>
        %add3A_551 = arith.addf %get3A_540, %get3A_550 : vector<16xf32>
        %swap3A_552 = arith.constant 1 : i32
        %swap3A_553 = arith.index_cast %swap3A_552 : i32 to index
        %swap3A_554 = arith.index_cast %add3A_168 : i32 to index
        %swap3A_555 = arith.constant 80 : index
        %swap3A_556 = tpu.vector_load %arg10[%swap3A_553, %swap3A_554, %swap3A_555] {strides = array<i32>} : memref<2x50x128xf32, #tpu.memory_space<vmem>>, vector<1x1x16xf32>,
        %swap3A_557 = vector.shape_cast %swap3A_556 : vector<1x1x16xf32> to vector<16xf32>
        %swap3A_558 = vector.shape_cast %add3A_551 : vector<16xf32> to vector<1x1x16xf32>
        tpu.vector_store %arg10[%swap3A_553, %swap3A_554, %swap3A_555], %swap3A_558 {strides = array<i32>} : memref<2x50x128xf32, #tpu.memory_space<vmem>>, vector<1x1x16xf32>,
        %mul3A_559 = arith.constant 2 : i32
        %mul3A_560 = arith.muli %mul3A_559, %add3A_168 : i32
        %add3A_561 = arith.constant 1 : i32
        %add3A_562 = arith.addi %mul3A_560, %add3A_561 : i32
        %get3A_563 = arith.constant 1 : i32
        %get3A_564 = arith.index_cast %get3A_563 : i32 to index
        %get3A_565 = arith.index_cast %add3A_562 : i32 to index
        %get3A_566 = arith.constant 32 : index
        %get3A_567 = tpu.vector_load %arg8[%get3A_564, %get3A_565, %get3A_566] {strides = array<i32>} : memref<2x100x64xf32, #tpu.memory_space<vmem>>, vector<1x1x16xf32>,
        %get3A_568 = vector.shape_cast %get3A_567 : vector<1x1x16xf32> to vector<16xf32>
        %mul3A_569 = arith.constant 2 : i32
        %mul3A_570 = arith.muli %mul3A_569, %add3A_168 : i32
        %add3A_571 = arith.constant 1 : i32
        %add3A_572 = arith.addi %mul3A_570, %add3A_571 : i32
        %get3A_573 = arith.constant 1 : i32
        %get3A_574 = arith.index_cast %get3A_573 : i32 to index
        %get3A_575 = arith.index_cast %add3A_572 : i32 to index
        %get3A_576 = arith.constant 32 : index
        %get3A_577 = tpu.vector_load %arg7[%get3A_574, %get3A_575, %get3A_576] {strides = array<i32>} : memref<2x100x64xf32, #tpu.memory_space<vmem>>, vector<1x1x16xf32>,
        %get3A_578 = vector.shape_cast %get3A_577 : vector<1x1x16xf32> to vector<16xf32>
        %add3A_579 = arith.addf %get3A_568, %get3A_578 : vector<16xf32>
        %swap3A_580 = arith.constant 1 : i32
        %swap3A_581 = arith.index_cast %swap3A_580 : i32 to index
        %swap3A_582 = arith.index_cast %add3A_168 : i32 to index
        %swap3A_583 = arith.constant 96 : index
        %swap3A_584 = tpu.vector_load %arg10[%swap3A_581, %swap3A_582, %swap3A_583] {strides = array<i32>} : memref<2x50x128xf32, #tpu.memory_space<vmem>>, vector<1x1x16xf32>,
        %swap3A_585 = vector.shape_cast %swap3A_584 : vector<1x1x16xf32> to vector<16xf32>
        %swap3A_586 = vector.shape_cast %add3A_579 : vector<16xf32> to vector<1x1x16xf32>
        tpu.vector_store %arg10[%swap3A_581, %swap3A_582, %swap3A_583], %swap3A_586 {strides = array<i32>} : memref<2x50x128xf32, #tpu.memory_space<vmem>>, vector<1x1x16xf32>,
        %mul3A_587 = arith.constant 2 : i32
        %mul3A_588 = arith.muli %mul3A_587, %add3A_168 : i32
        %add3A_589 = arith.constant 1 : i32
        %add3A_590 = arith.addi %mul3A_588, %add3A_589 : i32
        %get3A_591 = arith.constant 1 : i32
        %get3A_592 = arith.index_cast %get3A_591 : i32 to index
        %get3A_593 = arith.index_cast %add3A_590 : i32 to index
        %get3A_594 = arith.constant 48 : index
        %get3A_595 = tpu.vector_load %arg8[%get3A_592, %get3A_593, %get3A_594] {strides = array<i32>} : memref<2x100x64xf32, #tpu.memory_space<vmem>>, vector<1x1x16xf32>,
        %get3A_596 = vector.shape_cast %get3A_595 : vector<1x1x16xf32> to vector<16xf32>
        %mul3A_597 = arith.constant 2 : i32
        %mul3A_598 = arith.muli %mul3A_597, %add3A_168 : i32
        %add3A_599 = arith.constant 1 : i32
        %add3A_600 = arith.addi %mul3A_598, %add3A_599 : i32
        %get3A_601 = arith.constant 1 : i32
        %get3A_602 = arith.index_cast %get3A_601 : i32 to index
        %get3A_603 = arith.index_cast %add3A_600 : i32 to index
        %get3A_604 = arith.constant 48 : index
        %get3A_605 = tpu.vector_load %arg7[%get3A_602, %get3A_603, %get3A_604] {strides = array<i32>} : memref<2x100x64xf32, #tpu.memory_space<vmem>>, vector<1x1x16xf32>,
        %get3A_606 = vector.shape_cast %get3A_605 : vector<1x1x16xf32> to vector<16xf32>
        %add3A_607 = arith.addf %get3A_596, %get3A_606 : vector<16xf32>
        %swap3A_608 = arith.constant 1 : i32
        %swap3A_609 = arith.index_cast %swap3A_608 : i32 to index
        %swap3A_610 = arith.index_cast %add3A_168 : i32 to index
        %swap3A_611 = arith.constant 112 : index
        %swap3A_612 = tpu.vector_load %arg10[%swap3A_609, %swap3A_610, %swap3A_611] {strides = array<i32>} : memref<2x50x128xf32, #tpu.memory_space<vmem>>, vector<1x1x16xf32>,
        %swap3A_613 = vector.shape_cast %swap3A_612 : vector<1x1x16xf32> to vector<16xf32>
        %swap3A_614 = vector.shape_cast %add3A_607 : vector<16xf32> to vector<1x1x16xf32>
        tpu.vector_store %arg10[%swap3A_609, %swap3A_610, %swap3A_611], %swap3A_614 {strides = array<i32>} : memref<2x50x128xf32, #tpu.memory_space<vmem>>, vector<1x1x16xf32>,
      }
      %scan3A_98 = arith.constant 50 : i32
      %add3A_99 = arith.addi %mul3A_2, %add3A_61 : i32
      %dma_start3A_100 = arith.constant 0 : i32
      %dma_start3A_101 = arith.constant 0 : i32
      %dma_start3A_102 = arith.constant 0 : i32
      %dma_start3A_103 = tpu.memref_slice %arg5[%add3A_99, %dma_start3A_100, %dma_start3A_101, %dma_start3A_102] : memref<2048x2x56x128xf32, #tpu.memory_space<hbm>> -> memref<1x2x50x128xf32, #tpu.memory_space<hbm>>
      %dma_start3A_104 = tpu.memref_squeeze %dma_start3A_103 : memref<1x2x50x128xf32, #tpu.memory_space<hbm>> -> memref<2x50x128xf32, #tpu.memory_space<hbm>>
      %dma_start3A_105 = arith.constant 0 : i32
      %dma_start3A_106 = arith.constant 0 : i32
      %dma_start3A_107 = arith.constant 0 : i32
      %dma_start3A_108 = tpu.memref_slice %arg5[%add3A_99, %dma_start3A_105, %dma_start3A_106, %dma_start3A_107] : memref<2048x2x56x128xf32, #tpu.memory_space<hbm>> -> memref<1x2x50x128xf32, #tpu.memory_space<hbm>>
      %dma_start3A_109 = tpu.memref_squeeze %dma_start3A_108 : memref<1x2x50x128xf32, #tpu.memory_space<hbm>> -> memref<2x50x128xf32, #tpu.memory_space<hbm>>
      tpu.enqueue_dma source(%arg10 : memref<2x50x128xf32, #tpu.memory_space<vmem>>) target(%dma_start3A_109 : memref<2x50x128xf32, #tpu.memory_space<hbm>>) target_semaphore(%arg14 : memref<!tpu.dma_semaphore, #tpu.memory_space<semaphore_mem>>)
      %add3A_110 = arith.constant 1 : i32
      %add3A_111 = arith.addi %add3A_59, %add3A_110 : i32
      %add3A_112 = arith.constant 1 : i32
      %add3A_113 = arith.addi %add3A_111, %add3A_112 : i32
      %lt3A_114 = arith.constant 64 : i32
      %lt3A_115 = arith.cmpi slt, %add3A_113, %lt3A_114 : i32
      %convert_element_type3A_116 = arith.extui %lt3A_115 : i1 to i32
      %cond3A_117 = arith.constant 0 : i32
      %cond3A_118 = arith.cmpi ne, %convert_element_type3A_116, %cond3A_117 : i32
      scf.if %cond3A_118 {
        %add3A_164 = arith.constant 1 : i32
        %add3A_165 = arith.addi %add3A_111, %add3A_164 : i32
        %dma_start3A_166 = arith.constant 0 : i32
        %dma_start3A_167 = arith.constant 0 : i32
        %dma_start3A_168 = arith.constant 0 : i32
        %dma_start3A_169 = arith.constant 0 : i32
        %dma_start3A_170 = tpu.memref_slice %arg8[%dma_start3A_167, %dma_start3A_168, %dma_start3A_169] : memref<2x100x64xf32, #tpu.memory_space<vmem>> -> memref<1x100x64xf32, #tpu.memory_space<vmem>>
        %dma_start3A_171 = tpu.memref_squeeze %dma_start3A_170 : memref<1x100x64xf32, #tpu.memory_space<vmem>> -> memref<100x64xf32, #tpu.memory_space<vmem>>
        %dma_start3A_172 = arith.constant 0 : i32
        %dma_start3A_173 = tpu.memref_slice %arg6[%add3A_165, %dma_start3A_166, %dma_start3A_172] : memref<64x2x100xi32, #tpu.memory_space<vmem>> -> memref<1x1x100xi32, #tpu.memory_space<vmem>>
        %dma_start3A_174 = tpu.memref_squeeze %dma_start3A_173 : memref<1x1x100xi32, #tpu.memory_space<vmem>> -> memref<100xi32, #tpu.memory_space<vmem>>
        %dma_start3A_175 = arith.constant 0 : i32
        %dma_start3A_176 = arith.constant 0 : i32
        %dma_start3A_177 = tpu.memref_slice %arg3[%dma_start3A_175, %dma_start3A_176] : memref<100000x64xf32, #tpu.memory_space<hbm>> -> memref<100000x64xf32, #tpu.memory_space<hbm>>
        tpu.enqueue_indirect_dma source(%dma_start3A_177 : memref<100000x64xf32, #tpu.memory_space<hbm>>) target(%dma_start3A_171 : memref<100x64xf32, #tpu.memory_space<vmem>>) offsets(%dma_start3A_174 : memref<100xi32, #tpu.memory_space<vmem>>) semaphore(%arg12 : memref<!tpu.dma_semaphore, #tpu.memory_space<semaphore_mem>>)
        %dma_start3A_178 = arith.constant 1 : i32
        %dma_start3A_179 = arith.constant 1 : i32
        %dma_start3A_180 = arith.constant 0 : i32
        %dma_start3A_181 = arith.constant 0 : i32
        %dma_start3A_182 = tpu.memref_slice %arg8[%dma_start3A_179, %dma_start3A_180, %dma_start3A_181] : memref<2x100x64xf32, #tpu.memory_space<vmem>> -> memref<1x100x64xf32, #tpu.memory_space<vmem>>
        %dma_start3A_183 = tpu.memref_squeeze %dma_start3A_182 : memref<1x100x64xf32, #tpu.memory_space<vmem>> -> memref<100x64xf32, #tpu.memory_space<vmem>>
        %dma_start3A_184 = arith.constant 0 : i32
        %dma_start3A_185 = tpu.memref_slice %arg6[%add3A_165, %dma_start3A_178, %dma_start3A_184] : memref<64x2x100xi32, #tpu.memory_space<vmem>> -> memref<1x1x100xi32, #tpu.memory_space<vmem>>
        %dma_start3A_186 = tpu.memref_squeeze %dma_start3A_185 : memref<1x1x100xi32, #tpu.memory_space<vmem>> -> memref<100xi32, #tpu.memory_space<vmem>>
        %dma_start3A_187 = arith.constant 0 : i32
        %dma_start3A_188 = arith.constant 0 : i32
        %dma_start3A_189 = tpu.memref_slice %arg3[%dma_start3A_187, %dma_start3A_188] : memref<100000x64xf32, #tpu.memory_space<hbm>> -> memref<100000x64xf32, #tpu.memory_space<hbm>>
        tpu.enqueue_indirect_dma source(%dma_start3A_189 : memref<100000x64xf32, #tpu.memory_space<hbm>>) target(%dma_start3A_183 : memref<100x64xf32, #tpu.memory_space<vmem>>) offsets(%dma_start3A_186 : memref<100xi32, #tpu.memory_space<vmem>>) semaphore(%arg12 : memref<!tpu.dma_semaphore, #tpu.memory_space<semaphore_mem>>)
      } else {
      }
      %dma_wait3A_119 = arith.constant 0 : i32
      %dma_wait3A_120 = arith.constant 0 : i32
      %dma_wait3A_121 = arith.constant 0 : i32
      %dma_wait3A_122 = arith.constant 0 : i32
      %dma_wait3A_123 = tpu.memref_slice %arg9[%dma_wait3A_120, %dma_wait3A_121, %dma_wait3A_122] : memref<2x100x64xf32, #tpu.memory_space<vmem>> -> memref<1x100x64xf32, #tpu.memory_space<vmem>>
      %dma_wait3A_124 = tpu.memref_squeeze %dma_wait3A_123 : memref<1x100x64xf32, #tpu.memory_space<vmem>> -> memref<100x64xf32, #tpu.memory_space<vmem>>
      %dma_wait3A_125 = arith.constant 0 : i32
      %dma_wait3A_126 = tpu.memref_slice %arg6[%add3A_111, %dma_wait3A_119, %dma_wait3A_125] : memref<64x2x100xi32, #tpu.memory_space<vmem>> -> memref<1x1x100xi32, #tpu.memory_space<vmem>>
      %dma_wait3A_127 = tpu.memref_squeeze %dma_wait3A_126 : memref<1x1x100xi32, #tpu.memory_space<vmem>> -> memref<100xi32, #tpu.memory_space<vmem>>
      %dma_wait3A_128 = arith.constant 0 : i32
      %dma_wait3A_129 = arith.constant 0 : i32
      %dma_wait3A_130 = tpu.memref_slice %arg3[%dma_wait3A_128, %dma_wait3A_129] : memref<100000x64xf32, #tpu.memory_space<hbm>> -> memref<100000x64xf32, #tpu.memory_space<hbm>>
      tpu.wait_indirect_dma semaphore(%arg13 : memref<!tpu.dma_semaphore, #tpu.memory_space<semaphore_mem>>) src(%dma_wait3A_130 : memref<100000x64xf32, #tpu.memory_space<hbm>>) dst(%dma_wait3A_124 : memref<100x64xf32, #tpu.memory_space<vmem>>)
      %dma_wait3A_131 = arith.constant 1 : i32
      %dma_wait3A_132 = arith.constant 1 : i32
      %dma_wait3A_133 = arith.constant 0 : i32
      %dma_wait3A_134 = arith.constant 0 : i32
      %dma_wait3A_135 = tpu.memref_slice %arg9[%dma_wait3A_132, %dma_wait3A_133, %dma_wait3A_134] : memref<2x100x64xf32, #tpu.memory_space<vmem>> -> memref<1x100x64xf32, #tpu.memory_space<vmem>>
      %dma_wait3A_136 = tpu.memref_squeeze %dma_wait3A_135 : memref<1x100x64xf32, #tpu.memory_space<vmem>> -> memref<100x64xf32, #tpu.memory_space<vmem>>
      %dma_wait3A_137 = arith.constant 0 : i32
      %dma_wait3A_138 = tpu.memref_slice %arg6[%add3A_111, %dma_wait3A_131, %dma_wait3A_137] : memref<64x2x100xi32, #tpu.memory_space<vmem>> -> memref<1x1x100xi32, #tpu.memory_space<vmem>>
      %dma_wait3A_139 = tpu.memref_squeeze %dma_wait3A_138 : memref<1x1x100xi32, #tpu.memory_space<vmem>> -> memref<100xi32, #tpu.memory_space<vmem>>
      %dma_wait3A_140 = arith.constant 0 : i32
      %dma_wait3A_141 = arith.constant 0 : i32
      %dma_wait3A_142 = tpu.memref_slice %arg3[%dma_wait3A_140, %dma_wait3A_141] : memref<100000x64xf32, #tpu.memory_space<hbm>> -> memref<100000x64xf32, #tpu.memory_space<hbm>>
      tpu.wait_indirect_dma semaphore(%arg13 : memref<!tpu.dma_semaphore, #tpu.memory_space<semaphore_mem>>) src(%dma_wait3A_142 : memref<100000x64xf32, #tpu.memory_space<hbm>>) dst(%dma_wait3A_136 : memref<100x64xf32, #tpu.memory_space<vmem>>)
      %ge3A_143 = arith.constant 2 : i32
      %ge3A_144 = arith.cmpi sge, %add3A_111, %ge3A_143 : i32
      %convert_element_type3A_145 = arith.extui %ge3A_144 : i1 to i32
      %cond3A_146 = arith.constant 0 : i32
      %cond3A_147 = arith.cmpi ne, %convert_element_type3A_145, %cond3A_146 : i32
      scf.if %cond3A_147 {
        %sub3A = arith.constant 2 : i32
        %sub3A_164 = arith.subi %add3A_111, %sub3A : i32
        %add3A_165 = arith.addi %mul3A_2, %sub3A_164 : i32
        %dma_wait3A_166 = arith.constant 0 : i32
        %dma_wait3A_167 = arith.constant 0 : i32
        %dma_wait3A_168 = arith.constant 0 : i32
        %dma_wait3A_169 = tpu.memref_slice %arg5[%add3A_165, %dma_wait3A_166, %dma_wait3A_167, %dma_wait3A_168] : memref<2048x2x56x128xf32, #tpu.memory_space<hbm>> -> memref<1x2x50x128xf32, #tpu.memory_space<hbm>>
        %dma_wait3A_170 = tpu.memref_squeeze %dma_wait3A_169 : memref<1x2x50x128xf32, #tpu.memory_space<hbm>> -> memref<2x50x128xf32, #tpu.memory_space<hbm>>
        %dma_wait3A_171 = arith.constant 0 : i32
        %dma_wait3A_172 = arith.constant 0 : i32
        %dma_wait3A_173 = arith.constant 0 : i32
        %dma_wait3A_174 = tpu.memref_slice %arg5[%add3A_165, %dma_wait3A_171, %dma_wait3A_172, %dma_wait3A_173] : memref<2048x2x56x128xf32, #tpu.memory_space<hbm>> -> memref<1x2x50x128xf32, #tpu.memory_space<hbm>>
        %dma_wait3A_175 = tpu.memref_squeeze %dma_wait3A_174 : memref<1x2x50x128xf32, #tpu.memory_space<hbm>> -> memref<2x50x128xf32, #tpu.memory_space<hbm>>
        tpu.wait_dma2 semaphore(%arg15 : memref<!tpu.dma_semaphore, #tpu.memory_space<semaphore_mem>>) src(%arg11 : memref<2x50x128xf32, #tpu.memory_space<vmem>>) dst(%dma_wait3A_175 : memref<2x50x128xf32, #tpu.memory_space<hbm>>)
      } else {
      }
      %scan3A_148 = arith.constant 0 : i32
      %scan3A_149 = arith.constant 50 : i32
      %scan3A_150 = arith.addi %scan3A_148, %scan3A_149 : i32
      %scan3A_151 = arith.constant 1 : i32
      scf.for %scan3A_164 = %scan3A_148 to %scan3A_150 step %scan3A_151  : i32 {
        %mul3A_165 = arith.constant 1 : i32
        %mul3A_166 = arith.muli %scan3A_164, %mul3A_165 : i32
        %add3A_167 = arith.constant 0 : i32
        %add3A_168 = arith.addi %add3A_167, %mul3A_166 : i32
        %mul3A_169 = arith.constant 2 : i32
        %mul3A_170 = arith.muli %mul3A_169, %add3A_168 : i32
        %add3A_171 = arith.constant 0 : i32
        %add3A_172 = arith.addi %mul3A_170, %add3A_171 : i32
        %get3A = arith.constant 0 : i32
        %get3A_173 = arith.index_cast %get3A : i32 to index
        %get3A_174 = arith.index_cast %add3A_172 : i32 to index
        %get3A_175 = arith.constant 0 : index
        %get3A_176 = tpu.vector_load %arg9[%get3A_173, %get3A_174, %get3A_175] {strides = array<i32>} : memref<2x100x64xf32, #tpu.memory_space<vmem>>, vector<1x1x16xf32>,
        %get3A_177 = vector.shape_cast %get3A_176 : vector<1x1x16xf32> to vector<16xf32>
        %mul3A_178 = arith.constant 2 : i32
        %mul3A_179 = arith.muli %mul3A_178, %add3A_168 : i32
        %add3A_180 = arith.constant 0 : i32
        %add3A_181 = arith.addi %mul3A_179, %add3A_180 : i32
        %get3A_182 = arith.constant 0 : i32
        %get3A_183 = arith.index_cast %get3A_182 : i32 to index
        %get3A_184 = arith.index_cast %add3A_181 : i32 to index
        %get3A_185 = arith.constant 0 : index
        %get3A_186 = tpu.vector_load %arg7[%get3A_183, %get3A_184, %get3A_185] {strides = array<i32>} : memref<2x100x64xf32, #tpu.memory_space<vmem>>, vector<1x1x16xf32>,
        %get3A_187 = vector.shape_cast %get3A_186 : vector<1x1x16xf32> to vector<16xf32>
        %add3A_188 = arith.addf %get3A_177, %get3A_187 : vector<16xf32>
        %swap3A = arith.constant 0 : i32
        %swap3A_189 = arith.index_cast %swap3A : i32 to index
        %swap3A_190 = arith.index_cast %add3A_168 : i32 to index
        %swap3A_191 = arith.constant 0 : index
        %swap3A_192 = tpu.vector_load %arg11[%swap3A_189, %swap3A_190, %swap3A_191] {strides = array<i32>} : memref<2x50x128xf32, #tpu.memory_space<vmem>>, vector<1x1x16xf32>,
        %swap3A_193 = vector.shape_cast %swap3A_192 : vector<1x1x16xf32> to vector<16xf32>
        %swap3A_194 = vector.shape_cast %add3A_188 : vector<16xf32> to vector<1x1x16xf32>
        tpu.vector_store %arg11[%swap3A_189, %swap3A_190, %swap3A_191], %swap3A_194 {strides = array<i32>} : memref<2x50x128xf32, #tpu.memory_space<vmem>>, vector<1x1x16xf32>,
        %mul3A_195 = arith.constant 2 : i32
        %mul3A_196 = arith.muli %mul3A_195, %add3A_168 : i32
        %add3A_197 = arith.constant 0 : i32
        %add3A_198 = arith.addi %mul3A_196, %add3A_197 : i32
        %get3A_199 = arith.constant 0 : i32
        %get3A_200 = arith.index_cast %get3A_199 : i32 to index
        %get3A_201 = arith.index_cast %add3A_198 : i32 to index
        %get3A_202 = arith.constant 16 : index
        %get3A_203 = tpu.vector_load %arg9[%get3A_200, %get3A_201, %get3A_202] {strides = array<i32>} : memref<2x100x64xf32, #tpu.memory_space<vmem>>, vector<1x1x16xf32>,
        %get3A_204 = vector.shape_cast %get3A_203 : vector<1x1x16xf32> to vector<16xf32>
        %mul3A_205 = arith.constant 2 : i32
        %mul3A_206 = arith.muli %mul3A_205, %add3A_168 : i32
        %add3A_207 = arith.constant 0 : i32
        %add3A_208 = arith.addi %mul3A_206, %add3A_207 : i32
        %get3A_209 = arith.constant 0 : i32
        %get3A_210 = arith.index_cast %get3A_209 : i32 to index
        %get3A_211 = arith.index_cast %add3A_208 : i32 to index
        %get3A_212 = arith.constant 16 : index
        %get3A_213 = tpu.vector_load %arg7[%get3A_210, %get3A_211, %get3A_212] {strides = array<i32>} : memref<2x100x64xf32, #tpu.memory_space<vmem>>, vector<1x1x16xf32>,
        %get3A_214 = vector.shape_cast %get3A_213 : vector<1x1x16xf32> to vector<16xf32>
        %add3A_215 = arith.addf %get3A_204, %get3A_214 : vector<16xf32>
        %swap3A_216 = arith.constant 0 : i32
        %swap3A_217 = arith.index_cast %swap3A_216 : i32 to index
        %swap3A_218 = arith.index_cast %add3A_168 : i32 to index
        %swap3A_219 = arith.constant 16 : index
        %swap3A_220 = tpu.vector_load %arg11[%swap3A_217, %swap3A_218, %swap3A_219] {strides = array<i32>} : memref<2x50x128xf32, #tpu.memory_space<vmem>>, vector<1x1x16xf32>,
        %swap3A_221 = vector.shape_cast %swap3A_220 : vector<1x1x16xf32> to vector<16xf32>
        %swap3A_222 = vector.shape_cast %add3A_215 : vector<16xf32> to vector<1x1x16xf32>
        tpu.vector_store %arg11[%swap3A_217, %swap3A_218, %swap3A_219], %swap3A_222 {strides = array<i32>} : memref<2x50x128xf32, #tpu.memory_space<vmem>>, vector<1x1x16xf32>,
        %mul3A_223 = arith.constant 2 : i32
        %mul3A_224 = arith.muli %mul3A_223, %add3A_168 : i32
        %add3A_225 = arith.constant 0 : i32
        %add3A_226 = arith.addi %mul3A_224, %add3A_225 : i32
        %get3A_227 = arith.constant 0 : i32
        %get3A_228 = arith.index_cast %get3A_227 : i32 to index
        %get3A_229 = arith.index_cast %add3A_226 : i32 to index
        %get3A_230 = arith.constant 32 : index
        %get3A_231 = tpu.vector_load %arg9[%get3A_228, %get3A_229, %get3A_230] {strides = array<i32>} : memref<2x100x64xf32, #tpu.memory_space<vmem>>, vector<1x1x16xf32>,
        %get3A_232 = vector.shape_cast %get3A_231 : vector<1x1x16xf32> to vector<16xf32>
        %mul3A_233 = arith.constant 2 : i32
        %mul3A_234 = arith.muli %mul3A_233, %add3A_168 : i32
        %add3A_235 = arith.constant 0 : i32
        %add3A_236 = arith.addi %mul3A_234, %add3A_235 : i32
        %get3A_237 = arith.constant 0 : i32
        %get3A_238 = arith.index_cast %get3A_237 : i32 to index
        %get3A_239 = arith.index_cast %add3A_236 : i32 to index
        %get3A_240 = arith.constant 32 : index
        %get3A_241 = tpu.vector_load %arg7[%get3A_238, %get3A_239, %get3A_240] {strides = array<i32>} : memref<2x100x64xf32, #tpu.memory_space<vmem>>, vector<1x1x16xf32>,
        %get3A_242 = vector.shape_cast %get3A_241 : vector<1x1x16xf32> to vector<16xf32>
        %add3A_243 = arith.addf %get3A_232, %get3A_242 : vector<16xf32>
        %swap3A_244 = arith.constant 0 : i32
        %swap3A_245 = arith.index_cast %swap3A_244 : i32 to index
        %swap3A_246 = arith.index_cast %add3A_168 : i32 to index
        %swap3A_247 = arith.constant 32 : index
        %swap3A_248 = tpu.vector_load %arg11[%swap3A_245, %swap3A_246, %swap3A_247] {strides = array<i32>} : memref<2x50x128xf32, #tpu.memory_space<vmem>>, vector<1x1x16xf32>,
        %swap3A_249 = vector.shape_cast %swap3A_248 : vector<1x1x16xf32> to vector<16xf32>
        %swap3A_250 = vector.shape_cast %add3A_243 : vector<16xf32> to vector<1x1x16xf32>
        tpu.vector_store %arg11[%swap3A_245, %swap3A_246, %swap3A_247], %swap3A_250 {strides = array<i32>} : memref<2x50x128xf32, #tpu.memory_space<vmem>>, vector<1x1x16xf32>,
        %mul3A_251 = arith.constant 2 : i32
        %mul3A_252 = arith.muli %mul3A_251, %add3A_168 : i32
        %add3A_253 = arith.constant 0 : i32
        %add3A_254 = arith.addi %mul3A_252, %add3A_253 : i32
        %get3A_255 = arith.constant 0 : i32
        %get3A_256 = arith.index_cast %get3A_255 : i32 to index
        %get3A_257 = arith.index_cast %add3A_254 : i32 to index
        %get3A_258 = arith.constant 48 : index
        %get3A_259 = tpu.vector_load %arg9[%get3A_256, %get3A_257, %get3A_258] {strides = array<i32>} : memref<2x100x64xf32, #tpu.memory_space<vmem>>, vector<1x1x16xf32>,
        %get3A_260 = vector.shape_cast %get3A_259 : vector<1x1x16xf32> to vector<16xf32>
        %mul3A_261 = arith.constant 2 : i32
        %mul3A_262 = arith.muli %mul3A_261, %add3A_168 : i32
        %add3A_263 = arith.constant 0 : i32
        %add3A_264 = arith.addi %mul3A_262, %add3A_263 : i32
        %get3A_265 = arith.constant 0 : i32
        %get3A_266 = arith.index_cast %get3A_265 : i32 to index
        %get3A_267 = arith.index_cast %add3A_264 : i32 to index
        %get3A_268 = arith.constant 48 : index
        %get3A_269 = tpu.vector_load %arg7[%get3A_266, %get3A_267, %get3A_268] {strides = array<i32>} : memref<2x100x64xf32, #tpu.memory_space<vmem>>, vector<1x1x16xf32>,
        %get3A_270 = vector.shape_cast %get3A_269 : vector<1x1x16xf32> to vector<16xf32>
        %add3A_271 = arith.addf %get3A_260, %get3A_270 : vector<16xf32>
        %swap3A_272 = arith.constant 0 : i32
        %swap3A_273 = arith.index_cast %swap3A_272 : i32 to index
        %swap3A_274 = arith.index_cast %add3A_168 : i32 to index
        %swap3A_275 = arith.constant 48 : index
        %swap3A_276 = tpu.vector_load %arg11[%swap3A_273, %swap3A_274, %swap3A_275] {strides = array<i32>} : memref<2x50x128xf32, #tpu.memory_space<vmem>>, vector<1x1x16xf32>,
        %swap3A_277 = vector.shape_cast %swap3A_276 : vector<1x1x16xf32> to vector<16xf32>
        %swap3A_278 = vector.shape_cast %add3A_271 : vector<16xf32> to vector<1x1x16xf32>
        tpu.vector_store %arg11[%swap3A_273, %swap3A_274, %swap3A_275], %swap3A_278 {strides = array<i32>} : memref<2x50x128xf32, #tpu.memory_space<vmem>>, vector<1x1x16xf32>,
        %mul3A_279 = arith.constant 2 : i32
        %mul3A_280 = arith.muli %mul3A_279, %add3A_168 : i32
        %add3A_281 = arith.constant 1 : i32
        %add3A_282 = arith.addi %mul3A_280, %add3A_281 : i32
        %get3A_283 = arith.constant 0 : i32
        %get3A_284 = arith.index_cast %get3A_283 : i32 to index
        %get3A_285 = arith.index_cast %add3A_282 : i32 to index
        %get3A_286 = arith.constant 0 : index
        %get3A_287 = tpu.vector_load %arg9[%get3A_284, %get3A_285, %get3A_286] {strides = array<i32>} : memref<2x100x64xf32, #tpu.memory_space<vmem>>, vector<1x1x16xf32>,
        %get3A_288 = vector.shape_cast %get3A_287 : vector<1x1x16xf32> to vector<16xf32>
        %mul3A_289 = arith.constant 2 : i32
        %mul3A_290 = arith.muli %mul3A_289, %add3A_168 : i32
        %add3A_291 = arith.constant 1 : i32
        %add3A_292 = arith.addi %mul3A_290, %add3A_291 : i32
        %get3A_293 = arith.constant 0 : i32
        %get3A_294 = arith.index_cast %get3A_293 : i32 to index
        %get3A_295 = arith.index_cast %add3A_292 : i32 to index
        %get3A_296 = arith.constant 0 : index
        %get3A_297 = tpu.vector_load %arg7[%get3A_294, %get3A_295, %get3A_296] {strides = array<i32>} : memref<2x100x64xf32, #tpu.memory_space<vmem>>, vector<1x1x16xf32>,
        %get3A_298 = vector.shape_cast %get3A_297 : vector<1x1x16xf32> to vector<16xf32>
        %add3A_299 = arith.addf %get3A_288, %get3A_298 : vector<16xf32>
        %swap3A_300 = arith.constant 0 : i32
        %swap3A_301 = arith.index_cast %swap3A_300 : i32 to index
        %swap3A_302 = arith.index_cast %add3A_168 : i32 to index
        %swap3A_303 = arith.constant 64 : index
        %swap3A_304 = tpu.vector_load %arg11[%swap3A_301, %swap3A_302, %swap3A_303] {strides = array<i32>} : memref<2x50x128xf32, #tpu.memory_space<vmem>>, vector<1x1x16xf32>,
        %swap3A_305 = vector.shape_cast %swap3A_304 : vector<1x1x16xf32> to vector<16xf32>
        %swap3A_306 = vector.shape_cast %add3A_299 : vector<16xf32> to vector<1x1x16xf32>
        tpu.vector_store %arg11[%swap3A_301, %swap3A_302, %swap3A_303], %swap3A_306 {strides = array<i32>} : memref<2x50x128xf32, #tpu.memory_space<vmem>>, vector<1x1x16xf32>,
        %mul3A_307 = arith.constant 2 : i32
        %mul3A_308 = arith.muli %mul3A_307, %add3A_168 : i32
        %add3A_309 = arith.constant 1 : i32
        %add3A_310 = arith.addi %mul3A_308, %add3A_309 : i32
        %get3A_311 = arith.constant 0 : i32
        %get3A_312 = arith.index_cast %get3A_311 : i32 to index
        %get3A_313 = arith.index_cast %add3A_310 : i32 to index
        %get3A_314 = arith.constant 16 : index
        %get3A_315 = tpu.vector_load %arg9[%get3A_312, %get3A_313, %get3A_314] {strides = array<i32>} : memref<2x100x64xf32, #tpu.memory_space<vmem>>, vector<1x1x16xf32>,
        %get3A_316 = vector.shape_cast %get3A_315 : vector<1x1x16xf32> to vector<16xf32>
        %mul3A_317 = arith.constant 2 : i32
        %mul3A_318 = arith.muli %mul3A_317, %add3A_168 : i32
        %add3A_319 = arith.constant 1 : i32
        %add3A_320 = arith.addi %mul3A_318, %add3A_319 : i32
        %get3A_321 = arith.constant 0 : i32
        %get3A_322 = arith.index_cast %get3A_321 : i32 to index
        %get3A_323 = arith.index_cast %add3A_320 : i32 to index
        %get3A_324 = arith.constant 16 : index
        %get3A_325 = tpu.vector_load %arg7[%get3A_322, %get3A_323, %get3A_324] {strides = array<i32>} : memref<2x100x64xf32, #tpu.memory_space<vmem>>, vector<1x1x16xf32>,
        %get3A_326 = vector.shape_cast %get3A_325 : vector<1x1x16xf32> to vector<16xf32>
        %add3A_327 = arith.addf %get3A_316, %get3A_326 : vector<16xf32>
        %swap3A_328 = arith.constant 0 : i32
        %swap3A_329 = arith.index_cast %swap3A_328 : i32 to index
        %swap3A_330 = arith.index_cast %add3A_168 : i32 to index
        %swap3A_331 = arith.constant 80 : index
        %swap3A_332 = tpu.vector_load %arg11[%swap3A_329, %swap3A_330, %swap3A_331] {strides = array<i32>} : memref<2x50x128xf32, #tpu.memory_space<vmem>>, vector<1x1x16xf32>,
        %swap3A_333 = vector.shape_cast %swap3A_332 : vector<1x1x16xf32> to vector<16xf32>
        %swap3A_334 = vector.shape_cast %add3A_327 : vector<16xf32> to vector<1x1x16xf32>
        tpu.vector_store %arg11[%swap3A_329, %swap3A_330, %swap3A_331], %swap3A_334 {strides = array<i32>} : memref<2x50x128xf32, #tpu.memory_space<vmem>>, vector<1x1x16xf32>,
        %mul3A_335 = arith.constant 2 : i32
        %mul3A_336 = arith.muli %mul3A_335, %add3A_168 : i32
        %add3A_337 = arith.constant 1 : i32
        %add3A_338 = arith.addi %mul3A_336, %add3A_337 : i32
        %get3A_339 = arith.constant 0 : i32
        %get3A_340 = arith.index_cast %get3A_339 : i32 to index
        %get3A_341 = arith.index_cast %add3A_338 : i32 to index
        %get3A_342 = arith.constant 32 : index
        %get3A_343 = tpu.vector_load %arg9[%get3A_340, %get3A_341, %get3A_342] {strides = array<i32>} : memref<2x100x64xf32, #tpu.memory_space<vmem>>, vector<1x1x16xf32>,
        %get3A_344 = vector.shape_cast %get3A_343 : vector<1x1x16xf32> to vector<16xf32>
        %mul3A_345 = arith.constant 2 : i32
        %mul3A_346 = arith.muli %mul3A_345, %add3A_168 : i32
        %add3A_347 = arith.constant 1 : i32
        %add3A_348 = arith.addi %mul3A_346, %add3A_347 : i32
        %get3A_349 = arith.constant 0 : i32
        %get3A_350 = arith.index_cast %get3A_349 : i32 to index
        %get3A_351 = arith.index_cast %add3A_348 : i32 to index
        %get3A_352 = arith.constant 32 : index
        %get3A_353 = tpu.vector_load %arg7[%get3A_350, %get3A_351, %get3A_352] {strides = array<i32>} : memref<2x100x64xf32, #tpu.memory_space<vmem>>, vector<1x1x16xf32>,
        %get3A_354 = vector.shape_cast %get3A_353 : vector<1x1x16xf32> to vector<16xf32>
        %add3A_355 = arith.addf %get3A_344, %get3A_354 : vector<16xf32>
        %swap3A_356 = arith.constant 0 : i32
        %swap3A_357 = arith.index_cast %swap3A_356 : i32 to index
        %swap3A_358 = arith.index_cast %add3A_168 : i32 to index
        %swap3A_359 = arith.constant 96 : index
        %swap3A_360 = tpu.vector_load %arg11[%swap3A_357, %swap3A_358, %swap3A_359] {strides = array<i32>} : memref<2x50x128xf32, #tpu.memory_space<vmem>>, vector<1x1x16xf32>,
        %swap3A_361 = vector.shape_cast %swap3A_360 : vector<1x1x16xf32> to vector<16xf32>
        %swap3A_362 = vector.shape_cast %add3A_355 : vector<16xf32> to vector<1x1x16xf32>
        tpu.vector_store %arg11[%swap3A_357, %swap3A_358, %swap3A_359], %swap3A_362 {strides = array<i32>} : memref<2x50x128xf32, #tpu.memory_space<vmem>>, vector<1x1x16xf32>,
        %mul3A_363 = arith.constant 2 : i32
        %mul3A_364 = arith.muli %mul3A_363, %add3A_168 : i32
        %add3A_365 = arith.constant 1 : i32
        %add3A_366 = arith.addi %mul3A_364, %add3A_365 : i32
        %get3A_367 = arith.constant 0 : i32
        %get3A_368 = arith.index_cast %get3A_367 : i32 to index
        %get3A_369 = arith.index_cast %add3A_366 : i32 to index
        %get3A_370 = arith.constant 48 : index
        %get3A_371 = tpu.vector_load %arg9[%get3A_368, %get3A_369, %get3A_370] {strides = array<i32>} : memref<2x100x64xf32, #tpu.memory_space<vmem>>, vector<1x1x16xf32>,
        %get3A_372 = vector.shape_cast %get3A_371 : vector<1x1x16xf32> to vector<16xf32>
        %mul3A_373 = arith.constant 2 : i32
        %mul3A_374 = arith.muli %mul3A_373, %add3A_168 : i32
        %add3A_375 = arith.constant 1 : i32
        %add3A_376 = arith.addi %mul3A_374, %add3A_375 : i32
        %get3A_377 = arith.constant 0 : i32
        %get3A_378 = arith.index_cast %get3A_377 : i32 to index
        %get3A_379 = arith.index_cast %add3A_376 : i32 to index
        %get3A_380 = arith.constant 48 : index
        %get3A_381 = tpu.vector_load %arg7[%get3A_378, %get3A_379, %get3A_380] {strides = array<i32>} : memref<2x100x64xf32, #tpu.memory_space<vmem>>, vector<1x1x16xf32>,
        %get3A_382 = vector.shape_cast %get3A_381 : vector<1x1x16xf32> to vector<16xf32>
        %add3A_383 = arith.addf %get3A_372, %get3A_382 : vector<16xf32>
        %swap3A_384 = arith.constant 0 : i32
        %swap3A_385 = arith.index_cast %swap3A_384 : i32 to index
        %swap3A_386 = arith.index_cast %add3A_168 : i32 to index
        %swap3A_387 = arith.constant 112 : index
        %swap3A_388 = tpu.vector_load %arg11[%swap3A_385, %swap3A_386, %swap3A_387] {strides = array<i32>} : memref<2x50x128xf32, #tpu.memory_space<vmem>>, vector<1x1x16xf32>,
        %swap3A_389 = vector.shape_cast %swap3A_388 : vector<1x1x16xf32> to vector<16xf32>
        %swap3A_390 = vector.shape_cast %add3A_383 : vector<16xf32> to vector<1x1x16xf32>
        tpu.vector_store %arg11[%swap3A_385, %swap3A_386, %swap3A_387], %swap3A_390 {strides = array<i32>} : memref<2x50x128xf32, #tpu.memory_space<vmem>>, vector<1x1x16xf32>,
        %mul3A_391 = arith.constant 2 : i32
        %mul3A_392 = arith.muli %mul3A_391, %add3A_168 : i32
        %add3A_393 = arith.constant 0 : i32
        %add3A_394 = arith.addi %mul3A_392, %add3A_393 : i32
        %get3A_395 = arith.constant 1 : i32
        %get3A_396 = arith.index_cast %get3A_395 : i32 to index
        %get3A_397 = arith.index_cast %add3A_394 : i32 to index
        %get3A_398 = arith.constant 0 : index
        %get3A_399 = tpu.vector_load %arg9[%get3A_396, %get3A_397, %get3A_398] {strides = array<i32>} : memref<2x100x64xf32, #tpu.memory_space<vmem>>, vector<1x1x16xf32>,
        %get3A_400 = vector.shape_cast %get3A_399 : vector<1x1x16xf32> to vector<16xf32>
        %mul3A_401 = arith.constant 2 : i32
        %mul3A_402 = arith.muli %mul3A_401, %add3A_168 : i32
        %add3A_403 = arith.constant 0 : i32
        %add3A_404 = arith.addi %mul3A_402, %add3A_403 : i32
        %get3A_405 = arith.constant 1 : i32
        %get3A_406 = arith.index_cast %get3A_405 : i32 to index
        %get3A_407 = arith.index_cast %add3A_404 : i32 to index
        %get3A_408 = arith.constant 0 : index
        %get3A_409 = tpu.vector_load %arg7[%get3A_406, %get3A_407, %get3A_408] {strides = array<i32>} : memref<2x100x64xf32, #tpu.memory_space<vmem>>, vector<1x1x16xf32>,
        %get3A_410 = vector.shape_cast %get3A_409 : vector<1x1x16xf32> to vector<16xf32>
        %add3A_411 = arith.addf %get3A_400, %get3A_410 : vector<16xf32>
        %swap3A_412 = arith.constant 1 : i32
        %swap3A_413 = arith.index_cast %swap3A_412 : i32 to index
        %swap3A_414 = arith.index_cast %add3A_168 : i32 to index
        %swap3A_415 = arith.constant 0 : index
        %swap3A_416 = tpu.vector_load %arg11[%swap3A_413, %swap3A_414, %swap3A_415] {strides = array<i32>} : memref<2x50x128xf32, #tpu.memory_space<vmem>>, vector<1x1x16xf32>,
        %swap3A_417 = vector.shape_cast %swap3A_416 : vector<1x1x16xf32> to vector<16xf32>
        %swap3A_418 = vector.shape_cast %add3A_411 : vector<16xf32> to vector<1x1x16xf32>
        tpu.vector_store %arg11[%swap3A_413, %swap3A_414, %swap3A_415], %swap3A_418 {strides = array<i32>} : memref<2x50x128xf32, #tpu.memory_space<vmem>>, vector<1x1x16xf32>,
        %mul3A_419 = arith.constant 2 : i32
        %mul3A_420 = arith.muli %mul3A_419, %add3A_168 : i32
        %add3A_421 = arith.constant 0 : i32
        %add3A_422 = arith.addi %mul3A_420, %add3A_421 : i32
        %get3A_423 = arith.constant 1 : i32
        %get3A_424 = arith.index_cast %get3A_423 : i32 to index
        %get3A_425 = arith.index_cast %add3A_422 : i32 to index
        %get3A_426 = arith.constant 16 : index
        %get3A_427 = tpu.vector_load %arg9[%get3A_424, %get3A_425, %get3A_426] {strides = array<i32>} : memref<2x100x64xf32, #tpu.memory_space<vmem>>, vector<1x1x16xf32>,
        %get3A_428 = vector.shape_cast %get3A_427 : vector<1x1x16xf32> to vector<16xf32>
        %mul3A_429 = arith.constant 2 : i32
        %mul3A_430 = arith.muli %mul3A_429, %add3A_168 : i32
        %add3A_431 = arith.constant 0 : i32
        %add3A_432 = arith.addi %mul3A_430, %add3A_431 : i32
        %get3A_433 = arith.constant 1 : i32
        %get3A_434 = arith.index_cast %get3A_433 : i32 to index
        %get3A_435 = arith.index_cast %add3A_432 : i32 to index
        %get3A_436 = arith.constant 16 : index
        %get3A_437 = tpu.vector_load %arg7[%get3A_434, %get3A_435, %get3A_436] {strides = array<i32>} : memref<2x100x64xf32, #tpu.memory_space<vmem>>, vector<1x1x16xf32>,
        %get3A_438 = vector.shape_cast %get3A_437 : vector<1x1x16xf32> to vector<16xf32>
        %add3A_439 = arith.addf %get3A_428, %get3A_438 : vector<16xf32>
        %swap3A_440 = arith.constant 1 : i32
        %swap3A_441 = arith.index_cast %swap3A_440 : i32 to index
        %swap3A_442 = arith.index_cast %add3A_168 : i32 to index
        %swap3A_443 = arith.constant 16 : index
        %swap3A_444 = tpu.vector_load %arg11[%swap3A_441, %swap3A_442, %swap3A_443] {strides = array<i32>} : memref<2x50x128xf32, #tpu.memory_space<vmem>>, vector<1x1x16xf32>,
        %swap3A_445 = vector.shape_cast %swap3A_444 : vector<1x1x16xf32> to vector<16xf32>
        %swap3A_446 = vector.shape_cast %add3A_439 : vector<16xf32> to vector<1x1x16xf32>
        tpu.vector_store %arg11[%swap3A_441, %swap3A_442, %swap3A_443], %swap3A_446 {strides = array<i32>} : memref<2x50x128xf32, #tpu.memory_space<vmem>>, vector<1x1x16xf32>,
        %mul3A_447 = arith.constant 2 : i32
        %mul3A_448 = arith.muli %mul3A_447, %add3A_168 : i32
        %add3A_449 = arith.constant 0 : i32
        %add3A_450 = arith.addi %mul3A_448, %add3A_449 : i32
        %get3A_451 = arith.constant 1 : i32
        %get3A_452 = arith.index_cast %get3A_451 : i32 to index
        %get3A_453 = arith.index_cast %add3A_450 : i32 to index
        %get3A_454 = arith.constant 32 : index
        %get3A_455 = tpu.vector_load %arg9[%get3A_452, %get3A_453, %get3A_454] {strides = array<i32>} : memref<2x100x64xf32, #tpu.memory_space<vmem>>, vector<1x1x16xf32>,
        %get3A_456 = vector.shape_cast %get3A_455 : vector<1x1x16xf32> to vector<16xf32>
        %mul3A_457 = arith.constant 2 : i32
        %mul3A_458 = arith.muli %mul3A_457, %add3A_168 : i32
        %add3A_459 = arith.constant 0 : i32
        %add3A_460 = arith.addi %mul3A_458, %add3A_459 : i32
        %get3A_461 = arith.constant 1 : i32
        %get3A_462 = arith.index_cast %get3A_461 : i32 to index
        %get3A_463 = arith.index_cast %add3A_460 : i32 to index
        %get3A_464 = arith.constant 32 : index
        %get3A_465 = tpu.vector_load %arg7[%get3A_462, %get3A_463, %get3A_464] {strides = array<i32>} : memref<2x100x64xf32, #tpu.memory_space<vmem>>, vector<1x1x16xf32>,
        %get3A_466 = vector.shape_cast %get3A_465 : vector<1x1x16xf32> to vector<16xf32>
        %add3A_467 = arith.addf %get3A_456, %get3A_466 : vector<16xf32>
        %swap3A_468 = arith.constant 1 : i32
        %swap3A_469 = arith.index_cast %swap3A_468 : i32 to index
        %swap3A_470 = arith.index_cast %add3A_168 : i32 to index
        %swap3A_471 = arith.constant 32 : index
        %swap3A_472 = tpu.vector_load %arg11[%swap3A_469, %swap3A_470, %swap3A_471] {strides = array<i32>} : memref<2x50x128xf32, #tpu.memory_space<vmem>>, vector<1x1x16xf32>,
        %swap3A_473 = vector.shape_cast %swap3A_472 : vector<1x1x16xf32> to vector<16xf32>
        %swap3A_474 = vector.shape_cast %add3A_467 : vector<16xf32> to vector<1x1x16xf32>
        tpu.vector_store %arg11[%swap3A_469, %swap3A_470, %swap3A_471], %swap3A_474 {strides = array<i32>} : memref<2x50x128xf32, #tpu.memory_space<vmem>>, vector<1x1x16xf32>,
        %mul3A_475 = arith.constant 2 : i32
        %mul3A_476 = arith.muli %mul3A_475, %add3A_168 : i32
        %add3A_477 = arith.constant 0 : i32
        %add3A_478 = arith.addi %mul3A_476, %add3A_477 : i32
        %get3A_479 = arith.constant 1 : i32
        %get3A_480 = arith.index_cast %get3A_479 : i32 to index
        %get3A_481 = arith.index_cast %add3A_478 : i32 to index
        %get3A_482 = arith.constant 48 : index
        %get3A_483 = tpu.vector_load %arg9[%get3A_480, %get3A_481, %get3A_482] {strides = array<i32>} : memref<2x100x64xf32, #tpu.memory_space<vmem>>, vector<1x1x16xf32>,
        %get3A_484 = vector.shape_cast %get3A_483 : vector<1x1x16xf32> to vector<16xf32>
        %mul3A_485 = arith.constant 2 : i32
        %mul3A_486 = arith.muli %mul3A_485, %add3A_168 : i32
        %add3A_487 = arith.constant 0 : i32
        %add3A_488 = arith.addi %mul3A_486, %add3A_487 : i32
        %get3A_489 = arith.constant 1 : i32
        %get3A_490 = arith.index_cast %get3A_489 : i32 to index
        %get3A_491 = arith.index_cast %add3A_488 : i32 to index
        %get3A_492 = arith.constant 48 : index
        %get3A_493 = tpu.vector_load %arg7[%get3A_490, %get3A_491, %get3A_492] {strides = array<i32>} : memref<2x100x64xf32, #tpu.memory_space<vmem>>, vector<1x1x16xf32>,
        %get3A_494 = vector.shape_cast %get3A_493 : vector<1x1x16xf32> to vector<16xf32>
        %add3A_495 = arith.addf %get3A_484, %get3A_494 : vector<16xf32>
        %swap3A_496 = arith.constant 1 : i32
        %swap3A_497 = arith.index_cast %swap3A_496 : i32 to index
        %swap3A_498 = arith.index_cast %add3A_168 : i32 to index
        %swap3A_499 = arith.constant 48 : index
        %swap3A_500 = tpu.vector_load %arg11[%swap3A_497, %swap3A_498, %swap3A_499] {strides = array<i32>} : memref<2x50x128xf32, #tpu.memory_space<vmem>>, vector<1x1x16xf32>,
        %swap3A_501 = vector.shape_cast %swap3A_500 : vector<1x1x16xf32> to vector<16xf32>
        %swap3A_502 = vector.shape_cast %add3A_495 : vector<16xf32> to vector<1x1x16xf32>
        tpu.vector_store %arg11[%swap3A_497, %swap3A_498, %swap3A_499], %swap3A_502 {strides = array<i32>} : memref<2x50x128xf32, #tpu.memory_space<vmem>>, vector<1x1x16xf32>,
        %mul3A_503 = arith.constant 2 : i32
        %mul3A_504 = arith.muli %mul3A_503, %add3A_168 : i32
        %add3A_505 = arith.constant 1 : i32
        %add3A_506 = arith.addi %mul3A_504, %add3A_505 : i32
        %get3A_507 = arith.constant 1 : i32
        %get3A_508 = arith.index_cast %get3A_507 : i32 to index
        %get3A_509 = arith.index_cast %add3A_506 : i32 to index
        %get3A_510 = arith.constant 0 : index
        %get3A_511 = tpu.vector_load %arg9[%get3A_508, %get3A_509, %get3A_510] {strides = array<i32>} : memref<2x100x64xf32, #tpu.memory_space<vmem>>, vector<1x1x16xf32>,
        %get3A_512 = vector.shape_cast %get3A_511 : vector<1x1x16xf32> to vector<16xf32>
        %mul3A_513 = arith.constant 2 : i32
        %mul3A_514 = arith.muli %mul3A_513, %add3A_168 : i32
        %add3A_515 = arith.constant 1 : i32
        %add3A_516 = arith.addi %mul3A_514, %add3A_515 : i32
        %get3A_517 = arith.constant 1 : i32
        %get3A_518 = arith.index_cast %get3A_517 : i32 to index
        %get3A_519 = arith.index_cast %add3A_516 : i32 to index
        %get3A_520 = arith.constant 0 : index
        %get3A_521 = tpu.vector_load %arg7[%get3A_518, %get3A_519, %get3A_520] {strides = array<i32>} : memref<2x100x64xf32, #tpu.memory_space<vmem>>, vector<1x1x16xf32>,
        %get3A_522 = vector.shape_cast %get3A_521 : vector<1x1x16xf32> to vector<16xf32>
        %add3A_523 = arith.addf %get3A_512, %get3A_522 : vector<16xf32>
        %swap3A_524 = arith.constant 1 : i32
        %swap3A_525 = arith.index_cast %swap3A_524 : i32 to index
        %swap3A_526 = arith.index_cast %add3A_168 : i32 to index
        %swap3A_527 = arith.constant 64 : index
        %swap3A_528 = tpu.vector_load %arg11[%swap3A_525, %swap3A_526, %swap3A_527] {strides = array<i32>} : memref<2x50x128xf32, #tpu.memory_space<vmem>>, vector<1x1x16xf32>,
        %swap3A_529 = vector.shape_cast %swap3A_528 : vector<1x1x16xf32> to vector<16xf32>
        %swap3A_530 = vector.shape_cast %add3A_523 : vector<16xf32> to vector<1x1x16xf32>
        tpu.vector_store %arg11[%swap3A_525, %swap3A_526, %swap3A_527], %swap3A_530 {strides = array<i32>} : memref<2x50x128xf32, #tpu.memory_space<vmem>>, vector<1x1x16xf32>,
        %mul3A_531 = arith.constant 2 : i32
        %mul3A_532 = arith.muli %mul3A_531, %add3A_168 : i32
        %add3A_533 = arith.constant 1 : i32
        %add3A_534 = arith.addi %mul3A_532, %add3A_533 : i32
        %get3A_535 = arith.constant 1 : i32
        %get3A_536 = arith.index_cast %get3A_535 : i32 to index
        %get3A_537 = arith.index_cast %add3A_534 : i32 to index
        %get3A_538 = arith.constant 16 : index
        %get3A_539 = tpu.vector_load %arg9[%get3A_536, %get3A_537, %get3A_538] {strides = array<i32>} : memref<2x100x64xf32, #tpu.memory_space<vmem>>, vector<1x1x16xf32>,
        %get3A_540 = vector.shape_cast %get3A_539 : vector<1x1x16xf32> to vector<16xf32>
        %mul3A_541 = arith.constant 2 : i32
        %mul3A_542 = arith.muli %mul3A_541, %add3A_168 : i32
        %add3A_543 = arith.constant 1 : i32
        %add3A_544 = arith.addi %mul3A_542, %add3A_543 : i32
        %get3A_545 = arith.constant 1 : i32
        %get3A_546 = arith.index_cast %get3A_545 : i32 to index
        %get3A_547 = arith.index_cast %add3A_544 : i32 to index
        %get3A_548 = arith.constant 16 : index
        %get3A_549 = tpu.vector_load %arg7[%get3A_546, %get3A_547, %get3A_548] {strides = array<i32>} : memref<2x100x64xf32, #tpu.memory_space<vmem>>, vector<1x1x16xf32>,
        %get3A_550 = vector.shape_cast %get3A_549 : vector<1x1x16xf32> to vector<16xf32>
        %add3A_551 = arith.addf %get3A_540, %get3A_550 : vector<16xf32>
        %swap3A_552 = arith.constant 1 : i32
        %swap3A_553 = arith.index_cast %swap3A_552 : i32 to index
        %swap3A_554 = arith.index_cast %add3A_168 : i32 to index
        %swap3A_555 = arith.constant 80 : index
        %swap3A_556 = tpu.vector_load %arg11[%swap3A_553, %swap3A_554, %swap3A_555] {strides = array<i32>} : memref<2x50x128xf32, #tpu.memory_space<vmem>>, vector<1x1x16xf32>,
        %swap3A_557 = vector.shape_cast %swap3A_556 : vector<1x1x16xf32> to vector<16xf32>
        %swap3A_558 = vector.shape_cast %add3A_551 : vector<16xf32> to vector<1x1x16xf32>
        tpu.vector_store %arg11[%swap3A_553, %swap3A_554, %swap3A_555], %swap3A_558 {strides = array<i32>} : memref<2x50x128xf32, #tpu.memory_space<vmem>>, vector<1x1x16xf32>,
        %mul3A_559 = arith.constant 2 : i32
        %mul3A_560 = arith.muli %mul3A_559, %add3A_168 : i32
        %add3A_561 = arith.constant 1 : i32
        %add3A_562 = arith.addi %mul3A_560, %add3A_561 : i32
        %get3A_563 = arith.constant 1 : i32
        %get3A_564 = arith.index_cast %get3A_563 : i32 to index
        %get3A_565 = arith.index_cast %add3A_562 : i32 to index
        %get3A_566 = arith.constant 32 : index
        %get3A_567 = tpu.vector_load %arg9[%get3A_564, %get3A_565, %get3A_566] {strides = array<i32>} : memref<2x100x64xf32, #tpu.memory_space<vmem>>, vector<1x1x16xf32>,
        %get3A_568 = vector.shape_cast %get3A_567 : vector<1x1x16xf32> to vector<16xf32>
        %mul3A_569 = arith.constant 2 : i32
        %mul3A_570 = arith.muli %mul3A_569, %add3A_168 : i32
        %add3A_571 = arith.constant 1 : i32
        %add3A_572 = arith.addi %mul3A_570, %add3A_571 : i32
        %get3A_573 = arith.constant 1 : i32
        %get3A_574 = arith.index_cast %get3A_573 : i32 to index
        %get3A_575 = arith.index_cast %add3A_572 : i32 to index
        %get3A_576 = arith.constant 32 : index
        %get3A_577 = tpu.vector_load %arg7[%get3A_574, %get3A_575, %get3A_576] {strides = array<i32>} : memref<2x100x64xf32, #tpu.memory_space<vmem>>, vector<1x1x16xf32>,
        %get3A_578 = vector.shape_cast %get3A_577 : vector<1x1x16xf32> to vector<16xf32>
        %add3A_579 = arith.addf %get3A_568, %get3A_578 : vector<16xf32>
        %swap3A_580 = arith.constant 1 : i32
        %swap3A_581 = arith.index_cast %swap3A_580 : i32 to index
        %swap3A_582 = arith.index_cast %add3A_168 : i32 to index
        %swap3A_583 = arith.constant 96 : index
        %swap3A_584 = tpu.vector_load %arg11[%swap3A_581, %swap3A_582, %swap3A_583] {strides = array<i32>} : memref<2x50x128xf32, #tpu.memory_space<vmem>>, vector<1x1x16xf32>,
        %swap3A_585 = vector.shape_cast %swap3A_584 : vector<1x1x16xf32> to vector<16xf32>
        %swap3A_586 = vector.shape_cast %add3A_579 : vector<16xf32> to vector<1x1x16xf32>
        tpu.vector_store %arg11[%swap3A_581, %swap3A_582, %swap3A_583], %swap3A_586 {strides = array<i32>} : memref<2x50x128xf32, #tpu.memory_space<vmem>>, vector<1x1x16xf32>,
        %mul3A_587 = arith.constant 2 : i32
        %mul3A_588 = arith.muli %mul3A_587, %add3A_168 : i32
        %add3A_589 = arith.constant 1 : i32
        %add3A_590 = arith.addi %mul3A_588, %add3A_589 : i32
        %get3A_591 = arith.constant 1 : i32
        %get3A_592 = arith.index_cast %get3A_591 : i32 to index
        %get3A_593 = arith.index_cast %add3A_590 : i32 to index
        %get3A_594 = arith.constant 48 : index
        %get3A_595 = tpu.vector_load %arg9[%get3A_592, %get3A_593, %get3A_594] {strides = array<i32>} : memref<2x100x64xf32, #tpu.memory_space<vmem>>, vector<1x1x16xf32>,
        %get3A_596 = vector.shape_cast %get3A_595 : vector<1x1x16xf32> to vector<16xf32>
        %mul3A_597 = arith.constant 2 : i32
        %mul3A_598 = arith.muli %mul3A_597, %add3A_168 : i32
        %add3A_599 = arith.constant 1 : i32
        %add3A_600 = arith.addi %mul3A_598, %add3A_599 : i32
        %get3A_601 = arith.constant 1 : i32
        %get3A_602 = arith.index_cast %get3A_601 : i32 to index
        %get3A_603 = arith.index_cast %add3A_600 : i32 to index
        %get3A_604 = arith.constant 48 : index
        %get3A_605 = tpu.vector_load %arg7[%get3A_602, %get3A_603, %get3A_604] {strides = array<i32>} : memref<2x100x64xf32, #tpu.memory_space<vmem>>, vector<1x1x16xf32>,
        %get3A_606 = vector.shape_cast %get3A_605 : vector<1x1x16xf32> to vector<16xf32>
        %add3A_607 = arith.addf %get3A_596, %get3A_606 : vector<16xf32>
        %swap3A_608 = arith.constant 1 : i32
        %swap3A_609 = arith.index_cast %swap3A_608 : i32 to index
        %swap3A_610 = arith.index_cast %add3A_168 : i32 to index
        %swap3A_611 = arith.constant 112 : index
        %swap3A_612 = tpu.vector_load %arg11[%swap3A_609, %swap3A_610, %swap3A_611] {strides = array<i32>} : memref<2x50x128xf32, #tpu.memory_space<vmem>>, vector<1x1x16xf32>,
        %swap3A_613 = vector.shape_cast %swap3A_612 : vector<1x1x16xf32> to vector<16xf32>
        %swap3A_614 = vector.shape_cast %add3A_607 : vector<16xf32> to vector<1x1x16xf32>
        tpu.vector_store %arg11[%swap3A_609, %swap3A_610, %swap3A_611], %swap3A_614 {strides = array<i32>} : memref<2x50x128xf32, #tpu.memory_space<vmem>>, vector<1x1x16xf32>,
      }
      %scan3A_152 = arith.constant 50 : i32
      %add3A_153 = arith.addi %mul3A_2, %add3A_111 : i32
      %dma_start3A_154 = arith.constant 0 : i32
      %dma_start3A_155 = arith.constant 0 : i32
      %dma_start3A_156 = arith.constant 0 : i32
      %dma_start3A_157 = tpu.memref_slice %arg5[%add3A_153, %dma_start3A_154, %dma_start3A_155, %dma_start3A_156] : memref<2048x2x56x128xf32, #tpu.memory_space<hbm>> -> memref<1x2x50x128xf32, #tpu.memory_space<hbm>>
      %dma_start3A_158 = tpu.memref_squeeze %dma_start3A_157 : memref<1x2x50x128xf32, #tpu.memory_space<hbm>> -> memref<2x50x128xf32, #tpu.memory_space<hbm>>
      %dma_start3A_159 = arith.constant 0 : i32
      %dma_start3A_160 = arith.constant 0 : i32
      %dma_start3A_161 = arith.constant 0 : i32
      %dma_start3A_162 = tpu.memref_slice %arg5[%add3A_153, %dma_start3A_159, %dma_start3A_160, %dma_start3A_161] : memref<2048x2x56x128xf32, #tpu.memory_space<hbm>> -> memref<1x2x50x128xf32, #tpu.memory_space<hbm>>
      %dma_start3A_163 = tpu.memref_squeeze %dma_start3A_162 : memref<1x2x50x128xf32, #tpu.memory_space<hbm>> -> memref<2x50x128xf32, #tpu.memory_space<hbm>>
      tpu.enqueue_dma source(%arg11 : memref<2x50x128xf32, #tpu.memory_space<vmem>>) target(%dma_start3A_163 : memref<2x50x128xf32, #tpu.memory_space<hbm>>) target_semaphore(%arg15 : memref<!tpu.dma_semaphore, #tpu.memory_space<semaphore_mem>>)
    }
    %scan3A_31 = arith.constant 32 : i32
    %add3A_32 = arith.constant 62 : i32
    %add3A_33 = arith.addi %mul3A_2, %add3A_32 : i32
    %dma_wait3A = arith.constant 0 : i32
    %dma_wait3A_34 = arith.constant 0 : i32
    %dma_wait3A_35 = arith.constant 0 : i32
    %dma_wait3A_36 = tpu.memref_slice %arg5[%add3A_33, %dma_wait3A, %dma_wait3A_34, %dma_wait3A_35] : memref<2048x2x56x128xf32, #tpu.memory_space<hbm>> -> memref<1x2x50x128xf32, #tpu.memory_space<hbm>>
    %dma_wait3A_37 = tpu.memref_squeeze %dma_wait3A_36 : memref<1x2x50x128xf32, #tpu.memory_space<hbm>> -> memref<2x50x128xf32, #tpu.memory_space<hbm>>
    %dma_wait3A_38 = arith.constant 0 : i32
    %dma_wait3A_39 = arith.constant 0 : i32
    %dma_wait3A_40 = arith.constant 0 : i32
    %dma_wait3A_41 = tpu.memref_slice %arg5[%add3A_33, %dma_wait3A_38, %dma_wait3A_39, %dma_wait3A_40] : memref<2048x2x56x128xf32, #tpu.memory_space<hbm>> -> memref<1x2x50x128xf32, #tpu.memory_space<hbm>>
    %dma_wait3A_42 = tpu.memref_squeeze %dma_wait3A_41 : memref<1x2x50x128xf32, #tpu.memory_space<hbm>> -> memref<2x50x128xf32, #tpu.memory_space<hbm>>
    tpu.wait_dma2 semaphore(%arg14 : memref<!tpu.dma_semaphore, #tpu.memory_space<semaphore_mem>>) src(%arg10 : memref<2x50x128xf32, #tpu.memory_space<vmem>>) dst(%dma_wait3A_42 : memref<2x50x128xf32, #tpu.memory_space<hbm>>)
    %add3A_43 = arith.constant 63 : i32
    %add3A_44 = arith.addi %mul3A_2, %add3A_43 : i32
    %dma_wait3A_45 = arith.constant 0 : i32
    %dma_wait3A_46 = arith.constant 0 : i32
    %dma_wait3A_47 = arith.constant 0 : i32
    %dma_wait3A_48 = tpu.memref_slice %arg5[%add3A_44, %dma_wait3A_45, %dma_wait3A_46, %dma_wait3A_47] : memref<2048x2x56x128xf32, #tpu.memory_space<hbm>> -> memref<1x2x50x128xf32, #tpu.memory_space<hbm>>
    %dma_wait3A_49 = tpu.memref_squeeze %dma_wait3A_48 : memref<1x2x50x128xf32, #tpu.memory_space<hbm>> -> memref<2x50x128xf32, #tpu.memory_space<hbm>>
    %dma_wait3A_50 = arith.constant 0 : i32
    %dma_wait3A_51 = arith.constant 0 : i32
    %dma_wait3A_52 = arith.constant 0 : i32
    %dma_wait3A_53 = tpu.memref_slice %arg5[%add3A_44, %dma_wait3A_50, %dma_wait3A_51, %dma_wait3A_52] : memref<2048x2x56x128xf32, #tpu.memory_space<hbm>> -> memref<1x2x50x128xf32, #tpu.memory_space<hbm>>
    %dma_wait3A_54 = tpu.memref_squeeze %dma_wait3A_53 : memref<1x2x50x128xf32, #tpu.memory_space<hbm>> -> memref<2x50x128xf32, #tpu.memory_space<hbm>>
    tpu.wait_dma2 semaphore(%arg15 : memref<!tpu.dma_semaphore, #tpu.memory_space<semaphore_mem>>) src(%arg11 : memref<2x50x128xf32, #tpu.memory_space<vmem>>) dst(%dma_wait3A_54 : memref<2x50x128xf32, #tpu.memory_space<hbm>>)
    return
  }
}

#map = affine_map<(d0, d1) -> (0, 0, 0)>
#map1 = affine_map<(d0, d1) -> (0, 0)>
#map2 = affine_map<(d0, d1) -> (0, 0, 0, 0)>
module attributes {stable_mosaic.version = 14 : i64} {
  func.func @_gather_body(%arg0: i32, %arg1: i32, %arg2: memref<2048x2x100xi32, #tpu.memory_space<hbm>>, %arg3: memref<100000x64xf32, #tpu.memory_space<hbm>>, %arg4: memref<2x100x64xf32, #tpu.memory_space<hbm>>, %arg5: memref<2048x2x56x128xf32, #tpu.memory_space<hbm>>, %arg6: memref<64x2x100xi32, #tpu.memory_space<vmem>>, %arg7: memref<2x100x64xf32, #tpu.memory_space<vmem>>, %arg8: memref<2x100x64xf32, #tpu.memory_space<vmem>>, %arg9: memref<2x100x64xf32, #tpu.memory_space<vmem>>, %arg10: memref<2x50x128xf32, #tpu.memory_space<vmem>>, %arg11: memref<2x50x128xf32, #tpu.memory_space<vmem>>, %arg12: memref<!tpu.dma_semaphore, #tpu.memory_space<semaphore_mem>>, %arg13: memref<!tpu.dma_semaphore, #tpu.memory_space<semaphore_mem>>, %arg14: memref<!tpu.dma_semaphore, #tpu.memory_space<semaphore_mem>>, %arg15: memref<!tpu.dma_semaphore, #tpu.memory_space<semaphore_mem>>) attributes {dimension_semantics = [#tpu.dimension_semantics<core_parallel>, #tpu.dimension_semantics<subcore_parallel>], iteration_bounds = array<i64: 2, 16>, scalar_prefetch = 0 : i64, scratch_operands = 10 : i64, tpu.core_type = #tpu.core_type<sc_vector_subcore>, window_params = [{transform_indices = #map}, {transform_indices = #map1}, {transform_indices = #map}, {transform_indices = #map2}]} {
    %mul3A = arith.constant 2 : i32
    %mul3A_0 = arith.muli %arg1, %mul3A : i32
    %add3A = arith.addi %mul3A_0, %arg0 : i32
    %mul3A_1 = arith.constant 64 : i32
    %mul3A_2 = arith.muli %add3A, %mul3A_1 : i32
    "tpu.region"() ({
      %run_scoped3A = tpu.sem_alloc : memref<!tpu.dma_semaphore, #tpu.memory_space<semaphore_mem>>
      tpu.enqueue_dma source(%arg4 : memref<2x100x64xf32, #tpu.memory_space<hbm>>) target(%arg7 : memref<2x100x64xf32, #tpu.memory_space<vmem>>) target_semaphore(%run_scoped3A : memref<!tpu.dma_semaphore, #tpu.memory_space<semaphore_mem>>)
      tpu.wait_dma2 semaphore(%run_scoped3A : memref<!tpu.dma_semaphore, #tpu.memory_space<semaphore_mem>>) src(%arg4 : memref<2x100x64xf32, #tpu.memory_space<hbm>>) dst(%arg7 : memref<2x100x64xf32, #tpu.memory_space<vmem>>)
      tpu.yield
    }) : () -> ()
    "tpu.region"() ({
      %run_scoped3A = tpu.sem_alloc : memref<!tpu.dma_semaphore, #tpu.memory_space<semaphore_mem>>
      %dma_start3A_55 = arith.constant 0 : i32
      %dma_start3A_56 = arith.constant 0 : i32
      %dma_start3A_57 = tpu.memref_slice %arg2[%mul3A_2, %dma_start3A_55, %dma_start3A_56] : memref<2048x2x100xi32, #tpu.memory_space<hbm>> -> memref<64x2x100xi32, #tpu.memory_space<hbm>>
      %dma_start3A_58 = arith.constant 0 : i32
      %dma_start3A_59 = arith.constant 0 : i32
      %dma_start3A_60 = tpu.memref_slice %arg2[%mul3A_2, %dma_start3A_58, %dma_start3A_59] : memref<2048x2x100xi32, #tpu.memory_space<hbm>> -> memref<64x2x100xi32, #tpu.memory_space<hbm>>
      tpu.enqueue_dma source(%dma_start3A_60 : memref<64x2x100xi32, #tpu.memory_space<hbm>>) target(%arg6 : memref<64x2x100xi32, #tpu.memory_space<vmem>>) target_semaphore(%run_scoped3A : memref<!tpu.dma_semaphore, #tpu.memory_space<semaphore_mem>>)
      %dma_wait3A_61 = arith.constant 0 : i32
      %dma_wait3A_62 = arith.constant 0 : i32
      %dma_wait3A_63 = tpu.memref_slice %arg2[%mul3A_2, %dma_wait3A_61, %dma_wait3A_62] : memref<2048x2x100xi32, #tpu.memory_space<hbm>> -> memref<64x2x100xi32, #tpu.memory_space<hbm>>
      %dma_wait3A_64 = arith.constant 0 : i32
      %dma_wait3A_65 = arith.constant 0 : i32
      %dma_wait3A_66 = tpu.memref_slice %arg2[%mul3A_2, %dma_wait3A_64, %dma_wait3A_65] : memref<2048x2x100xi32, #tpu.memory_space<hbm>> -> memref<64x2x100xi32, #tpu.memory_space<hbm>>
      tpu.wait_dma2 semaphore(%run_scoped3A : memref<!tpu.dma_semaphore, #tpu.memory_space<semaphore_mem>>) src(%dma_wait3A_66 : memref<64x2x100xi32, #tpu.memory_space<hbm>>) dst(%arg6 : memref<64x2x100xi32, #tpu.memory_space<vmem>>)
      tpu.yield
    }) : () -> ()
    %dma_start3A = arith.constant 0 : i32
    %dma_start3A_3 = arith.constant 0 : i32
    %dma_start3A_4 = arith.constant 0 : i32
    %dma_start3A_5 = arith.constant 0 : i32
    %dma_start3A_6 = arith.constant 0 : i32
    %dma_start3A_7 = tpu.memref_slice %arg8[%dma_start3A_4, %dma_start3A_5, %dma_start3A_6] : memref<2x100x64xf32, #tpu.memory_space<vmem>> -> memref<1x100x64xf32, #tpu.memory_space<vmem>>
    %dma_start3A_8 = tpu.memref_squeeze %dma_start3A_7 : memref<1x100x64xf32, #tpu.memory_space<vmem>> -> memref<100x64xf32, #tpu.memory_space<vmem>>
    %dma_start3A_9 = arith.constant 0 : i32
    %dma_start3A_10 = tpu.memref_slice %arg6[%dma_start3A, %dma_start3A_3, %dma_start3A_9] : memref<64x2x100xi32, #tpu.memory_space<vmem>> -> memref<1x1x100xi32, #tpu.memory_space<vmem>>
    %dma_start3A_11 = tpu.memref_squeeze %dma_start3A_10 : memref<1x1x100xi32, #tpu.memory_space<vmem>> -> memref<100xi32, #tpu.memory_space<vmem>>
    %dma_start3A_12 = arith.constant 0 : i32
    %dma_start3A_13 = arith.constant 0 : i32
    %dma_start3A_14 = tpu.memref_slice %arg3[%dma_start3A_12, %dma_start3A_13] : memref<100000x64xf32, #tpu.memory_space<hbm>> -> memref<100000x64xf32, #tpu.memory_space<hbm>>
    tpu.enqueue_indirect_dma source(%dma_start3A_14 : memref<100000x64xf32, #tpu.memory_space<hbm>>) target(%dma_start3A_8 : memref<100x64xf32, #tpu.memory_space<vmem>>) offsets(%dma_start3A_11 : memref<100xi32, #tpu.memory_space<vmem>>) semaphore(%arg12 : memref<!tpu.dma_semaphore, #tpu.memory_space<semaphore_mem>>)
    %dma_start3A_15 = arith.constant 0 : i32
    %dma_start3A_16 = arith.constant 1 : i32
    %dma_start3A_17 = arith.constant 1 : i32
    %dma_start3A_18 = arith.constant 0 : i32
    %dma_start3A_19 = arith.constant 0 : i32
    %dma_start3A_20 = tpu.memref_slice %arg8[%dma_start3A_17, %dma_start3A_18, %dma_start3A_19] : memref<2x100x64xf32, #tpu.memory_space<vmem>> -> memref<1x100x64xf32, #tpu.memory_space<vmem>>
    %dma_start3A_21 = tpu.memref_squeeze %dma_start3A_20 : memref<1x100x64xf32, #tpu.memory_space<vmem>> -> memref<100x64xf32, #tpu.memory_space<vmem>>
    %dma_start3A_22 = arith.constant 0 : i32
    %dma_start3A_23 = tpu.memref_slice %arg6[%dma_start3A_15, %dma_start3A_16, %dma_start3A_22] : memref<64x2x100xi32, #tpu.memory_space<vmem>> -> memref<1x1x100xi32, #tpu.memory_space<vmem>>
    %dma_start3A_24 = tpu.memref_squeeze %dma_start3A_23 : memref<1x1x100xi32, #tpu.memory_space<vmem>> -> memref<100xi32, #tpu.memory_space<vmem>>
    %dma_start3A_25 = arith.constant 0 : i32
    %dma_start3A_26 = arith.constant 0 : i32
    %dma_start3A_27 = tpu.memref_slice %arg3[%dma_start3A_25, %dma_start3A_26] : memref<100000x64xf32, #tpu.memory_space<hbm>> -> memref<100000x64xf32, #tpu.memory_space<hbm>>
    tpu.enqueue_indirect_dma source(%dma_start3A_27 : memref<100000x64xf32, #tpu.memory_space<hbm>>) target(%dma_start3A_21 : memref<100x64xf32, #tpu.memory_space<vmem>>) offsets(%dma_start3A_24 : memref<100xi32, #tpu.memory_space<vmem>>) semaphore(%arg12 : memref<!tpu.dma_semaphore, #tpu.memory_space<semaphore_mem>>)
    %scan3A = arith.constant 0 : i32
    %scan3A_28 = arith.constant 32 : i32
    %scan3A_29 = arith.addi %scan3A, %scan3A_28 : i32
    %scan3A_30 = arith.constant 1 : i32
    scf.for %scan3A_55 = %scan3A to %scan3A_29 step %scan3A_30  : i32 {
      %mul3A_56 = arith.constant 2 : i32
      %mul3A_57 = arith.muli %scan3A_55, %mul3A_56 : i32
      %add3A_58 = arith.constant 0 : i32
      %add3A_59 = arith.addi %add3A_58, %mul3A_57 : i32
      %add3A_60 = arith.constant 0 : i32
      %add3A_61 = arith.addi %add3A_59, %add3A_60 : i32
      %add3A_62 = arith.constant 1 : i32
      %add3A_63 = arith.addi %add3A_61, %add3A_62 : i32
      %lt3A = arith.constant 64 : i32
      %lt3A_64 = arith.cmpi slt, %add3A_63, %lt3A : i32
      %convert_element_type3A = arith.extui %lt3A_64 : i1 to i32
      %cond3A = arith.constant 0 : i32
      %cond3A_65 = arith.cmpi ne, %convert_element_type3A, %cond3A : i32
      scf.if %cond3A_65 {
        %add3A_164 = arith.constant 1 : i32
        %add3A_165 = arith.addi %add3A_61, %add3A_164 : i32
        %dma_start3A_166 = arith.constant 0 : i32
        %dma_start3A_167 = arith.constant 0 : i32
        %dma_start3A_168 = arith.constant 0 : i32
        %dma_start3A_169 = arith.constant 0 : i32
        %dma_start3A_170 = tpu.memref_slice %arg9[%dma_start3A_167, %dma_start3A_168, %dma_start3A_169] : memref<2x100x64xf32, #tpu.memory_space<vmem>> -> memref<1x100x64xf32, #tpu.memory_space<vmem>>
        %dma_start3A_171 = tpu.memref_squeeze %dma_start3A_170 : memref<1x100x64xf32, #tpu.memory_space<vmem>> -> memref<100x64xf32, #tpu.memory_space<vmem>>
        %dma_start3A_172 = arith.constant 0 : i32
        %dma_start3A_173 = tpu.memref_slice %arg6[%add3A_165, %dma_start3A_166, %dma_start3A_172] : memref<64x2x100xi32, #tpu.memory_space<vmem>> -> memref<1x1x100xi32, #tpu.memory_space<vmem>>
        %dma_start3A_174 = tpu.memref_squeeze %dma_start3A_173 : memref<1x1x100xi32, #tpu.memory_space<vmem>> -> memref<100xi32, #tpu.memory_space<vmem>>
        %dma_start3A_175 = arith.constant 0 : i32
        %dma_start3A_176 = arith.constant 0 : i32
        %dma_start3A_177 = tpu.memref_slice %arg3[%dma_start3A_175, %dma_start3A_176] : memref<100000x64xf32, #tpu.memory_space<hbm>> -> memref<100000x64xf32, #tpu.memory_space<hbm>>
        tpu.enqueue_indirect_dma source(%dma_start3A_177 : memref<100000x64xf32, #tpu.memory_space<hbm>>) target(%dma_start3A_171 : memref<100x64xf32, #tpu.memory_space<vmem>>) offsets(%dma_start3A_174 : memref<100xi32, #tpu.memory_space<vmem>>) semaphore(%arg13 : memref<!tpu.dma_semaphore, #tpu.memory_space<semaphore_mem>>)
        %dma_start3A_178 = arith.constant 1 : i32
        %dma_start3A_179 = arith.constant 1 : i32
        %dma_start3A_180 = arith.constant 0 : i32
        %dma_start3A_181 = arith.constant 0 : i32
        %dma_start3A_182 = tpu.memref_slice %arg9[%dma_start3A_179, %dma_start3A_180, %dma_start3A_181] : memref<2x100x64xf32, #tpu.memory_space<vmem>> -> memref<1x100x64xf32, #tpu.memory_space<vmem>>
        %dma_start3A_183 = tpu.memref_squeeze %dma_start3A_182 : memref<1x100x64xf32, #tpu.memory_space<vmem>> -> memref<100x64xf32, #tpu.memory_space<vmem>>
        %dma_start3A_184 = arith.constant 0 : i32
        %dma_start3A_185 = tpu.memref_slice %arg6[%add3A_165, %dma_start3A_178, %dma_start3A_184] : memref<64x2x100xi32, #tpu.memory_space<vmem>> -> memref<1x1x100xi32, #tpu.memory_space<vmem>>
        %dma_start3A_186 = tpu.memref_squeeze %dma_start3A_185 : memref<1x1x100xi32, #tpu.memory_space<vmem>> -> memref<100xi32, #tpu.memory_space<vmem>>
        %dma_start3A_187 = arith.constant 0 : i32
        %dma_start3A_188 = arith.constant 0 : i32
        %dma_start3A_189 = tpu.memref_slice %arg3[%dma_start3A_187, %dma_start3A_188] : memref<100000x64xf32, #tpu.memory_space<hbm>> -> memref<100000x64xf32, #tpu.memory_space<hbm>>
        tpu.enqueue_indirect_dma source(%dma_start3A_189 : memref<100000x64xf32, #tpu.memory_space<hbm>>) target(%dma_start3A_183 : memref<100x64xf32, #tpu.memory_space<vmem>>) offsets(%dma_start3A_186 : memref<100xi32, #tpu.memory_space<vmem>>) semaphore(%arg13 : memref<!tpu.dma_semaphore, #tpu.memory_space<semaphore_mem>>)
      } else {
      }
      %dma_wait3A_66 = arith.constant 0 : i32
      %dma_wait3A_67 = arith.constant 0 : i32
      %dma_wait3A_68 = arith.constant 0 : i32
      %dma_wait3A_69 = arith.constant 0 : i32
      %dma_wait3A_70 = tpu.memref_slice %arg8[%dma_wait3A_67, %dma_wait3A_68, %dma_wait3A_69] : memref<2x100x64xf32, #tpu.memory_space<vmem>> -> memref<1x100x64xf32, #tpu.memory_space<vmem>>
      %dma_wait3A_71 = tpu.memref_squeeze %dma_wait3A_70 : memref<1x100x64xf32, #tpu.memory_space<vmem>> -> memref<100x64xf32, #tpu.memory_space<vmem>>
      %dma_wait3A_72 = arith.constant 0 : i32
      %dma_wait3A_73 = tpu.memref_slice %arg6[%add3A_61, %dma_wait3A_66, %dma_wait3A_72] : memref<64x2x100xi32, #tpu.memory_space<vmem>> -> memref<1x1x100xi32, #tpu.memory_space<vmem>>
      %dma_wait3A_74 = tpu.memref_squeeze %dma_wait3A_73 : memref<1x1x100xi32, #tpu.memory_space<vmem>> -> memref<100xi32, #tpu.memory_space<vmem>>
      %dma_wait3A_75 = arith.constant 0 : i32
      %dma_wait3A_76 = arith.constant 0 : i32
      %dma_wait3A_77 = tpu.memref_slice %arg3[%dma_wait3A_75, %dma_wait3A_76] : memref<100000x64xf32, #tpu.memory_space<hbm>> -> memref<100000x64xf32, #tpu.memory_space<hbm>>
      tpu.wait_indirect_dma semaphore(%arg12 : memref<!tpu.dma_semaphore, #tpu.memory_space<semaphore_mem>>) src(%dma_wait3A_77 : memref<100000x64xf32, #tpu.memory_space<hbm>>) dst(%dma_wait3A_71 : memref<100x64xf32, #tpu.memory_space<vmem>>)
      %dma_wait3A_78 = arith.constant 1 : i32
      %dma_wait3A_79 = arith.constant 1 : i32
      %dma_wait3A_80 = arith.constant 0 : i32
      %dma_wait3A_81 = arith.constant 0 : i32
      %dma_wait3A_82 = tpu.memref_slice %arg8[%dma_wait3A_79, %dma_wait3A_80, %dma_wait3A_81] : memref<2x100x64xf32, #tpu.memory_space<vmem>> -> memref<1x100x64xf32, #tpu.memory_space<vmem>>
      %dma_wait3A_83 = tpu.memref_squeeze %dma_wait3A_82 : memref<1x100x64xf32, #tpu.memory_space<vmem>> -> memref<100x64xf32, #tpu.memory_space<vmem>>
      %dma_wait3A_84 = arith.constant 0 : i32
      %dma_wait3A_85 = tpu.memref_slice %arg6[%add3A_61, %dma_wait3A_78, %dma_wait3A_84] : memref<64x2x100xi32, #tpu.memory_space<vmem>> -> memref<1x1x100xi32, #tpu.memory_space<vmem>>
      %dma_wait3A_86 = tpu.memref_squeeze %dma_wait3A_85 : memref<1x1x100xi32, #tpu.memory_space<vmem>> -> memref<100xi32, #tpu.memory_space<vmem>>
      %dma_wait3A_87 = arith.constant 0 : i32
      %dma_wait3A_88 = arith.constant 0 : i32
      %dma_wait3A_89 = tpu.memref_slice %arg3[%dma_wait3A_87, %dma_wait3A_88] : memref<100000x64xf32, #tpu.memory_space<hbm>> -> memref<100000x64xf32, #tpu.memory_space<hbm>>
      tpu.wait_indirect_dma semaphore(%arg12 : memref<!tpu.dma_semaphore, #tpu.memory_space<semaphore_mem>>) src(%dma_wait3A_89 : memref<100000x64xf32, #tpu.memory_space<hbm>>) dst(%dma_wait3A_83 : memref<100x64xf32, #tpu.memory_space<vmem>>)
      %ge3A = arith.constant 2 : i32
      %ge3A_90 = arith.cmpi sge, %add3A_61, %ge3A : i32
      %convert_element_type3A_91 = arith.extui %ge3A_90 : i1 to i32
      %cond3A_92 = arith.constant 0 : i32
      %cond3A_93 = arith.cmpi ne, %convert_element_type3A_91, %cond3A_92 : i32
      scf.if %cond3A_93 {
        %sub3A = arith.constant 2 : i32
        %sub3A_164 = arith.subi %add3A_61, %sub3A : i32
        %add3A_165 = arith.addi %mul3A_2, %sub3A_164 : i32
        %dma_wait3A_166 = arith.constant 0 : i32
        %dma_wait3A_167 = arith.constant 0 : i32
        %dma_wait3A_168 = arith.constant 0 : i32
        %dma_wait3A_169 = tpu.memref_slice %arg5[%add3A_165, %dma_wait3A_166, %dma_wait3A_167, %dma_wait3A_168] : memref<2048x2x56x128xf32, #tpu.memory_space<hbm>> -> memref<1x2x50x128xf32, #tpu.memory_space<hbm>>
        %dma_wait3A_170 = tpu.memref_squeeze %dma_wait3A_169 : memref<1x2x50x128xf32, #tpu.memory_space<hbm>> -> memref<2x50x128xf32, #tpu.memory_space<hbm>>
        %dma_wait3A_171 = arith.constant 0 : i32
        %dma_wait3A_172 = arith.constant 0 : i32
        %dma_wait3A_173 = arith.constant 0 : i32
        %dma_wait3A_174 = tpu.memref_slice %arg5[%add3A_165, %dma_wait3A_171, %dma_wait3A_172, %dma_wait3A_173] : memref<2048x2x56x128xf32, #tpu.memory_space<hbm>> -> memref<1x2x50x128xf32, #tpu.memory_space<hbm>>
        %dma_wait3A_175 = tpu.memref_squeeze %dma_wait3A_174 : memref<1x2x50x128xf32, #tpu.memory_space<hbm>> -> memref<2x50x128xf32, #tpu.memory_space<hbm>>
        tpu.wait_dma2 semaphore(%arg14 : memref<!tpu.dma_semaphore, #tpu.memory_space<semaphore_mem>>) src(%arg10 : memref<2x50x128xf32, #tpu.memory_space<vmem>>) dst(%dma_wait3A_175 : memref<2x50x128xf32, #tpu.memory_space<hbm>>)
      } else {
      }
      %scan3A_94 = arith.constant 0 : i32
      %scan3A_95 = arith.constant 50 : i32
      %scan3A_96 = arith.addi %scan3A_94, %scan3A_95 : i32
      %scan3A_97 = arith.constant 1 : i32
      scf.for %scan3A_164 = %scan3A_94 to %scan3A_96 step %scan3A_97  : i32 {
        %mul3A_165 = arith.constant 1 : i32
        %mul3A_166 = arith.muli %scan3A_164, %mul3A_165 : i32
        %add3A_167 = arith.constant 0 : i32
        %add3A_168 = arith.addi %add3A_167, %mul3A_166 : i32
        %mul3A_169 = arith.constant 2 : i32
        %mul3A_170 = arith.muli %mul3A_169, %add3A_168 : i32
        %add3A_171 = arith.constant 0 : i32
        %add3A_172 = arith.addi %mul3A_170, %add3A_171 : i32
        %get3A = arith.constant 0 : i32
        %get3A_173 = arith.index_cast %get3A : i32 to index
        %get3A_174 = arith.index_cast %add3A_172 : i32 to index
        %get3A_175 = arith.constant 0 : index
        %get3A_176 = tpu.vector_load %arg8[%get3A_173, %get3A_174, %get3A_175] {strides = array<i32>} : memref<2x100x64xf32, #tpu.memory_space<vmem>>, vector<1x1x16xf32>,
        %get3A_177 = vector.shape_cast %get3A_176 : vector<1x1x16xf32> to vector<16xf32>
        %mul3A_178 = arith.constant 2 : i32
        %mul3A_179 = arith.muli %mul3A_178, %add3A_168 : i32
        %add3A_180 = arith.constant 0 : i32
        %add3A_181 = arith.addi %mul3A_179, %add3A_180 : i32
        %get3A_182 = arith.constant 0 : i32
        %get3A_183 = arith.index_cast %get3A_182 : i32 to index
        %get3A_184 = arith.index_cast %add3A_181 : i32 to index
        %get3A_185 = arith.constant 0 : index
        %get3A_186 = tpu.vector_load %arg7[%get3A_183, %get3A_184, %get3A_185] {strides = array<i32>} : memref<2x100x64xf32, #tpu.memory_space<vmem>>, vector<1x1x16xf32>,
        %get3A_187 = vector.shape_cast %get3A_186 : vector<1x1x16xf32> to vector<16xf32>
        %add3A_188 = arith.addf %get3A_177, %get3A_187 : vector<16xf32>
        %swap3A = arith.constant 0 : i32
        %swap3A_189 = arith.index_cast %swap3A : i32 to index
        %swap3A_190 = arith.index_cast %add3A_168 : i32 to index
        %swap3A_191 = arith.constant 0 : index
        %swap3A_192 = tpu.vector_load %arg10[%swap3A_189, %swap3A_190, %swap3A_191] {strides = array<i32>} : memref<2x50x128xf32, #tpu.memory_space<vmem>>, vector<1x1x16xf32>,
        %swap3A_193 = vector.shape_cast %swap3A_192 : vector<1x1x16xf32> to vector<16xf32>
        %swap3A_194 = vector.shape_cast %add3A_188 : vector<16xf32> to vector<1x1x16xf32>
        tpu.vector_store %arg10[%swap3A_189, %swap3A_190, %swap3A_191], %swap3A_194 {strides = array<i32>} : memref<2x50x128xf32, #tpu.memory_space<vmem>>, vector<1x1x16xf32>,
        %mul3A_195 = arith.constant 2 : i32
        %mul3A_196 = arith.muli %mul3A_195, %add3A_168 : i32
        %add3A_197 = arith.constant 0 : i32
        %add3A_198 = arith.addi %mul3A_196, %add3A_197 : i32
        %get3A_199 = arith.constant 0 : i32
        %get3A_200 = arith.index_cast %get3A_199 : i32 to index
        %get3A_201 = arith.index_cast %add3A_198 : i32 to index
        %get3A_202 = arith.constant 16 : index
        %get3A_203 = tpu.vector_load %arg8[%get3A_200, %get3A_201, %get3A_202] {strides = array<i32>} : memref<2x100x64xf32, #tpu.memory_space<vmem>>, vector<1x1x16xf32>,
        %get3A_204 = vector.shape_cast %get3A_203 : vector<1x1x16xf32> to vector<16xf32>
        %mul3A_205 = arith.constant 2 : i32
        %mul3A_206 = arith.muli %mul3A_205, %add3A_168 : i32
        %add3A_207 = arith.constant 0 : i32
        %add3A_208 = arith.addi %mul3A_206, %add3A_207 : i32
        %get3A_209 = arith.constant 0 : i32
        %get3A_210 = arith.index_cast %get3A_209 : i32 to index
        %get3A_211 = arith.index_cast %add3A_208 : i32 to index
        %get3A_212 = arith.constant 16 : index
        %get3A_213 = tpu.vector_load %arg7[%get3A_210, %get3A_211, %get3A_212] {strides = array<i32>} : memref<2x100x64xf32, #tpu.memory_space<vmem>>, vector<1x1x16xf32>,
        %get3A_214 = vector.shape_cast %get3A_213 : vector<1x1x16xf32> to vector<16xf32>
        %add3A_215 = arith.addf %get3A_204, %get3A_214 : vector<16xf32>
        %swap3A_216 = arith.constant 0 : i32
        %swap3A_217 = arith.index_cast %swap3A_216 : i32 to index
        %swap3A_218 = arith.index_cast %add3A_168 : i32 to index
        %swap3A_219 = arith.constant 16 : index
        %swap3A_220 = tpu.vector_load %arg10[%swap3A_217, %swap3A_218, %swap3A_219] {strides = array<i32>} : memref<2x50x128xf32, #tpu.memory_space<vmem>>, vector<1x1x16xf32>,
        %swap3A_221 = vector.shape_cast %swap3A_220 : vector<1x1x16xf32> to vector<16xf32>
        %swap3A_222 = vector.shape_cast %add3A_215 : vector<16xf32> to vector<1x1x16xf32>
        tpu.vector_store %arg10[%swap3A_217, %swap3A_218, %swap3A_219], %swap3A_222 {strides = array<i32>} : memref<2x50x128xf32, #tpu.memory_space<vmem>>, vector<1x1x16xf32>,
        %mul3A_223 = arith.constant 2 : i32
        %mul3A_224 = arith.muli %mul3A_223, %add3A_168 : i32
        %add3A_225 = arith.constant 0 : i32
        %add3A_226 = arith.addi %mul3A_224, %add3A_225 : i32
        %get3A_227 = arith.constant 0 : i32
        %get3A_228 = arith.index_cast %get3A_227 : i32 to index
        %get3A_229 = arith.index_cast %add3A_226 : i32 to index
        %get3A_230 = arith.constant 32 : index
        %get3A_231 = tpu.vector_load %arg8[%get3A_228, %get3A_229, %get3A_230] {strides = array<i32>} : memref<2x100x64xf32, #tpu.memory_space<vmem>>, vector<1x1x16xf32>,
        %get3A_232 = vector.shape_cast %get3A_231 : vector<1x1x16xf32> to vector<16xf32>
        %mul3A_233 = arith.constant 2 : i32
        %mul3A_234 = arith.muli %mul3A_233, %add3A_168 : i32
        %add3A_235 = arith.constant 0 : i32
        %add3A_236 = arith.addi %mul3A_234, %add3A_235 : i32
        %get3A_237 = arith.constant 0 : i32
        %get3A_238 = arith.index_cast %get3A_237 : i32 to index
        %get3A_239 = arith.index_cast %add3A_236 : i32 to index
        %get3A_240 = arith.constant 32 : index
        %get3A_241 = tpu.vector_load %arg7[%get3A_238, %get3A_239, %get3A_240] {strides = array<i32>} : memref<2x100x64xf32, #tpu.memory_space<vmem>>, vector<1x1x16xf32>,
        %get3A_242 = vector.shape_cast %get3A_241 : vector<1x1x16xf32> to vector<16xf32>
        %add3A_243 = arith.addf %get3A_232, %get3A_242 : vector<16xf32>
        %swap3A_244 = arith.constant 0 : i32
        %swap3A_245 = arith.index_cast %swap3A_244 : i32 to index
        %swap3A_246 = arith.index_cast %add3A_168 : i32 to index
        %swap3A_247 = arith.constant 32 : index
        %swap3A_248 = tpu.vector_load %arg10[%swap3A_245, %swap3A_246, %swap3A_247] {strides = array<i32>} : memref<2x50x128xf32, #tpu.memory_space<vmem>>, vector<1x1x16xf32>,
        %swap3A_249 = vector.shape_cast %swap3A_248 : vector<1x1x16xf32> to vector<16xf32>
        %swap3A_250 = vector.shape_cast %add3A_243 : vector<16xf32> to vector<1x1x16xf32>
        tpu.vector_store %arg10[%swap3A_245, %swap3A_246, %swap3A_247], %swap3A_250 {strides = array<i32>} : memref<2x50x128xf32, #tpu.memory_space<vmem>>, vector<1x1x16xf32>,
        %mul3A_251 = arith.constant 2 : i32
        %mul3A_252 = arith.muli %mul3A_251, %add3A_168 : i32
        %add3A_253 = arith.constant 0 : i32
        %add3A_254 = arith.addi %mul3A_252, %add3A_253 : i32
        %get3A_255 = arith.constant 0 : i32
        %get3A_256 = arith.index_cast %get3A_255 : i32 to index
        %get3A_257 = arith.index_cast %add3A_254 : i32 to index
        %get3A_258 = arith.constant 48 : index
        %get3A_259 = tpu.vector_load %arg8[%get3A_256, %get3A_257, %get3A_258] {strides = array<i32>} : memref<2x100x64xf32, #tpu.memory_space<vmem>>, vector<1x1x16xf32>,
        %get3A_260 = vector.shape_cast %get3A_259 : vector<1x1x16xf32> to vector<16xf32>
        %mul3A_261 = arith.constant 2 : i32
        %mul3A_262 = arith.muli %mul3A_261, %add3A_168 : i32
        %add3A_263 = arith.constant 0 : i32
        %add3A_264 = arith.addi %mul3A_262, %add3A_263 : i32
        %get3A_265 = arith.constant 0 : i32
        %get3A_266 = arith.index_cast %get3A_265 : i32 to index
        %get3A_267 = arith.index_cast %add3A_264 : i32 to index
        %get3A_268 = arith.constant 48 : index
        %get3A_269 = tpu.vector_load %arg7[%get3A_266, %get3A_267, %get3A_268] {strides = array<i32>} : memref<2x100x64xf32, #tpu.memory_space<vmem>>, vector<1x1x16xf32>,
        %get3A_270 = vector.shape_cast %get3A_269 : vector<1x1x16xf32> to vector<16xf32>
        %add3A_271 = arith.addf %get3A_260, %get3A_270 : vector<16xf32>
        %swap3A_272 = arith.constant 0 : i32
        %swap3A_273 = arith.index_cast %swap3A_272 : i32 to index
        %swap3A_274 = arith.index_cast %add3A_168 : i32 to index
        %swap3A_275 = arith.constant 48 : index
        %swap3A_276 = tpu.vector_load %arg10[%swap3A_273, %swap3A_274, %swap3A_275] {strides = array<i32>} : memref<2x50x128xf32, #tpu.memory_space<vmem>>, vector<1x1x16xf32>,
        %swap3A_277 = vector.shape_cast %swap3A_276 : vector<1x1x16xf32> to vector<16xf32>
        %swap3A_278 = vector.shape_cast %add3A_271 : vector<16xf32> to vector<1x1x16xf32>
        tpu.vector_store %arg10[%swap3A_273, %swap3A_274, %swap3A_275], %swap3A_278 {strides = array<i32>} : memref<2x50x128xf32, #tpu.memory_space<vmem>>, vector<1x1x16xf32>,
        %mul3A_279 = arith.constant 2 : i32
        %mul3A_280 = arith.muli %mul3A_279, %add3A_168 : i32
        %add3A_281 = arith.constant 1 : i32
        %add3A_282 = arith.addi %mul3A_280, %add3A_281 : i32
        %get3A_283 = arith.constant 0 : i32
        %get3A_284 = arith.index_cast %get3A_283 : i32 to index
        %get3A_285 = arith.index_cast %add3A_282 : i32 to index
        %get3A_286 = arith.constant 0 : index
        %get3A_287 = tpu.vector_load %arg8[%get3A_284, %get3A_285, %get3A_286] {strides = array<i32>} : memref<2x100x64xf32, #tpu.memory_space<vmem>>, vector<1x1x16xf32>,
        %get3A_288 = vector.shape_cast %get3A_287 : vector<1x1x16xf32> to vector<16xf32>
        %mul3A_289 = arith.constant 2 : i32
        %mul3A_290 = arith.muli %mul3A_289, %add3A_168 : i32
        %add3A_291 = arith.constant 1 : i32
        %add3A_292 = arith.addi %mul3A_290, %add3A_291 : i32
        %get3A_293 = arith.constant 0 : i32
        %get3A_294 = arith.index_cast %get3A_293 : i32 to index
        %get3A_295 = arith.index_cast %add3A_292 : i32 to index
        %get3A_296 = arith.constant 0 : index
        %get3A_297 = tpu.vector_load %arg7[%get3A_294, %get3A_295, %get3A_296] {strides = array<i32>} : memref<2x100x64xf32, #tpu.memory_space<vmem>>, vector<1x1x16xf32>,
        %get3A_298 = vector.shape_cast %get3A_297 : vector<1x1x16xf32> to vector<16xf32>
        %add3A_299 = arith.addf %get3A_288, %get3A_298 : vector<16xf32>
        %swap3A_300 = arith.constant 0 : i32
        %swap3A_301 = arith.index_cast %swap3A_300 : i32 to index
        %swap3A_302 = arith.index_cast %add3A_168 : i32 to index
        %swap3A_303 = arith.constant 64 : index
        %swap3A_304 = tpu.vector_load %arg10[%swap3A_301, %swap3A_302, %swap3A_303] {strides = array<i32>} : memref<2x50x128xf32, #tpu.memory_space<vmem>>, vector<1x1x16xf32>,
        %swap3A_305 = vector.shape_cast %swap3A_304 : vector<1x1x16xf32> to vector<16xf32>
        %swap3A_306 = vector.shape_cast %add3A_299 : vector<16xf32> to vector<1x1x16xf32>
        tpu.vector_store %arg10[%swap3A_301, %swap3A_302, %swap3A_303], %swap3A_306 {strides = array<i32>} : memref<2x50x128xf32, #tpu.memory_space<vmem>>, vector<1x1x16xf32>,
        %mul3A_307 = arith.constant 2 : i32
        %mul3A_308 = arith.muli %mul3A_307, %add3A_168 : i32
        %add3A_309 = arith.constant 1 : i32
        %add3A_310 = arith.addi %mul3A_308, %add3A_309 : i32
        %get3A_311 = arith.constant 0 : i32
        %get3A_312 = arith.index_cast %get3A_311 : i32 to index
        %get3A_313 = arith.index_cast %add3A_310 : i32 to index
        %get3A_314 = arith.constant 16 : index
        %get3A_315 = tpu.vector_load %arg8[%get3A_312, %get3A_313, %get3A_314] {strides = array<i32>} : memref<2x100x64xf32, #tpu.memory_space<vmem>>, vector<1x1x16xf32>,
        %get3A_316 = vector.shape_cast %get3A_315 : vector<1x1x16xf32> to vector<16xf32>
        %mul3A_317 = arith.constant 2 : i32
        %mul3A_318 = arith.muli %mul3A_317, %add3A_168 : i32
        %add3A_319 = arith.constant 1 : i32
        %add3A_320 = arith.addi %mul3A_318, %add3A_319 : i32
        %get3A_321 = arith.constant 0 : i32
        %get3A_322 = arith.index_cast %get3A_321 : i32 to index
        %get3A_323 = arith.index_cast %add3A_320 : i32 to index
        %get3A_324 = arith.constant 16 : index
        %get3A_325 = tpu.vector_load %arg7[%get3A_322, %get3A_323, %get3A_324] {strides = array<i32>} : memref<2x100x64xf32, #tpu.memory_space<vmem>>, vector<1x1x16xf32>,
        %get3A_326 = vector.shape_cast %get3A_325 : vector<1x1x16xf32> to vector<16xf32>
        %add3A_327 = arith.addf %get3A_316, %get3A_326 : vector<16xf32>
        %swap3A_328 = arith.constant 0 : i32
        %swap3A_329 = arith.index_cast %swap3A_328 : i32 to index
        %swap3A_330 = arith.index_cast %add3A_168 : i32 to index
        %swap3A_331 = arith.constant 80 : index
        %swap3A_332 = tpu.vector_load %arg10[%swap3A_329, %swap3A_330, %swap3A_331] {strides = array<i32>} : memref<2x50x128xf32, #tpu.memory_space<vmem>>, vector<1x1x16xf32>,
        %swap3A_333 = vector.shape_cast %swap3A_332 : vector<1x1x16xf32> to vector<16xf32>
        %swap3A_334 = vector.shape_cast %add3A_327 : vector<16xf32> to vector<1x1x16xf32>
        tpu.vector_store %arg10[%swap3A_329, %swap3A_330, %swap3A_331], %swap3A_334 {strides = array<i32>} : memref<2x50x128xf32, #tpu.memory_space<vmem>>, vector<1x1x16xf32>,
        %mul3A_335 = arith.constant 2 : i32
        %mul3A_336 = arith.muli %mul3A_335, %add3A_168 : i32
        %add3A_337 = arith.constant 1 : i32
        %add3A_338 = arith.addi %mul3A_336, %add3A_337 : i32
        %get3A_339 = arith.constant 0 : i32
        %get3A_340 = arith.index_cast %get3A_339 : i32 to index
        %get3A_341 = arith.index_cast %add3A_338 : i32 to index
        %get3A_342 = arith.constant 32 : index
        %get3A_343 = tpu.vector_load %arg8[%get3A_340, %get3A_341, %get3A_342] {strides = array<i32>} : memref<2x100x64xf32, #tpu.memory_space<vmem>>, vector<1x1x16xf32>,
        %get3A_344 = vector.shape_cast %get3A_343 : vector<1x1x16xf32> to vector<16xf32>
        %mul3A_345 = arith.constant 2 : i32
        %mul3A_346 = arith.muli %mul3A_345, %add3A_168 : i32
        %add3A_347 = arith.constant 1 : i32
        %add3A_348 = arith.addi %mul3A_346, %add3A_347 : i32
        %get3A_349 = arith.constant 0 : i32
        %get3A_350 = arith.index_cast %get3A_349 : i32 to index
        %get3A_351 = arith.index_cast %add3A_348 : i32 to index
        %get3A_352 = arith.constant 32 : index
        %get3A_353 = tpu.vector_load %arg7[%get3A_350, %get3A_351, %get3A_352] {strides = array<i32>} : memref<2x100x64xf32, #tpu.memory_space<vmem>>, vector<1x1x16xf32>,
        %get3A_354 = vector.shape_cast %get3A_353 : vector<1x1x16xf32> to vector<16xf32>
        %add3A_355 = arith.addf %get3A_344, %get3A_354 : vector<16xf32>
        %swap3A_356 = arith.constant 0 : i32
        %swap3A_357 = arith.index_cast %swap3A_356 : i32 to index
        %swap3A_358 = arith.index_cast %add3A_168 : i32 to index
        %swap3A_359 = arith.constant 96 : index
        %swap3A_360 = tpu.vector_load %arg10[%swap3A_357, %swap3A_358, %swap3A_359] {strides = array<i32>} : memref<2x50x128xf32, #tpu.memory_space<vmem>>, vector<1x1x16xf32>,
        %swap3A_361 = vector.shape_cast %swap3A_360 : vector<1x1x16xf32> to vector<16xf32>
        %swap3A_362 = vector.shape_cast %add3A_355 : vector<16xf32> to vector<1x1x16xf32>
        tpu.vector_store %arg10[%swap3A_357, %swap3A_358, %swap3A_359], %swap3A_362 {strides = array<i32>} : memref<2x50x128xf32, #tpu.memory_space<vmem>>, vector<1x1x16xf32>,
        %mul3A_363 = arith.constant 2 : i32
        %mul3A_364 = arith.muli %mul3A_363, %add3A_168 : i32
        %add3A_365 = arith.constant 1 : i32
        %add3A_366 = arith.addi %mul3A_364, %add3A_365 : i32
        %get3A_367 = arith.constant 0 : i32
        %get3A_368 = arith.index_cast %get3A_367 : i32 to index
        %get3A_369 = arith.index_cast %add3A_366 : i32 to index
        %get3A_370 = arith.constant 48 : index
        %get3A_371 = tpu.vector_load %arg8[%get3A_368, %get3A_369, %get3A_370] {strides = array<i32>} : memref<2x100x64xf32, #tpu.memory_space<vmem>>, vector<1x1x16xf32>,
        %get3A_372 = vector.shape_cast %get3A_371 : vector<1x1x16xf32> to vector<16xf32>
        %mul3A_373 = arith.constant 2 : i32
        %mul3A_374 = arith.muli %mul3A_373, %add3A_168 : i32
        %add3A_375 = arith.constant 1 : i32
        %add3A_376 = arith.addi %mul3A_374, %add3A_375 : i32
        %get3A_377 = arith.constant 0 : i32
        %get3A_378 = arith.index_cast %get3A_377 : i32 to index
        %get3A_379 = arith.index_cast %add3A_376 : i32 to index
        %get3A_380 = arith.constant 48 : index
        %get3A_381 = tpu.vector_load %arg7[%get3A_378, %get3A_379, %get3A_380] {strides = array<i32>} : memref<2x100x64xf32, #tpu.memory_space<vmem>>, vector<1x1x16xf32>,
        %get3A_382 = vector.shape_cast %get3A_381 : vector<1x1x16xf32> to vector<16xf32>
        %add3A_383 = arith.addf %get3A_372, %get3A_382 : vector<16xf32>
        %swap3A_384 = arith.constant 0 : i32
        %swap3A_385 = arith.index_cast %swap3A_384 : i32 to index
        %swap3A_386 = arith.index_cast %add3A_168 : i32 to index
        %swap3A_387 = arith.constant 112 : index
        %swap3A_388 = tpu.vector_load %arg10[%swap3A_385, %swap3A_386, %swap3A_387] {strides = array<i32>} : memref<2x50x128xf32, #tpu.memory_space<vmem>>, vector<1x1x16xf32>,
        %swap3A_389 = vector.shape_cast %swap3A_388 : vector<1x1x16xf32> to vector<16xf32>
        %swap3A_390 = vector.shape_cast %add3A_383 : vector<16xf32> to vector<1x1x16xf32>
        tpu.vector_store %arg10[%swap3A_385, %swap3A_386, %swap3A_387], %swap3A_390 {strides = array<i32>} : memref<2x50x128xf32, #tpu.memory_space<vmem>>, vector<1x1x16xf32>,
        %mul3A_391 = arith.constant 2 : i32
        %mul3A_392 = arith.muli %mul3A_391, %add3A_168 : i32
        %add3A_393 = arith.constant 0 : i32
        %add3A_394 = arith.addi %mul3A_392, %add3A_393 : i32
        %get3A_395 = arith.constant 1 : i32
        %get3A_396 = arith.index_cast %get3A_395 : i32 to index
        %get3A_397 = arith.index_cast %add3A_394 : i32 to index
        %get3A_398 = arith.constant 0 : index
        %get3A_399 = tpu.vector_load %arg8[%get3A_396, %get3A_397, %get3A_398] {strides = array<i32>} : memref<2x100x64xf32, #tpu.memory_space<vmem>>, vector<1x1x16xf32>,
        %get3A_400 = vector.shape_cast %get3A_399 : vector<1x1x16xf32> to vector<16xf32>
        %mul3A_401 = arith.constant 2 : i32
        %mul3A_402 = arith.muli %mul3A_401, %add3A_168 : i32
        %add3A_403 = arith.constant 0 : i32
        %add3A_404 = arith.addi %mul3A_402, %add3A_403 : i32
        %get3A_405 = arith.constant 1 : i32
        %get3A_406 = arith.index_cast %get3A_405 : i32 to index
        %get3A_407 = arith.index_cast %add3A_404 : i32 to index
        %get3A_408 = arith.constant 0 : index
        %get3A_409 = tpu.vector_load %arg7[%get3A_406, %get3A_407, %get3A_408] {strides = array<i32>} : memref<2x100x64xf32, #tpu.memory_space<vmem>>, vector<1x1x16xf32>,
        %get3A_410 = vector.shape_cast %get3A_409 : vector<1x1x16xf32> to vector<16xf32>
        %add3A_411 = arith.addf %get3A_400, %get3A_410 : vector<16xf32>
        %swap3A_412 = arith.constant 1 : i32
        %swap3A_413 = arith.index_cast %swap3A_412 : i32 to index
        %swap3A_414 = arith.index_cast %add3A_168 : i32 to index
        %swap3A_415 = arith.constant 0 : index
        %swap3A_416 = tpu.vector_load %arg10[%swap3A_413, %swap3A_414, %swap3A_415] {strides = array<i32>} : memref<2x50x128xf32, #tpu.memory_space<vmem>>, vector<1x1x16xf32>,
        %swap3A_417 = vector.shape_cast %swap3A_416 : vector<1x1x16xf32> to vector<16xf32>
        %swap3A_418 = vector.shape_cast %add3A_411 : vector<16xf32> to vector<1x1x16xf32>
        tpu.vector_store %arg10[%swap3A_413, %swap3A_414, %swap3A_415], %swap3A_418 {strides = array<i32>} : memref<2x50x128xf32, #tpu.memory_space<vmem>>, vector<1x1x16xf32>,
        %mul3A_419 = arith.constant 2 : i32
        %mul3A_420 = arith.muli %mul3A_419, %add3A_168 : i32
        %add3A_421 = arith.constant 0 : i32
        %add3A_422 = arith.addi %mul3A_420, %add3A_421 : i32
        %get3A_423 = arith.constant 1 : i32
        %get3A_424 = arith.index_cast %get3A_423 : i32 to index
        %get3A_425 = arith.index_cast %add3A_422 : i32 to index
        %get3A_426 = arith.constant 16 : index
        %get3A_427 = tpu.vector_load %arg8[%get3A_424, %get3A_425, %get3A_426] {strides = array<i32>} : memref<2x100x64xf32, #tpu.memory_space<vmem>>, vector<1x1x16xf32>,
        %get3A_428 = vector.shape_cast %get3A_427 : vector<1x1x16xf32> to vector<16xf32>
        %mul3A_429 = arith.constant 2 : i32
        %mul3A_430 = arith.muli %mul3A_429, %add3A_168 : i32
        %add3A_431 = arith.constant 0 : i32
        %add3A_432 = arith.addi %mul3A_430, %add3A_431 : i32
        %get3A_433 = arith.constant 1 : i32
        %get3A_434 = arith.index_cast %get3A_433 : i32 to index
        %get3A_435 = arith.index_cast %add3A_432 : i32 to index
        %get3A_436 = arith.constant 16 : index
        %get3A_437 = tpu.vector_load %arg7[%get3A_434, %get3A_435, %get3A_436] {strides = array<i32>} : memref<2x100x64xf32, #tpu.memory_space<vmem>>, vector<1x1x16xf32>,
        %get3A_438 = vector.shape_cast %get3A_437 : vector<1x1x16xf32> to vector<16xf32>
        %add3A_439 = arith.addf %get3A_428, %get3A_438 : vector<16xf32>
        %swap3A_440 = arith.constant 1 : i32
        %swap3A_441 = arith.index_cast %swap3A_440 : i32 to index
        %swap3A_442 = arith.index_cast %add3A_168 : i32 to index
        %swap3A_443 = arith.constant 16 : index
        %swap3A_444 = tpu.vector_load %arg10[%swap3A_441, %swap3A_442, %swap3A_443] {strides = array<i32>} : memref<2x50x128xf32, #tpu.memory_space<vmem>>, vector<1x1x16xf32>,
        %swap3A_445 = vector.shape_cast %swap3A_444 : vector<1x1x16xf32> to vector<16xf32>
        %swap3A_446 = vector.shape_cast %add3A_439 : vector<16xf32> to vector<1x1x16xf32>
        tpu.vector_store %arg10[%swap3A_441, %swap3A_442, %swap3A_443], %swap3A_446 {strides = array<i32>} : memref<2x50x128xf32, #tpu.memory_space<vmem>>, vector<1x1x16xf32>,
        %mul3A_447 = arith.constant 2 : i32
        %mul3A_448 = arith.muli %mul3A_447, %add3A_168 : i32
        %add3A_449 = arith.constant 0 : i32
        %add3A_450 = arith.addi %mul3A_448, %add3A_449 : i32
        %get3A_451 = arith.constant 1 : i32
        %get3A_452 = arith.index_cast %get3A_451 : i32 to index
        %get3A_453 = arith.index_cast %add3A_450 : i32 to index
        %get3A_454 = arith.constant 32 : index
        %get3A_455 = tpu.vector_load %arg8[%get3A_452, %get3A_453, %get3A_454] {strides = array<i32>} : memref<2x100x64xf32, #tpu.memory_space<vmem>>, vector<1x1x16xf32>,
        %get3A_456 = vector.shape_cast %get3A_455 : vector<1x1x16xf32> to vector<16xf32>
        %mul3A_457 = arith.constant 2 : i32
        %mul3A_458 = arith.muli %mul3A_457, %add3A_168 : i32
        %add3A_459 = arith.constant 0 : i32
        %add3A_460 = arith.addi %mul3A_458, %add3A_459 : i32
        %get3A_461 = arith.constant 1 : i32
        %get3A_462 = arith.index_cast %get3A_461 : i32 to index
        %get3A_463 = arith.index_cast %add3A_460 : i32 to index
        %get3A_464 = arith.constant 32 : index
        %get3A_465 = tpu.vector_load %arg7[%get3A_462, %get3A_463, %get3A_464] {strides = array<i32>} : memref<2x100x64xf32, #tpu.memory_space<vmem>>, vector<1x1x16xf32>,
        %get3A_466 = vector.shape_cast %get3A_465 : vector<1x1x16xf32> to vector<16xf32>
        %add3A_467 = arith.addf %get3A_456, %get3A_466 : vector<16xf32>
        %swap3A_468 = arith.constant 1 : i32
        %swap3A_469 = arith.index_cast %swap3A_468 : i32 to index
        %swap3A_470 = arith.index_cast %add3A_168 : i32 to index
        %swap3A_471 = arith.constant 32 : index
        %swap3A_472 = tpu.vector_load %arg10[%swap3A_469, %swap3A_470, %swap3A_471] {strides = array<i32>} : memref<2x50x128xf32, #tpu.memory_space<vmem>>, vector<1x1x16xf32>,
        %swap3A_473 = vector.shape_cast %swap3A_472 : vector<1x1x16xf32> to vector<16xf32>
        %swap3A_474 = vector.shape_cast %add3A_467 : vector<16xf32> to vector<1x1x16xf32>
        tpu.vector_store %arg10[%swap3A_469, %swap3A_470, %swap3A_471], %swap3A_474 {strides = array<i32>} : memref<2x50x128xf32, #tpu.memory_space<vmem>>, vector<1x1x16xf32>,
        %mul3A_475 = arith.constant 2 : i32
        %mul3A_476 = arith.muli %mul3A_475, %add3A_168 : i32
        %add3A_477 = arith.constant 0 : i32
        %add3A_478 = arith.addi %mul3A_476, %add3A_477 : i32
        %get3A_479 = arith.constant 1 : i32
        %get3A_480 = arith.index_cast %get3A_479 : i32 to index
        %get3A_481 = arith.index_cast %add3A_478 : i32 to index
        %get3A_482 = arith.constant 48 : index
        %get3A_483 = tpu.vector_load %arg8[%get3A_480, %get3A_481, %get3A_482] {strides = array<i32>} : memref<2x100x64xf32, #tpu.memory_space<vmem>>, vector<1x1x16xf32>,
        %get3A_484 = vector.shape_cast %get3A_483 : vector<1x1x16xf32> to vector<16xf32>
        %mul3A_485 = arith.constant 2 : i32
        %mul3A_486 = arith.muli %mul3A_485, %add3A_168 : i32
        %add3A_487 = arith.constant 0 : i32
        %add3A_488 = arith.addi %mul3A_486, %add3A_487 : i32
        %get3A_489 = arith.constant 1 : i32
        %get3A_490 = arith.index_cast %get3A_489 : i32 to index
        %get3A_491 = arith.index_cast %add3A_488 : i32 to index
        %get3A_492 = arith.constant 48 : index
        %get3A_493 = tpu.vector_load %arg7[%get3A_490, %get3A_491, %get3A_492] {strides = array<i32>} : memref<2x100x64xf32, #tpu.memory_space<vmem>>, vector<1x1x16xf32>,
        %get3A_494 = vector.shape_cast %get3A_493 : vector<1x1x16xf32> to vector<16xf32>
        %add3A_495 = arith.addf %get3A_484, %get3A_494 : vector<16xf32>
        %swap3A_496 = arith.constant 1 : i32
        %swap3A_497 = arith.index_cast %swap3A_496 : i32 to index
        %swap3A_498 = arith.index_cast %add3A_168 : i32 to index
        %swap3A_499 = arith.constant 48 : index
        %swap3A_500 = tpu.vector_load %arg10[%swap3A_497, %swap3A_498, %swap3A_499] {strides = array<i32>} : memref<2x50x128xf32, #tpu.memory_space<vmem>>, vector<1x1x16xf32>,
        %swap3A_501 = vector.shape_cast %swap3A_500 : vector<1x1x16xf32> to vector<16xf32>
        %swap3A_502 = vector.shape_cast %add3A_495 : vector<16xf32> to vector<1x1x16xf32>
        tpu.vector_store %arg10[%swap3A_497, %swap3A_498, %swap3A_499], %swap3A_502 {strides = array<i32>} : memref<2x50x128xf32, #tpu.memory_space<vmem>>, vector<1x1x16xf32>,
        %mul3A_503 = arith.constant 2 : i32
        %mul3A_504 = arith.muli %mul3A_503, %add3A_168 : i32
        %add3A_505 = arith.constant 1 : i32
        %add3A_506 = arith.addi %mul3A_504, %add3A_505 : i32
        %get3A_507 = arith.constant 1 : i32
        %get3A_508 = arith.index_cast %get3A_507 : i32 to index
        %get3A_509 = arith.index_cast %add3A_506 : i32 to index
        %get3A_510 = arith.constant 0 : index
        %get3A_511 = tpu.vector_load %arg8[%get3A_508, %get3A_509, %get3A_510] {strides = array<i32>} : memref<2x100x64xf32, #tpu.memory_space<vmem>>, vector<1x1x16xf32>,
        %get3A_512 = vector.shape_cast %get3A_511 : vector<1x1x16xf32> to vector<16xf32>
        %mul3A_513 = arith.constant 2 : i32
        %mul3A_514 = arith.muli %mul3A_513, %add3A_168 : i32
        %add3A_515 = arith.constant 1 : i32
        %add3A_516 = arith.addi %mul3A_514, %add3A_515 : i32
        %get3A_517 = arith.constant 1 : i32
        %get3A_518 = arith.index_cast %get3A_517 : i32 to index
        %get3A_519 = arith.index_cast %add3A_516 : i32 to index
        %get3A_520 = arith.constant 0 : index
        %get3A_521 = tpu.vector_load %arg7[%get3A_518, %get3A_519, %get3A_520] {strides = array<i32>} : memref<2x100x64xf32, #tpu.memory_space<vmem>>, vector<1x1x16xf32>,
        %get3A_522 = vector.shape_cast %get3A_521 : vector<1x1x16xf32> to vector<16xf32>
        %add3A_523 = arith.addf %get3A_512, %get3A_522 : vector<16xf32>
        %swap3A_524 = arith.constant 1 : i32
        %swap3A_525 = arith.index_cast %swap3A_524 : i32 to index
        %swap3A_526 = arith.index_cast %add3A_168 : i32 to index
        %swap3A_527 = arith.constant 64 : index
        %swap3A_528 = tpu.vector_load %arg10[%swap3A_525, %swap3A_526, %swap3A_527] {strides = array<i32>} : memref<2x50x128xf32, #tpu.memory_space<vmem>>, vector<1x1x16xf32>,
        %swap3A_529 = vector.shape_cast %swap3A_528 : vector<1x1x16xf32> to vector<16xf32>
        %swap3A_530 = vector.shape_cast %add3A_523 : vector<16xf32> to vector<1x1x16xf32>
        tpu.vector_store %arg10[%swap3A_525, %swap3A_526, %swap3A_527], %swap3A_530 {strides = array<i32>} : memref<2x50x128xf32, #tpu.memory_space<vmem>>, vector<1x1x16xf32>,
        %mul3A_531 = arith.constant 2 : i32
        %mul3A_532 = arith.muli %mul3A_531, %add3A_168 : i32
        %add3A_533 = arith.constant 1 : i32
        %add3A_534 = arith.addi %mul3A_532, %add3A_533 : i32
        %get3A_535 = arith.constant 1 : i32
        %get3A_536 = arith.index_cast %get3A_535 : i32 to index
        %get3A_537 = arith.index_cast %add3A_534 : i32 to index
        %get3A_538 = arith.constant 16 : index
        %get3A_539 = tpu.vector_load %arg8[%get3A_536, %get3A_537, %get3A_538] {strides = array<i32>} : memref<2x100x64xf32, #tpu.memory_space<vmem>>, vector<1x1x16xf32>,
        %get3A_540 = vector.shape_cast %get3A_539 : vector<1x1x16xf32> to vector<16xf32>
        %mul3A_541 = arith.constant 2 : i32
        %mul3A_542 = arith.muli %mul3A_541, %add3A_168 : i32
        %add3A_543 = arith.constant 1 : i32
        %add3A_544 = arith.addi %mul3A_542, %add3A_543 : i32
        %get3A_545 = arith.constant 1 : i32
        %get3A_546 = arith.index_cast %get3A_545 : i32 to index
        %get3A_547 = arith.index_cast %add3A_544 : i32 to index
        %get3A_548 = arith.constant 16 : index
        %get3A_549 = tpu.vector_load %arg7[%get3A_546, %get3A_547, %get3A_548] {strides = array<i32>} : memref<2x100x64xf32, #tpu.memory_space<vmem>>, vector<1x1x16xf32>,
        %get3A_550 = vector.shape_cast %get3A_549 : vector<1x1x16xf32> to vector<16xf32>
        %add3A_551 = arith.addf %get3A_540, %get3A_550 : vector<16xf32>
        %swap3A_552 = arith.constant 1 : i32
        %swap3A_553 = arith.index_cast %swap3A_552 : i32 to index
        %swap3A_554 = arith.index_cast %add3A_168 : i32 to index
        %swap3A_555 = arith.constant 80 : index
        %swap3A_556 = tpu.vector_load %arg10[%swap3A_553, %swap3A_554, %swap3A_555] {strides = array<i32>} : memref<2x50x128xf32, #tpu.memory_space<vmem>>, vector<1x1x16xf32>,
        %swap3A_557 = vector.shape_cast %swap3A_556 : vector<1x1x16xf32> to vector<16xf32>
        %swap3A_558 = vector.shape_cast %add3A_551 : vector<16xf32> to vector<1x1x16xf32>
        tpu.vector_store %arg10[%swap3A_553, %swap3A_554, %swap3A_555], %swap3A_558 {strides = array<i32>} : memref<2x50x128xf32, #tpu.memory_space<vmem>>, vector<1x1x16xf32>,
        %mul3A_559 = arith.constant 2 : i32
        %mul3A_560 = arith.muli %mul3A_559, %add3A_168 : i32
        %add3A_561 = arith.constant 1 : i32
        %add3A_562 = arith.addi %mul3A_560, %add3A_561 : i32
        %get3A_563 = arith.constant 1 : i32
        %get3A_564 = arith.index_cast %get3A_563 : i32 to index
        %get3A_565 = arith.index_cast %add3A_562 : i32 to index
        %get3A_566 = arith.constant 32 : index
        %get3A_567 = tpu.vector_load %arg8[%get3A_564, %get3A_565, %get3A_566] {strides = array<i32>} : memref<2x100x64xf32, #tpu.memory_space<vmem>>, vector<1x1x16xf32>,
        %get3A_568 = vector.shape_cast %get3A_567 : vector<1x1x16xf32> to vector<16xf32>
        %mul3A_569 = arith.constant 2 : i32
        %mul3A_570 = arith.muli %mul3A_569, %add3A_168 : i32
        %add3A_571 = arith.constant 1 : i32
        %add3A_572 = arith.addi %mul3A_570, %add3A_571 : i32
        %get3A_573 = arith.constant 1 : i32
        %get3A_574 = arith.index_cast %get3A_573 : i32 to index
        %get3A_575 = arith.index_cast %add3A_572 : i32 to index
        %get3A_576 = arith.constant 32 : index
        %get3A_577 = tpu.vector_load %arg7[%get3A_574, %get3A_575, %get3A_576] {strides = array<i32>} : memref<2x100x64xf32, #tpu.memory_space<vmem>>, vector<1x1x16xf32>,
        %get3A_578 = vector.shape_cast %get3A_577 : vector<1x1x16xf32> to vector<16xf32>
        %add3A_579 = arith.addf %get3A_568, %get3A_578 : vector<16xf32>
        %swap3A_580 = arith.constant 1 : i32
        %swap3A_581 = arith.index_cast %swap3A_580 : i32 to index
        %swap3A_582 = arith.index_cast %add3A_168 : i32 to index
        %swap3A_583 = arith.constant 96 : index
        %swap3A_584 = tpu.vector_load %arg10[%swap3A_581, %swap3A_582, %swap3A_583] {strides = array<i32>} : memref<2x50x128xf32, #tpu.memory_space<vmem>>, vector<1x1x16xf32>,
        %swap3A_585 = vector.shape_cast %swap3A_584 : vector<1x1x16xf32> to vector<16xf32>
        %swap3A_586 = vector.shape_cast %add3A_579 : vector<16xf32> to vector<1x1x16xf32>
        tpu.vector_store %arg10[%swap3A_581, %swap3A_582, %swap3A_583], %swap3A_586 {strides = array<i32>} : memref<2x50x128xf32, #tpu.memory_space<vmem>>, vector<1x1x16xf32>,
        %mul3A_587 = arith.constant 2 : i32
        %mul3A_588 = arith.muli %mul3A_587, %add3A_168 : i32
        %add3A_589 = arith.constant 1 : i32
        %add3A_590 = arith.addi %mul3A_588, %add3A_589 : i32
        %get3A_591 = arith.constant 1 : i32
        %get3A_592 = arith.index_cast %get3A_591 : i32 to index
        %get3A_593 = arith.index_cast %add3A_590 : i32 to index
        %get3A_594 = arith.constant 48 : index
        %get3A_595 = tpu.vector_load %arg8[%get3A_592, %get3A_593, %get3A_594] {strides = array<i32>} : memref<2x100x64xf32, #tpu.memory_space<vmem>>, vector<1x1x16xf32>,
        %get3A_596 = vector.shape_cast %get3A_595 : vector<1x1x16xf32> to vector<16xf32>
        %mul3A_597 = arith.constant 2 : i32
        %mul3A_598 = arith.muli %mul3A_597, %add3A_168 : i32
        %add3A_599 = arith.constant 1 : i32
        %add3A_600 = arith.addi %mul3A_598, %add3A_599 : i32
        %get3A_601 = arith.constant 1 : i32
        %get3A_602 = arith.index_cast %get3A_601 : i32 to index
        %get3A_603 = arith.index_cast %add3A_600 : i32 to index
        %get3A_604 = arith.constant 48 : index
        %get3A_605 = tpu.vector_load %arg7[%get3A_602, %get3A_603, %get3A_604] {strides = array<i32>} : memref<2x100x64xf32, #tpu.memory_space<vmem>>, vector<1x1x16xf32>,
        %get3A_606 = vector.shape_cast %get3A_605 : vector<1x1x16xf32> to vector<16xf32>
        %add3A_607 = arith.addf %get3A_596, %get3A_606 : vector<16xf32>
        %swap3A_608 = arith.constant 1 : i32
        %swap3A_609 = arith.index_cast %swap3A_608 : i32 to index
        %swap3A_610 = arith.index_cast %add3A_168 : i32 to index
        %swap3A_611 = arith.constant 112 : index
        %swap3A_612 = tpu.vector_load %arg10[%swap3A_609, %swap3A_610, %swap3A_611] {strides = array<i32>} : memref<2x50x128xf32, #tpu.memory_space<vmem>>, vector<1x1x16xf32>,
        %swap3A_613 = vector.shape_cast %swap3A_612 : vector<1x1x16xf32> to vector<16xf32>
        %swap3A_614 = vector.shape_cast %add3A_607 : vector<16xf32> to vector<1x1x16xf32>
        tpu.vector_store %arg10[%swap3A_609, %swap3A_610, %swap3A_611], %swap3A_614 {strides = array<i32>} : memref<2x50x128xf32, #tpu.memory_space<vmem>>, vector<1x1x16xf32>,
      }
      %scan3A_98 = arith.constant 50 : i32
      %add3A_99 = arith.addi %mul3A_2, %add3A_61 : i32
      %dma_start3A_100 = arith.constant 0 : i32
      %dma_start3A_101 = arith.constant 0 : i32
      %dma_start3A_102 = arith.constant 0 : i32
      %dma_start3A_103 = tpu.memref_slice %arg5[%add3A_99, %dma_start3A_100, %dma_start3A_101, %dma_start3A_102] : memref<2048x2x56x128xf32, #tpu.memory_space<hbm>> -> memref<1x2x50x128xf32, #tpu.memory_space<hbm>>
      %dma_start3A_104 = tpu.memref_squeeze %dma_start3A_103 : memref<1x2x50x128xf32, #tpu.memory_space<hbm>> -> memref<2x50x128xf32, #tpu.memory_space<hbm>>
      %dma_start3A_105 = arith.constant 0 : i32
      %dma_start3A_106 = arith.constant 0 : i32
      %dma_start3A_107 = arith.constant 0 : i32
      %dma_start3A_108 = tpu.memref_slice %arg5[%add3A_99, %dma_start3A_105, %dma_start3A_106, %dma_start3A_107] : memref<2048x2x56x128xf32, #tpu.memory_space<hbm>> -> memref<1x2x50x128xf32, #tpu.memory_space<hbm>>
      %dma_start3A_109 = tpu.memref_squeeze %dma_start3A_108 : memref<1x2x50x128xf32, #tpu.memory_space<hbm>> -> memref<2x50x128xf32, #tpu.memory_space<hbm>>
      tpu.enqueue_dma source(%arg10 : memref<2x50x128xf32, #tpu.memory_space<vmem>>) target(%dma_start3A_109 : memref<2x50x128xf32, #tpu.memory_space<hbm>>) target_semaphore(%arg14 : memref<!tpu.dma_semaphore, #tpu.memory_space<semaphore_mem>>)
      %add3A_110 = arith.constant 1 : i32
      %add3A_111 = arith.addi %add3A_59, %add3A_110 : i32
      %add3A_112 = arith.constant 1 : i32
      %add3A_113 = arith.addi %add3A_111, %add3A_112 : i32
      %lt3A_114 = arith.constant 64 : i32
      %lt3A_115 = arith.cmpi slt, %add3A_113, %lt3A_114 : i32
      %convert_element_type3A_116 = arith.extui %lt3A_115 : i1 to i32
      %cond3A_117 = arith.constant 0 : i32
      %cond3A_118 = arith.cmpi ne, %convert_element_type3A_116, %cond3A_117 : i32
      scf.if %cond3A_118 {
        %add3A_164 = arith.constant 1 : i32
        %add3A_165 = arith.addi %add3A_111, %add3A_164 : i32
        %dma_start3A_166 = arith.constant 0 : i32
        %dma_start3A_167 = arith.constant 0 : i32
        %dma_start3A_168 = arith.constant 0 : i32
        %dma_start3A_169 = arith.constant 0 : i32
        %dma_start3A_170 = tpu.memref_slice %arg8[%dma_start3A_167, %dma_start3A_168, %dma_start3A_169] : memref<2x100x64xf32, #tpu.memory_space<vmem>> -> memref<1x100x64xf32, #tpu.memory_space<vmem>>
        %dma_start3A_171 = tpu.memref_squeeze %dma_start3A_170 : memref<1x100x64xf32, #tpu.memory_space<vmem>> -> memref<100x64xf32, #tpu.memory_space<vmem>>
        %dma_start3A_172 = arith.constant 0 : i32
        %dma_start3A_173 = tpu.memref_slice %arg6[%add3A_165, %dma_start3A_166, %dma_start3A_172] : memref<64x2x100xi32, #tpu.memory_space<vmem>> -> memref<1x1x100xi32, #tpu.memory_space<vmem>>
        %dma_start3A_174 = tpu.memref_squeeze %dma_start3A_173 : memref<1x1x100xi32, #tpu.memory_space<vmem>> -> memref<100xi32, #tpu.memory_space<vmem>>
        %dma_start3A_175 = arith.constant 0 : i32
        %dma_start3A_176 = arith.constant 0 : i32
        %dma_start3A_177 = tpu.memref_slice %arg3[%dma_start3A_175, %dma_start3A_176] : memref<100000x64xf32, #tpu.memory_space<hbm>> -> memref<100000x64xf32, #tpu.memory_space<hbm>>
        tpu.enqueue_indirect_dma source(%dma_start3A_177 : memref<100000x64xf32, #tpu.memory_space<hbm>>) target(%dma_start3A_171 : memref<100x64xf32, #tpu.memory_space<vmem>>) offsets(%dma_start3A_174 : memref<100xi32, #tpu.memory_space<vmem>>) semaphore(%arg12 : memref<!tpu.dma_semaphore, #tpu.memory_space<semaphore_mem>>)
        %dma_start3A_178 = arith.constant 1 : i32
        %dma_start3A_179 = arith.constant 1 : i32
        %dma_start3A_180 = arith.constant 0 : i32
        %dma_start3A_181 = arith.constant 0 : i32
        %dma_start3A_182 = tpu.memref_slice %arg8[%dma_start3A_179, %dma_start3A_180, %dma_start3A_181] : memref<2x100x64xf32, #tpu.memory_space<vmem>> -> memref<1x100x64xf32, #tpu.memory_space<vmem>>
        %dma_start3A_183 = tpu.memref_squeeze %dma_start3A_182 : memref<1x100x64xf32, #tpu.memory_space<vmem>> -> memref<100x64xf32, #tpu.memory_space<vmem>>
        %dma_start3A_184 = arith.constant 0 : i32
        %dma_start3A_185 = tpu.memref_slice %arg6[%add3A_165, %dma_start3A_178, %dma_start3A_184] : memref<64x2x100xi32, #tpu.memory_space<vmem>> -> memref<1x1x100xi32, #tpu.memory_space<vmem>>
        %dma_start3A_186 = tpu.memref_squeeze %dma_start3A_185 : memref<1x1x100xi32, #tpu.memory_space<vmem>> -> memref<100xi32, #tpu.memory_space<vmem>>
        %dma_start3A_187 = arith.constant 0 : i32
        %dma_start3A_188 = arith.constant 0 : i32
        %dma_start3A_189 = tpu.memref_slice %arg3[%dma_start3A_187, %dma_start3A_188] : memref<100000x64xf32, #tpu.memory_space<hbm>> -> memref<100000x64xf32, #tpu.memory_space<hbm>>
        tpu.enqueue_indirect_dma source(%dma_start3A_189 : memref<100000x64xf32, #tpu.memory_space<hbm>>) target(%dma_start3A_183 : memref<100x64xf32, #tpu.memory_space<vmem>>) offsets(%dma_start3A_186 : memref<100xi32, #tpu.memory_space<vmem>>) semaphore(%arg12 : memref<!tpu.dma_semaphore, #tpu.memory_space<semaphore_mem>>)
      } else {
      }
      %dma_wait3A_119 = arith.constant 0 : i32
      %dma_wait3A_120 = arith.constant 0 : i32
      %dma_wait3A_121 = arith.constant 0 : i32
      %dma_wait3A_122 = arith.constant 0 : i32
      %dma_wait3A_123 = tpu.memref_slice %arg9[%dma_wait3A_120, %dma_wait3A_121, %dma_wait3A_122] : memref<2x100x64xf32, #tpu.memory_space<vmem>> -> memref<1x100x64xf32, #tpu.memory_space<vmem>>
      %dma_wait3A_124 = tpu.memref_squeeze %dma_wait3A_123 : memref<1x100x64xf32, #tpu.memory_space<vmem>> -> memref<100x64xf32, #tpu.memory_space<vmem>>
      %dma_wait3A_125 = arith.constant 0 : i32
      %dma_wait3A_126 = tpu.memref_slice %arg6[%add3A_111, %dma_wait3A_119, %dma_wait3A_125] : memref<64x2x100xi32, #tpu.memory_space<vmem>> -> memref<1x1x100xi32, #tpu.memory_space<vmem>>
      %dma_wait3A_127 = tpu.memref_squeeze %dma_wait3A_126 : memref<1x1x100xi32, #tpu.memory_space<vmem>> -> memref<100xi32, #tpu.memory_space<vmem>>
      %dma_wait3A_128 = arith.constant 0 : i32
      %dma_wait3A_129 = arith.constant 0 : i32
      %dma_wait3A_130 = tpu.memref_slice %arg3[%dma_wait3A_128, %dma_wait3A_129] : memref<100000x64xf32, #tpu.memory_space<hbm>> -> memref<100000x64xf32, #tpu.memory_space<hbm>>
      tpu.wait_indirect_dma semaphore(%arg13 : memref<!tpu.dma_semaphore, #tpu.memory_space<semaphore_mem>>) src(%dma_wait3A_130 : memref<100000x64xf32, #tpu.memory_space<hbm>>) dst(%dma_wait3A_124 : memref<100x64xf32, #tpu.memory_space<vmem>>)
      %dma_wait3A_131 = arith.constant 1 : i32
      %dma_wait3A_132 = arith.constant 1 : i32
      %dma_wait3A_133 = arith.constant 0 : i32
      %dma_wait3A_134 = arith.constant 0 : i32
      %dma_wait3A_135 = tpu.memref_slice %arg9[%dma_wait3A_132, %dma_wait3A_133, %dma_wait3A_134] : memref<2x100x64xf32, #tpu.memory_space<vmem>> -> memref<1x100x64xf32, #tpu.memory_space<vmem>>
      %dma_wait3A_136 = tpu.memref_squeeze %dma_wait3A_135 : memref<1x100x64xf32, #tpu.memory_space<vmem>> -> memref<100x64xf32, #tpu.memory_space<vmem>>
      %dma_wait3A_137 = arith.constant 0 : i32
      %dma_wait3A_138 = tpu.memref_slice %arg6[%add3A_111, %dma_wait3A_131, %dma_wait3A_137] : memref<64x2x100xi32, #tpu.memory_space<vmem>> -> memref<1x1x100xi32, #tpu.memory_space<vmem>>
      %dma_wait3A_139 = tpu.memref_squeeze %dma_wait3A_138 : memref<1x1x100xi32, #tpu.memory_space<vmem>> -> memref<100xi32, #tpu.memory_space<vmem>>
      %dma_wait3A_140 = arith.constant 0 : i32
      %dma_wait3A_141 = arith.constant 0 : i32
      %dma_wait3A_142 = tpu.memref_slice %arg3[%dma_wait3A_140, %dma_wait3A_141] : memref<100000x64xf32, #tpu.memory_space<hbm>> -> memref<100000x64xf32, #tpu.memory_space<hbm>>
      tpu.wait_indirect_dma semaphore(%arg13 : memref<!tpu.dma_semaphore, #tpu.memory_space<semaphore_mem>>) src(%dma_wait3A_142 : memref<100000x64xf32, #tpu.memory_space<hbm>>) dst(%dma_wait3A_136 : memref<100x64xf32, #tpu.memory_space<vmem>>)
      %ge3A_143 = arith.constant 2 : i32
      %ge3A_144 = arith.cmpi sge, %add3A_111, %ge3A_143 : i32
      %convert_element_type3A_145 = arith.extui %ge3A_144 : i1 to i32
      %cond3A_146 = arith.constant 0 : i32
      %cond3A_147 = arith.cmpi ne, %convert_element_type3A_145, %cond3A_146 : i32
      scf.if %cond3A_147 {
        %sub3A = arith.constant 2 : i32
        %sub3A_164 = arith.subi %add3A_111, %sub3A : i32
        %add3A_165 = arith.addi %mul3A_2, %sub3A_164 : i32
        %dma_wait3A_166 = arith.constant 0 : i32
        %dma_wait3A_167 = arith.constant 0 : i32
        %dma_wait3A_168 = arith.constant 0 : i32
        %dma_wait3A_169 = tpu.memref_slice %arg5[%add3A_165, %dma_wait3A_166, %dma_wait3A_167, %dma_wait3A_168] : memref<2048x2x56x128xf32, #tpu.memory_space<hbm>> -> memref<1x2x50x128xf32, #tpu.memory_space<hbm>>
        %dma_wait3A_170 = tpu.memref_squeeze %dma_wait3A_169 : memref<1x2x50x128xf32, #tpu.memory_space<hbm>> -> memref<2x50x128xf32, #tpu.memory_space<hbm>>
        %dma_wait3A_171 = arith.constant 0 : i32
        %dma_wait3A_172 = arith.constant 0 : i32
        %dma_wait3A_173 = arith.constant 0 : i32
        %dma_wait3A_174 = tpu.memref_slice %arg5[%add3A_165, %dma_wait3A_171, %dma_wait3A_172, %dma_wait3A_173] : memref<2048x2x56x128xf32, #tpu.memory_space<hbm>> -> memref<1x2x50x128xf32, #tpu.memory_space<hbm>>
        %dma_wait3A_175 = tpu.memref_squeeze %dma_wait3A_174 : memref<1x2x50x128xf32, #tpu.memory_space<hbm>> -> memref<2x50x128xf32, #tpu.memory_space<hbm>>
        tpu.wait_dma2 semaphore(%arg15 : memref<!tpu.dma_semaphore, #tpu.memory_space<semaphore_mem>>) src(%arg11 : memref<2x50x128xf32, #tpu.memory_space<vmem>>) dst(%dma_wait3A_175 : memref<2x50x128xf32, #tpu.memory_space<hbm>>)
      } else {
      }
      %scan3A_148 = arith.constant 0 : i32
      %scan3A_149 = arith.constant 50 : i32
      %scan3A_150 = arith.addi %scan3A_148, %scan3A_149 : i32
      %scan3A_151 = arith.constant 1 : i32
      scf.for %scan3A_164 = %scan3A_148 to %scan3A_150 step %scan3A_151  : i32 {
        %mul3A_165 = arith.constant 1 : i32
        %mul3A_166 = arith.muli %scan3A_164, %mul3A_165 : i32
        %add3A_167 = arith.constant 0 : i32
        %add3A_168 = arith.addi %add3A_167, %mul3A_166 : i32
        %mul3A_169 = arith.constant 2 : i32
        %mul3A_170 = arith.muli %mul3A_169, %add3A_168 : i32
        %add3A_171 = arith.constant 0 : i32
        %add3A_172 = arith.addi %mul3A_170, %add3A_171 : i32
        %get3A = arith.constant 0 : i32
        %get3A_173 = arith.index_cast %get3A : i32 to index
        %get3A_174 = arith.index_cast %add3A_172 : i32 to index
        %get3A_175 = arith.constant 0 : index
        %get3A_176 = tpu.vector_load %arg9[%get3A_173, %get3A_174, %get3A_175] {strides = array<i32>} : memref<2x100x64xf32, #tpu.memory_space<vmem>>, vector<1x1x16xf32>,
        %get3A_177 = vector.shape_cast %get3A_176 : vector<1x1x16xf32> to vector<16xf32>
        %mul3A_178 = arith.constant 2 : i32
        %mul3A_179 = arith.muli %mul3A_178, %add3A_168 : i32
        %add3A_180 = arith.constant 0 : i32
        %add3A_181 = arith.addi %mul3A_179, %add3A_180 : i32
        %get3A_182 = arith.constant 0 : i32
        %get3A_183 = arith.index_cast %get3A_182 : i32 to index
        %get3A_184 = arith.index_cast %add3A_181 : i32 to index
        %get3A_185 = arith.constant 0 : index
        %get3A_186 = tpu.vector_load %arg7[%get3A_183, %get3A_184, %get3A_185] {strides = array<i32>} : memref<2x100x64xf32, #tpu.memory_space<vmem>>, vector<1x1x16xf32>,
        %get3A_187 = vector.shape_cast %get3A_186 : vector<1x1x16xf32> to vector<16xf32>
        %add3A_188 = arith.addf %get3A_177, %get3A_187 : vector<16xf32>
        %swap3A = arith.constant 0 : i32
        %swap3A_189 = arith.index_cast %swap3A : i32 to index
        %swap3A_190 = arith.index_cast %add3A_168 : i32 to index
        %swap3A_191 = arith.constant 0 : index
        %swap3A_192 = tpu.vector_load %arg11[%swap3A_189, %swap3A_190, %swap3A_191] {strides = array<i32>} : memref<2x50x128xf32, #tpu.memory_space<vmem>>, vector<1x1x16xf32>,
        %swap3A_193 = vector.shape_cast %swap3A_192 : vector<1x1x16xf32> to vector<16xf32>
        %swap3A_194 = vector.shape_cast %add3A_188 : vector<16xf32> to vector<1x1x16xf32>
        tpu.vector_store %arg11[%swap3A_189, %swap3A_190, %swap3A_191], %swap3A_194 {strides = array<i32>} : memref<2x50x128xf32, #tpu.memory_space<vmem>>, vector<1x1x16xf32>,
        %mul3A_195 = arith.constant 2 : i32
        %mul3A_196 = arith.muli %mul3A_195, %add3A_168 : i32
        %add3A_197 = arith.constant 0 : i32
        %add3A_198 = arith.addi %mul3A_196, %add3A_197 : i32
        %get3A_199 = arith.constant 0 : i32
        %get3A_200 = arith.index_cast %get3A_199 : i32 to index
        %get3A_201 = arith.index_cast %add3A_198 : i32 to index
        %get3A_202 = arith.constant 16 : index
        %get3A_203 = tpu.vector_load %arg9[%get3A_200, %get3A_201, %get3A_202] {strides = array<i32>} : memref<2x100x64xf32, #tpu.memory_space<vmem>>, vector<1x1x16xf32>,
        %get3A_204 = vector.shape_cast %get3A_203 : vector<1x1x16xf32> to vector<16xf32>
        %mul3A_205 = arith.constant 2 : i32
        %mul3A_206 = arith.muli %mul3A_205, %add3A_168 : i32
        %add3A_207 = arith.constant 0 : i32
        %add3A_208 = arith.addi %mul3A_206, %add3A_207 : i32
        %get3A_209 = arith.constant 0 : i32
        %get3A_210 = arith.index_cast %get3A_209 : i32 to index
        %get3A_211 = arith.index_cast %add3A_208 : i32 to index
        %get3A_212 = arith.constant 16 : index
        %get3A_213 = tpu.vector_load %arg7[%get3A_210, %get3A_211, %get3A_212] {strides = array<i32>} : memref<2x100x64xf32, #tpu.memory_space<vmem>>, vector<1x1x16xf32>,
        %get3A_214 = vector.shape_cast %get3A_213 : vector<1x1x16xf32> to vector<16xf32>
        %add3A_215 = arith.addf %get3A_204, %get3A_214 : vector<16xf32>
        %swap3A_216 = arith.constant 0 : i32
        %swap3A_217 = arith.index_cast %swap3A_216 : i32 to index
        %swap3A_218 = arith.index_cast %add3A_168 : i32 to index
        %swap3A_219 = arith.constant 16 : index
        %swap3A_220 = tpu.vector_load %arg11[%swap3A_217, %swap3A_218, %swap3A_219] {strides = array<i32>} : memref<2x50x128xf32, #tpu.memory_space<vmem>>, vector<1x1x16xf32>,
        %swap3A_221 = vector.shape_cast %swap3A_220 : vector<1x1x16xf32> to vector<16xf32>
        %swap3A_222 = vector.shape_cast %add3A_215 : vector<16xf32> to vector<1x1x16xf32>
        tpu.vector_store %arg11[%swap3A_217, %swap3A_218, %swap3A_219], %swap3A_222 {strides = array<i32>} : memref<2x50x128xf32, #tpu.memory_space<vmem>>, vector<1x1x16xf32>,
        %mul3A_223 = arith.constant 2 : i32
        %mul3A_224 = arith.muli %mul3A_223, %add3A_168 : i32
        %add3A_225 = arith.constant 0 : i32
        %add3A_226 = arith.addi %mul3A_224, %add3A_225 : i32
        %get3A_227 = arith.constant 0 : i32
        %get3A_228 = arith.index_cast %get3A_227 : i32 to index
        %get3A_229 = arith.index_cast %add3A_226 : i32 to index
        %get3A_230 = arith.constant 32 : index
        %get3A_231 = tpu.vector_load %arg9[%get3A_228, %get3A_229, %get3A_230] {strides = array<i32>} : memref<2x100x64xf32, #tpu.memory_space<vmem>>, vector<1x1x16xf32>,
        %get3A_232 = vector.shape_cast %get3A_231 : vector<1x1x16xf32> to vector<16xf32>
        %mul3A_233 = arith.constant 2 : i32
        %mul3A_234 = arith.muli %mul3A_233, %add3A_168 : i32
        %add3A_235 = arith.constant 0 : i32
        %add3A_236 = arith.addi %mul3A_234, %add3A_235 : i32
        %get3A_237 = arith.constant 0 : i32
        %get3A_238 = arith.index_cast %get3A_237 : i32 to index
        %get3A_239 = arith.index_cast %add3A_236 : i32 to index
        %get3A_240 = arith.constant 32 : index
        %get3A_241 = tpu.vector_load %arg7[%get3A_238, %get3A_239, %get3A_240] {strides = array<i32>} : memref<2x100x64xf32, #tpu.memory_space<vmem>>, vector<1x1x16xf32>,
        %get3A_242 = vector.shape_cast %get3A_241 : vector<1x1x16xf32> to vector<16xf32>
        %add3A_243 = arith.addf %get3A_232, %get3A_242 : vector<16xf32>
        %swap3A_244 = arith.constant 0 : i32
        %swap3A_245 = arith.index_cast %swap3A_244 : i32 to index
        %swap3A_246 = arith.index_cast %add3A_168 : i32 to index
        %swap3A_247 = arith.constant 32 : index
        %swap3A_248 = tpu.vector_load %arg11[%swap3A_245, %swap3A_246, %swap3A_247] {strides = array<i32>} : memref<2x50x128xf32, #tpu.memory_space<vmem>>, vector<1x1x16xf32>,
        %swap3A_249 = vector.shape_cast %swap3A_248 : vector<1x1x16xf32> to vector<16xf32>
        %swap3A_250 = vector.shape_cast %add3A_243 : vector<16xf32> to vector<1x1x16xf32>
        tpu.vector_store %arg11[%swap3A_245, %swap3A_246, %swap3A_247], %swap3A_250 {strides = array<i32>} : memref<2x50x128xf32, #tpu.memory_space<vmem>>, vector<1x1x16xf32>,
        %mul3A_251 = arith.constant 2 : i32
        %mul3A_252 = arith.muli %mul3A_251, %add3A_168 : i32
        %add3A_253 = arith.constant 0 : i32
        %add3A_254 = arith.addi %mul3A_252, %add3A_253 : i32
        %get3A_255 = arith.constant 0 : i32
        %get3A_256 = arith.index_cast %get3A_255 : i32 to index
        %get3A_257 = arith.index_cast %add3A_254 : i32 to index
        %get3A_258 = arith.constant 48 : index
        %get3A_259 = tpu.vector_load %arg9[%get3A_256, %get3A_257, %get3A_258] {strides = array<i32>} : memref<2x100x64xf32, #tpu.memory_space<vmem>>, vector<1x1x16xf32>,
        %get3A_260 = vector.shape_cast %get3A_259 : vector<1x1x16xf32> to vector<16xf32>
        %mul3A_261 = arith.constant 2 : i32
        %mul3A_262 = arith.muli %mul3A_261, %add3A_168 : i32
        %add3A_263 = arith.constant 0 : i32
        %add3A_264 = arith.addi %mul3A_262, %add3A_263 : i32
        %get3A_265 = arith.constant 0 : i32
        %get3A_266 = arith.index_cast %get3A_265 : i32 to index
        %get3A_267 = arith.index_cast %add3A_264 : i32 to index
        %get3A_268 = arith.constant 48 : index
        %get3A_269 = tpu.vector_load %arg7[%get3A_266, %get3A_267, %get3A_268] {strides = array<i32>} : memref<2x100x64xf32, #tpu.memory_space<vmem>>, vector<1x1x16xf32>,
        %get3A_270 = vector.shape_cast %get3A_269 : vector<1x1x16xf32> to vector<16xf32>
        %add3A_271 = arith.addf %get3A_260, %get3A_270 : vector<16xf32>
        %swap3A_272 = arith.constant 0 : i32
        %swap3A_273 = arith.index_cast %swap3A_272 : i32 to index
        %swap3A_274 = arith.index_cast %add3A_168 : i32 to index
        %swap3A_275 = arith.constant 48 : index
        %swap3A_276 = tpu.vector_load %arg11[%swap3A_273, %swap3A_274, %swap3A_275] {strides = array<i32>} : memref<2x50x128xf32, #tpu.memory_space<vmem>>, vector<1x1x16xf32>,
        %swap3A_277 = vector.shape_cast %swap3A_276 : vector<1x1x16xf32> to vector<16xf32>
        %swap3A_278 = vector.shape_cast %add3A_271 : vector<16xf32> to vector<1x1x16xf32>
        tpu.vector_store %arg11[%swap3A_273, %swap3A_274, %swap3A_275], %swap3A_278 {strides = array<i32>} : memref<2x50x128xf32, #tpu.memory_space<vmem>>, vector<1x1x16xf32>,
        %mul3A_279 = arith.constant 2 : i32
        %mul3A_280 = arith.muli %mul3A_279, %add3A_168 : i32
        %add3A_281 = arith.constant 1 : i32
        %add3A_282 = arith.addi %mul3A_280, %add3A_281 : i32
        %get3A_283 = arith.constant 0 : i32
        %get3A_284 = arith.index_cast %get3A_283 : i32 to index
        %get3A_285 = arith.index_cast %add3A_282 : i32 to index
        %get3A_286 = arith.constant 0 : index
        %get3A_287 = tpu.vector_load %arg9[%get3A_284, %get3A_285, %get3A_286] {strides = array<i32>} : memref<2x100x64xf32, #tpu.memory_space<vmem>>, vector<1x1x16xf32>,
        %get3A_288 = vector.shape_cast %get3A_287 : vector<1x1x16xf32> to vector<16xf32>
        %mul3A_289 = arith.constant 2 : i32
        %mul3A_290 = arith.muli %mul3A_289, %add3A_168 : i32
        %add3A_291 = arith.constant 1 : i32
        %add3A_292 = arith.addi %mul3A_290, %add3A_291 : i32
        %get3A_293 = arith.constant 0 : i32
        %get3A_294 = arith.index_cast %get3A_293 : i32 to index
        %get3A_295 = arith.index_cast %add3A_292 : i32 to index
        %get3A_296 = arith.constant 0 : index
        %get3A_297 = tpu.vector_load %arg7[%get3A_294, %get3A_295, %get3A_296] {strides = array<i32>} : memref<2x100x64xf32, #tpu.memory_space<vmem>>, vector<1x1x16xf32>,
        %get3A_298 = vector.shape_cast %get3A_297 : vector<1x1x16xf32> to vector<16xf32>
        %add3A_299 = arith.addf %get3A_288, %get3A_298 : vector<16xf32>
        %swap3A_300 = arith.constant 0 : i32
        %swap3A_301 = arith.index_cast %swap3A_300 : i32 to index
        %swap3A_302 = arith.index_cast %add3A_168 : i32 to index
        %swap3A_303 = arith.constant 64 : index
        %swap3A_304 = tpu.vector_load %arg11[%swap3A_301, %swap3A_302, %swap3A_303] {strides = array<i32>} : memref<2x50x128xf32, #tpu.memory_space<vmem>>, vector<1x1x16xf32>,
        %swap3A_305 = vector.shape_cast %swap3A_304 : vector<1x1x16xf32> to vector<16xf32>
        %swap3A_306 = vector.shape_cast %add3A_299 : vector<16xf32> to vector<1x1x16xf32>
        tpu.vector_store %arg11[%swap3A_301, %swap3A_302, %swap3A_303], %swap3A_306 {strides = array<i32>} : memref<2x50x128xf32, #tpu.memory_space<vmem>>, vector<1x1x16xf32>,
        %mul3A_307 = arith.constant 2 : i32
        %mul3A_308 = arith.muli %mul3A_307, %add3A_168 : i32
        %add3A_309 = arith.constant 1 : i32
        %add3A_310 = arith.addi %mul3A_308, %add3A_309 : i32
        %get3A_311 = arith.constant 0 : i32
        %get3A_312 = arith.index_cast %get3A_311 : i32 to index
        %get3A_313 = arith.index_cast %add3A_310 : i32 to index
        %get3A_314 = arith.constant 16 : index
        %get3A_315 = tpu.vector_load %arg9[%get3A_312, %get3A_313, %get3A_314] {strides = array<i32>} : memref<2x100x64xf32, #tpu.memory_space<vmem>>, vector<1x1x16xf32>,
        %get3A_316 = vector.shape_cast %get3A_315 : vector<1x1x16xf32> to vector<16xf32>
        %mul3A_317 = arith.constant 2 : i32
        %mul3A_318 = arith.muli %mul3A_317, %add3A_168 : i32
        %add3A_319 = arith.constant 1 : i32
        %add3A_320 = arith.addi %mul3A_318, %add3A_319 : i32
        %get3A_321 = arith.constant 0 : i32
        %get3A_322 = arith.index_cast %get3A_321 : i32 to index
        %get3A_323 = arith.index_cast %add3A_320 : i32 to index
        %get3A_324 = arith.constant 16 : index
        %get3A_325 = tpu.vector_load %arg7[%get3A_322, %get3A_323, %get3A_324] {strides = array<i32>} : memref<2x100x64xf32, #tpu.memory_space<vmem>>, vector<1x1x16xf32>,
        %get3A_326 = vector.shape_cast %get3A_325 : vector<1x1x16xf32> to vector<16xf32>
        %add3A_327 = arith.addf %get3A_316, %get3A_326 : vector<16xf32>
        %swap3A_328 = arith.constant 0 : i32
        %swap3A_329 = arith.index_cast %swap3A_328 : i32 to index
        %swap3A_330 = arith.index_cast %add3A_168 : i32 to index
        %swap3A_331 = arith.constant 80 : index
        %swap3A_332 = tpu.vector_load %arg11[%swap3A_329, %swap3A_330, %swap3A_331] {strides = array<i32>} : memref<2x50x128xf32, #tpu.memory_space<vmem>>, vector<1x1x16xf32>,
        %swap3A_333 = vector.shape_cast %swap3A_332 : vector<1x1x16xf32> to vector<16xf32>
        %swap3A_334 = vector.shape_cast %add3A_327 : vector<16xf32> to vector<1x1x16xf32>
        tpu.vector_store %arg11[%swap3A_329, %swap3A_330, %swap3A_331], %swap3A_334 {strides = array<i32>} : memref<2x50x128xf32, #tpu.memory_space<vmem>>, vector<1x1x16xf32>,
        %mul3A_335 = arith.constant 2 : i32
        %mul3A_336 = arith.muli %mul3A_335, %add3A_168 : i32
        %add3A_337 = arith.constant 1 : i32
        %add3A_338 = arith.addi %mul3A_336, %add3A_337 : i32
        %get3A_339 = arith.constant 0 : i32
        %get3A_340 = arith.index_cast %get3A_339 : i32 to index
        %get3A_341 = arith.index_cast %add3A_338 : i32 to index
        %get3A_342 = arith.constant 32 : index
        %get3A_343 = tpu.vector_load %arg9[%get3A_340, %get3A_341, %get3A_342] {strides = array<i32>} : memref<2x100x64xf32, #tpu.memory_space<vmem>>, vector<1x1x16xf32>,
        %get3A_344 = vector.shape_cast %get3A_343 : vector<1x1x16xf32> to vector<16xf32>
        %mul3A_345 = arith.constant 2 : i32
        %mul3A_346 = arith.muli %mul3A_345, %add3A_168 : i32
        %add3A_347 = arith.constant 1 : i32
        %add3A_348 = arith.addi %mul3A_346, %add3A_347 : i32
        %get3A_349 = arith.constant 0 : i32
        %get3A_350 = arith.index_cast %get3A_349 : i32 to index
        %get3A_351 = arith.index_cast %add3A_348 : i32 to index
        %get3A_352 = arith.constant 32 : index
        %get3A_353 = tpu.vector_load %arg7[%get3A_350, %get3A_351, %get3A_352] {strides = array<i32>} : memref<2x100x64xf32, #tpu.memory_space<vmem>>, vector<1x1x16xf32>,
        %get3A_354 = vector.shape_cast %get3A_353 : vector<1x1x16xf32> to vector<16xf32>
        %add3A_355 = arith.addf %get3A_344, %get3A_354 : vector<16xf32>
        %swap3A_356 = arith.constant 0 : i32
        %swap3A_357 = arith.index_cast %swap3A_356 : i32 to index
        %swap3A_358 = arith.index_cast %add3A_168 : i32 to index
        %swap3A_359 = arith.constant 96 : index
        %swap3A_360 = tpu.vector_load %arg11[%swap3A_357, %swap3A_358, %swap3A_359] {strides = array<i32>} : memref<2x50x128xf32, #tpu.memory_space<vmem>>, vector<1x1x16xf32>,
        %swap3A_361 = vector.shape_cast %swap3A_360 : vector<1x1x16xf32> to vector<16xf32>
        %swap3A_362 = vector.shape_cast %add3A_355 : vector<16xf32> to vector<1x1x16xf32>
        tpu.vector_store %arg11[%swap3A_357, %swap3A_358, %swap3A_359], %swap3A_362 {strides = array<i32>} : memref<2x50x128xf32, #tpu.memory_space<vmem>>, vector<1x1x16xf32>,
        %mul3A_363 = arith.constant 2 : i32
        %mul3A_364 = arith.muli %mul3A_363, %add3A_168 : i32
        %add3A_365 = arith.constant 1 : i32
        %add3A_366 = arith.addi %mul3A_364, %add3A_365 : i32
        %get3A_367 = arith.constant 0 : i32
        %get3A_368 = arith.index_cast %get3A_367 : i32 to index
        %get3A_369 = arith.index_cast %add3A_366 : i32 to index
        %get3A_370 = arith.constant 48 : index
        %get3A_371 = tpu.vector_load %arg9[%get3A_368, %get3A_369, %get3A_370] {strides = array<i32>} : memref<2x100x64xf32, #tpu.memory_space<vmem>>, vector<1x1x16xf32>,
        %get3A_372 = vector.shape_cast %get3A_371 : vector<1x1x16xf32> to vector<16xf32>
        %mul3A_373 = arith.constant 2 : i32
        %mul3A_374 = arith.muli %mul3A_373, %add3A_168 : i32
        %add3A_375 = arith.constant 1 : i32
        %add3A_376 = arith.addi %mul3A_374, %add3A_375 : i32
        %get3A_377 = arith.constant 0 : i32
        %get3A_378 = arith.index_cast %get3A_377 : i32 to index
        %get3A_379 = arith.index_cast %add3A_376 : i32 to index
        %get3A_380 = arith.constant 48 : index
        %get3A_381 = tpu.vector_load %arg7[%get3A_378, %get3A_379, %get3A_380] {strides = array<i32>} : memref<2x100x64xf32, #tpu.memory_space<vmem>>, vector<1x1x16xf32>,
        %get3A_382 = vector.shape_cast %get3A_381 : vector<1x1x16xf32> to vector<16xf32>
        %add3A_383 = arith.addf %get3A_372, %get3A_382 : vector<16xf32>
        %swap3A_384 = arith.constant 0 : i32
        %swap3A_385 = arith.index_cast %swap3A_384 : i32 to index
        %swap3A_386 = arith.index_cast %add3A_168 : i32 to index
        %swap3A_387 = arith.constant 112 : index
        %swap3A_388 = tpu.vector_load %arg11[%swap3A_385, %swap3A_386, %swap3A_387] {strides = array<i32>} : memref<2x50x128xf32, #tpu.memory_space<vmem>>, vector<1x1x16xf32>,
        %swap3A_389 = vector.shape_cast %swap3A_388 : vector<1x1x16xf32> to vector<16xf32>
        %swap3A_390 = vector.shape_cast %add3A_383 : vector<16xf32> to vector<1x1x16xf32>
        tpu.vector_store %arg11[%swap3A_385, %swap3A_386, %swap3A_387], %swap3A_390 {strides = array<i32>} : memref<2x50x128xf32, #tpu.memory_space<vmem>>, vector<1x1x16xf32>,
        %mul3A_391 = arith.constant 2 : i32
        %mul3A_392 = arith.muli %mul3A_391, %add3A_168 : i32
        %add3A_393 = arith.constant 0 : i32
        %add3A_394 = arith.addi %mul3A_392, %add3A_393 : i32
        %get3A_395 = arith.constant 1 : i32
        %get3A_396 = arith.index_cast %get3A_395 : i32 to index
        %get3A_397 = arith.index_cast %add3A_394 : i32 to index
        %get3A_398 = arith.constant 0 : index
        %get3A_399 = tpu.vector_load %arg9[%get3A_396, %get3A_397, %get3A_398] {strides = array<i32>} : memref<2x100x64xf32, #tpu.memory_space<vmem>>, vector<1x1x16xf32>,
        %get3A_400 = vector.shape_cast %get3A_399 : vector<1x1x16xf32> to vector<16xf32>
        %mul3A_401 = arith.constant 2 : i32
        %mul3A_402 = arith.muli %mul3A_401, %add3A_168 : i32
        %add3A_403 = arith.constant 0 : i32
        %add3A_404 = arith.addi %mul3A_402, %add3A_403 : i32
        %get3A_405 = arith.constant 1 : i32
        %get3A_406 = arith.index_cast %get3A_405 : i32 to index
        %get3A_407 = arith.index_cast %add3A_404 : i32 to index
        %get3A_408 = arith.constant 0 : index
        %get3A_409 = tpu.vector_load %arg7[%get3A_406, %get3A_407, %get3A_408] {strides = array<i32>} : memref<2x100x64xf32, #tpu.memory_space<vmem>>, vector<1x1x16xf32>,
        %get3A_410 = vector.shape_cast %get3A_409 : vector<1x1x16xf32> to vector<16xf32>
        %add3A_411 = arith.addf %get3A_400, %get3A_410 : vector<16xf32>
        %swap3A_412 = arith.constant 1 : i32
        %swap3A_413 = arith.index_cast %swap3A_412 : i32 to index
        %swap3A_414 = arith.index_cast %add3A_168 : i32 to index
        %swap3A_415 = arith.constant 0 : index
        %swap3A_416 = tpu.vector_load %arg11[%swap3A_413, %swap3A_414, %swap3A_415] {strides = array<i32>} : memref<2x50x128xf32, #tpu.memory_space<vmem>>, vector<1x1x16xf32>,
        %swap3A_417 = vector.shape_cast %swap3A_416 : vector<1x1x16xf32> to vector<16xf32>
        %swap3A_418 = vector.shape_cast %add3A_411 : vector<16xf32> to vector<1x1x16xf32>
        tpu.vector_store %arg11[%swap3A_413, %swap3A_414, %swap3A_415], %swap3A_418 {strides = array<i32>} : memref<2x50x128xf32, #tpu.memory_space<vmem>>, vector<1x1x16xf32>,
        %mul3A_419 = arith.constant 2 : i32
        %mul3A_420 = arith.muli %mul3A_419, %add3A_168 : i32
        %add3A_421 = arith.constant 0 : i32
        %add3A_422 = arith.addi %mul3A_420, %add3A_421 : i32
        %get3A_423 = arith.constant 1 : i32
        %get3A_424 = arith.index_cast %get3A_423 : i32 to index
        %get3A_425 = arith.index_cast %add3A_422 : i32 to index
        %get3A_426 = arith.constant 16 : index
        %get3A_427 = tpu.vector_load %arg9[%get3A_424, %get3A_425, %get3A_426] {strides = array<i32>} : memref<2x100x64xf32, #tpu.memory_space<vmem>>, vector<1x1x16xf32>,
        %get3A_428 = vector.shape_cast %get3A_427 : vector<1x1x16xf32> to vector<16xf32>
        %mul3A_429 = arith.constant 2 : i32
        %mul3A_430 = arith.muli %mul3A_429, %add3A_168 : i32
        %add3A_431 = arith.constant 0 : i32
        %add3A_432 = arith.addi %mul3A_430, %add3A_431 : i32
        %get3A_433 = arith.constant 1 : i32
        %get3A_434 = arith.index_cast %get3A_433 : i32 to index
        %get3A_435 = arith.index_cast %add3A_432 : i32 to index
        %get3A_436 = arith.constant 16 : index
        %get3A_437 = tpu.vector_load %arg7[%get3A_434, %get3A_435, %get3A_436] {strides = array<i32>} : memref<2x100x64xf32, #tpu.memory_space<vmem>>, vector<1x1x16xf32>,
        %get3A_438 = vector.shape_cast %get3A_437 : vector<1x1x16xf32> to vector<16xf32>
        %add3A_439 = arith.addf %get3A_428, %get3A_438 : vector<16xf32>
        %swap3A_440 = arith.constant 1 : i32
        %swap3A_441 = arith.index_cast %swap3A_440 : i32 to index
        %swap3A_442 = arith.index_cast %add3A_168 : i32 to index
        %swap3A_443 = arith.constant 16 : index
        %swap3A_444 = tpu.vector_load %arg11[%swap3A_441, %swap3A_442, %swap3A_443] {strides = array<i32>} : memref<2x50x128xf32, #tpu.memory_space<vmem>>, vector<1x1x16xf32>,
        %swap3A_445 = vector.shape_cast %swap3A_444 : vector<1x1x16xf32> to vector<16xf32>
        %swap3A_446 = vector.shape_cast %add3A_439 : vector<16xf32> to vector<1x1x16xf32>
        tpu.vector_store %arg11[%swap3A_441, %swap3A_442, %swap3A_443], %swap3A_446 {strides = array<i32>} : memref<2x50x128xf32, #tpu.memory_space<vmem>>, vector<1x1x16xf32>,
        %mul3A_447 = arith.constant 2 : i32
        %mul3A_448 = arith.muli %mul3A_447, %add3A_168 : i32
        %add3A_449 = arith.constant 0 : i32
        %add3A_450 = arith.addi %mul3A_448, %add3A_449 : i32
        %get3A_451 = arith.constant 1 : i32
        %get3A_452 = arith.index_cast %get3A_451 : i32 to index
        %get3A_453 = arith.index_cast %add3A_450 : i32 to index
        %get3A_454 = arith.constant 32 : index
        %get3A_455 = tpu.vector_load %arg9[%get3A_452, %get3A_453, %get3A_454] {strides = array<i32>} : memref<2x100x64xf32, #tpu.memory_space<vmem>>, vector<1x1x16xf32>,
        %get3A_456 = vector.shape_cast %get3A_455 : vector<1x1x16xf32> to vector<16xf32>
        %mul3A_457 = arith.constant 2 : i32
        %mul3A_458 = arith.muli %mul3A_457, %add3A_168 : i32
        %add3A_459 = arith.constant 0 : i32
        %add3A_460 = arith.addi %mul3A_458, %add3A_459 : i32
        %get3A_461 = arith.constant 1 : i32
        %get3A_462 = arith.index_cast %get3A_461 : i32 to index
        %get3A_463 = arith.index_cast %add3A_460 : i32 to index
        %get3A_464 = arith.constant 32 : index
        %get3A_465 = tpu.vector_load %arg7[%get3A_462, %get3A_463, %get3A_464] {strides = array<i32>} : memref<2x100x64xf32, #tpu.memory_space<vmem>>, vector<1x1x16xf32>,
        %get3A_466 = vector.shape_cast %get3A_465 : vector<1x1x16xf32> to vector<16xf32>
        %add3A_467 = arith.addf %get3A_456, %get3A_466 : vector<16xf32>
        %swap3A_468 = arith.constant 1 : i32
        %swap3A_469 = arith.index_cast %swap3A_468 : i32 to index
        %swap3A_470 = arith.index_cast %add3A_168 : i32 to index
        %swap3A_471 = arith.constant 32 : index
        %swap3A_472 = tpu.vector_load %arg11[%swap3A_469, %swap3A_470, %swap3A_471] {strides = array<i32>} : memref<2x50x128xf32, #tpu.memory_space<vmem>>, vector<1x1x16xf32>,
        %swap3A_473 = vector.shape_cast %swap3A_472 : vector<1x1x16xf32> to vector<16xf32>
        %swap3A_474 = vector.shape_cast %add3A_467 : vector<16xf32> to vector<1x1x16xf32>
        tpu.vector_store %arg11[%swap3A_469, %swap3A_470, %swap3A_471], %swap3A_474 {strides = array<i32>} : memref<2x50x128xf32, #tpu.memory_space<vmem>>, vector<1x1x16xf32>,
        %mul3A_475 = arith.constant 2 : i32
        %mul3A_476 = arith.muli %mul3A_475, %add3A_168 : i32
        %add3A_477 = arith.constant 0 : i32
        %add3A_478 = arith.addi %mul3A_476, %add3A_477 : i32
        %get3A_479 = arith.constant 1 : i32
        %get3A_480 = arith.index_cast %get3A_479 : i32 to index
        %get3A_481 = arith.index_cast %add3A_478 : i32 to index
        %get3A_482 = arith.constant 48 : index
        %get3A_483 = tpu.vector_load %arg9[%get3A_480, %get3A_481, %get3A_482] {strides = array<i32>} : memref<2x100x64xf32, #tpu.memory_space<vmem>>, vector<1x1x16xf32>,
        %get3A_484 = vector.shape_cast %get3A_483 : vector<1x1x16xf32> to vector<16xf32>
        %mul3A_485 = arith.constant 2 : i32
        %mul3A_486 = arith.muli %mul3A_485, %add3A_168 : i32
        %add3A_487 = arith.constant 0 : i32
        %add3A_488 = arith.addi %mul3A_486, %add3A_487 : i32
        %get3A_489 = arith.constant 1 : i32
        %get3A_490 = arith.index_cast %get3A_489 : i32 to index
        %get3A_491 = arith.index_cast %add3A_488 : i32 to index
        %get3A_492 = arith.constant 48 : index
        %get3A_493 = tpu.vector_load %arg7[%get3A_490, %get3A_491, %get3A_492] {strides = array<i32>} : memref<2x100x64xf32, #tpu.memory_space<vmem>>, vector<1x1x16xf32>,
        %get3A_494 = vector.shape_cast %get3A_493 : vector<1x1x16xf32> to vector<16xf32>
        %add3A_495 = arith.addf %get3A_484, %get3A_494 : vector<16xf32>
        %swap3A_496 = arith.constant 1 : i32
        %swap3A_497 = arith.index_cast %swap3A_496 : i32 to index
        %swap3A_498 = arith.index_cast %add3A_168 : i32 to index
        %swap3A_499 = arith.constant 48 : index
        %swap3A_500 = tpu.vector_load %arg11[%swap3A_497, %swap3A_498, %swap3A_499] {strides = array<i32>} : memref<2x50x128xf32, #tpu.memory_space<vmem>>, vector<1x1x16xf32>,
        %swap3A_501 = vector.shape_cast %swap3A_500 : vector<1x1x16xf32> to vector<16xf32>
        %swap3A_502 = vector.shape_cast %add3A_495 : vector<16xf32> to vector<1x1x16xf32>
        tpu.vector_store %arg11[%swap3A_497, %swap3A_498, %swap3A_499], %swap3A_502 {strides = array<i32>} : memref<2x50x128xf32, #tpu.memory_space<vmem>>, vector<1x1x16xf32>,
        %mul3A_503 = arith.constant 2 : i32
        %mul3A_504 = arith.muli %mul3A_503, %add3A_168 : i32
        %add3A_505 = arith.constant 1 : i32
        %add3A_506 = arith.addi %mul3A_504, %add3A_505 : i32
        %get3A_507 = arith.constant 1 : i32
        %get3A_508 = arith.index_cast %get3A_507 : i32 to index
        %get3A_509 = arith.index_cast %add3A_506 : i32 to index
        %get3A_510 = arith.constant 0 : index
        %get3A_511 = tpu.vector_load %arg9[%get3A_508, %get3A_509, %get3A_510] {strides = array<i32>} : memref<2x100x64xf32, #tpu.memory_space<vmem>>, vector<1x1x16xf32>,
        %get3A_512 = vector.shape_cast %get3A_511 : vector<1x1x16xf32> to vector<16xf32>
        %mul3A_513 = arith.constant 2 : i32
        %mul3A_514 = arith.muli %mul3A_513, %add3A_168 : i32
        %add3A_515 = arith.constant 1 : i32
        %add3A_516 = arith.addi %mul3A_514, %add3A_515 : i32
        %get3A_517 = arith.constant 1 : i32
        %get3A_518 = arith.index_cast %get3A_517 : i32 to index
        %get3A_519 = arith.index_cast %add3A_516 : i32 to index
        %get3A_520 = arith.constant 0 : index
        %get3A_521 = tpu.vector_load %arg7[%get3A_518, %get3A_519, %get3A_520] {strides = array<i32>} : memref<2x100x64xf32, #tpu.memory_space<vmem>>, vector<1x1x16xf32>,
        %get3A_522 = vector.shape_cast %get3A_521 : vector<1x1x16xf32> to vector<16xf32>
        %add3A_523 = arith.addf %get3A_512, %get3A_522 : vector<16xf32>
        %swap3A_524 = arith.constant 1 : i32
        %swap3A_525 = arith.index_cast %swap3A_524 : i32 to index
        %swap3A_526 = arith.index_cast %add3A_168 : i32 to index
        %swap3A_527 = arith.constant 64 : index
        %swap3A_528 = tpu.vector_load %arg11[%swap3A_525, %swap3A_526, %swap3A_527] {strides = array<i32>} : memref<2x50x128xf32, #tpu.memory_space<vmem>>, vector<1x1x16xf32>,
        %swap3A_529 = vector.shape_cast %swap3A_528 : vector<1x1x16xf32> to vector<16xf32>
        %swap3A_530 = vector.shape_cast %add3A_523 : vector<16xf32> to vector<1x1x16xf32>
        tpu.vector_store %arg11[%swap3A_525, %swap3A_526, %swap3A_527], %swap3A_530 {strides = array<i32>} : memref<2x50x128xf32, #tpu.memory_space<vmem>>, vector<1x1x16xf32>,
        %mul3A_531 = arith.constant 2 : i32
        %mul3A_532 = arith.muli %mul3A_531, %add3A_168 : i32
        %add3A_533 = arith.constant 1 : i32
        %add3A_534 = arith.addi %mul3A_532, %add3A_533 : i32
        %get3A_535 = arith.constant 1 : i32
        %get3A_536 = arith.index_cast %get3A_535 : i32 to index
        %get3A_537 = arith.index_cast %add3A_534 : i32 to index
        %get3A_538 = arith.constant 16 : index
        %get3A_539 = tpu.vector_load %arg9[%get3A_536, %get3A_537, %get3A_538] {strides = array<i32>} : memref<2x100x64xf32, #tpu.memory_space<vmem>>, vector<1x1x16xf32>,
        %get3A_540 = vector.shape_cast %get3A_539 : vector<1x1x16xf32> to vector<16xf32>
        %mul3A_541 = arith.constant 2 : i32
        %mul3A_542 = arith.muli %mul3A_541, %add3A_168 : i32
        %add3A_543 = arith.constant 1 : i32
        %add3A_544 = arith.addi %mul3A_542, %add3A_543 : i32
        %get3A_545 = arith.constant 1 : i32
        %get3A_546 = arith.index_cast %get3A_545 : i32 to index
        %get3A_547 = arith.index_cast %add3A_544 : i32 to index
        %get3A_548 = arith.constant 16 : index
        %get3A_549 = tpu.vector_load %arg7[%get3A_546, %get3A_547, %get3A_548] {strides = array<i32>} : memref<2x100x64xf32, #tpu.memory_space<vmem>>, vector<1x1x16xf32>,
        %get3A_550 = vector.shape_cast %get3A_549 : vector<1x1x16xf32> to vector<16xf32>
        %add3A_551 = arith.addf %get3A_540, %get3A_550 : vector<16xf32>
        %swap3A_552 = arith.constant 1 : i32
        %swap3A_553 = arith.index_cast %swap3A_552 : i32 to index
        %swap3A_554 = arith.index_cast %add3A_168 : i32 to index
        %swap3A_555 = arith.constant 80 : index
        %swap3A_556 = tpu.vector_load %arg11[%swap3A_553, %swap3A_554, %swap3A_555] {strides = array<i32>} : memref<2x50x128xf32, #tpu.memory_space<vmem>>, vector<1x1x16xf32>,
        %swap3A_557 = vector.shape_cast %swap3A_556 : vector<1x1x16xf32> to vector<16xf32>
        %swap3A_558 = vector.shape_cast %add3A_551 : vector<16xf32> to vector<1x1x16xf32>
        tpu.vector_store %arg11[%swap3A_553, %swap3A_554, %swap3A_555], %swap3A_558 {strides = array<i32>} : memref<2x50x128xf32, #tpu.memory_space<vmem>>, vector<1x1x16xf32>,
        %mul3A_559 = arith.constant 2 : i32
        %mul3A_560 = arith.muli %mul3A_559, %add3A_168 : i32
        %add3A_561 = arith.constant 1 : i32
        %add3A_562 = arith.addi %mul3A_560, %add3A_561 : i32
        %get3A_563 = arith.constant 1 : i32
        %get3A_564 = arith.index_cast %get3A_563 : i32 to index
        %get3A_565 = arith.index_cast %add3A_562 : i32 to index
        %get3A_566 = arith.constant 32 : index
        %get3A_567 = tpu.vector_load %arg9[%get3A_564, %get3A_565, %get3A_566] {strides = array<i32>} : memref<2x100x64xf32, #tpu.memory_space<vmem>>, vector<1x1x16xf32>,
        %get3A_568 = vector.shape_cast %get3A_567 : vector<1x1x16xf32> to vector<16xf32>
        %mul3A_569 = arith.constant 2 : i32
        %mul3A_570 = arith.muli %mul3A_569, %add3A_168 : i32
        %add3A_571 = arith.constant 1 : i32
        %add3A_572 = arith.addi %mul3A_570, %add3A_571 : i32
        %get3A_573 = arith.constant 1 : i32
        %get3A_574 = arith.index_cast %get3A_573 : i32 to index
        %get3A_575 = arith.index_cast %add3A_572 : i32 to index
        %get3A_576 = arith.constant 32 : index
        %get3A_577 = tpu.vector_load %arg7[%get3A_574, %get3A_575, %get3A_576] {strides = array<i32>} : memref<2x100x64xf32, #tpu.memory_space<vmem>>, vector<1x1x16xf32>,
        %get3A_578 = vector.shape_cast %get3A_577 : vector<1x1x16xf32> to vector<16xf32>
        %add3A_579 = arith.addf %get3A_568, %get3A_578 : vector<16xf32>
        %swap3A_580 = arith.constant 1 : i32
        %swap3A_581 = arith.index_cast %swap3A_580 : i32 to index
        %swap3A_582 = arith.index_cast %add3A_168 : i32 to index
        %swap3A_583 = arith.constant 96 : index
        %swap3A_584 = tpu.vector_load %arg11[%swap3A_581, %swap3A_582, %swap3A_583] {strides = array<i32>} : memref<2x50x128xf32, #tpu.memory_space<vmem>>, vector<1x1x16xf32>,
        %swap3A_585 = vector.shape_cast %swap3A_584 : vector<1x1x16xf32> to vector<16xf32>
        %swap3A_586 = vector.shape_cast %add3A_579 : vector<16xf32> to vector<1x1x16xf32>
        tpu.vector_store %arg11[%swap3A_581, %swap3A_582, %swap3A_583], %swap3A_586 {strides = array<i32>} : memref<2x50x128xf32, #tpu.memory_space<vmem>>, vector<1x1x16xf32>,
        %mul3A_587 = arith.constant 2 : i32
        %mul3A_588 = arith.muli %mul3A_587, %add3A_168 : i32
        %add3A_589 = arith.constant 1 : i32
        %add3A_590 = arith.addi %mul3A_588, %add3A_589 : i32
        %get3A_591 = arith.constant 1 : i32
        %get3A_592 = arith.index_cast %get3A_591 : i32 to index
        %get3A_593 = arith.index_cast %add3A_590 : i32 to index
        %get3A_594 = arith.constant 48 : index
        %get3A_595 = tpu.vector_load %arg9[%get3A_592, %get3A_593, %get3A_594] {strides = array<i32>} : memref<2x100x64xf32, #tpu.memory_space<vmem>>, vector<1x1x16xf32>,
        %get3A_596 = vector.shape_cast %get3A_595 : vector<1x1x16xf32> to vector<16xf32>
        %mul3A_597 = arith.constant 2 : i32
        %mul3A_598 = arith.muli %mul3A_597, %add3A_168 : i32
        %add3A_599 = arith.constant 1 : i32
        %add3A_600 = arith.addi %mul3A_598, %add3A_599 : i32
        %get3A_601 = arith.constant 1 : i32
        %get3A_602 = arith.index_cast %get3A_601 : i32 to index
        %get3A_603 = arith.index_cast %add3A_600 : i32 to index
        %get3A_604 = arith.constant 48 : index
        %get3A_605 = tpu.vector_load %arg7[%get3A_602, %get3A_603, %get3A_604] {strides = array<i32>} : memref<2x100x64xf32, #tpu.memory_space<vmem>>, vector<1x1x16xf32>,
        %get3A_606 = vector.shape_cast %get3A_605 : vector<1x1x16xf32> to vector<16xf32>
        %add3A_607 = arith.addf %get3A_596, %get3A_606 : vector<16xf32>
        %swap3A_608 = arith.constant 1 : i32
        %swap3A_609 = arith.index_cast %swap3A_608 : i32 to index
        %swap3A_610 = arith.index_cast %add3A_168 : i32 to index
        %swap3A_611 = arith.constant 112 : index
        %swap3A_612 = tpu.vector_load %arg11[%swap3A_609, %swap3A_610, %swap3A_611] {strides = array<i32>} : memref<2x50x128xf32, #tpu.memory_space<vmem>>, vector<1x1x16xf32>,
        %swap3A_613 = vector.shape_cast %swap3A_612 : vector<1x1x16xf32> to vector<16xf32>
        %swap3A_614 = vector.shape_cast %add3A_607 : vector<16xf32> to vector<1x1x16xf32>
        tpu.vector_store %arg11[%swap3A_609, %swap3A_610, %swap3A_611], %swap3A_614 {strides = array<i32>} : memref<2x50x128xf32, #tpu.memory_space<vmem>>, vector<1x1x16xf32>,
      }
      %scan3A_152 = arith.constant 50 : i32
      %add3A_153 = arith.addi %mul3A_2, %add3A_111 : i32
      %dma_start3A_154 = arith.constant 0 : i32
      %dma_start3A_155 = arith.constant 0 : i32
      %dma_start3A_156 = arith.constant 0 : i32
      %dma_start3A_157 = tpu.memref_slice %arg5[%add3A_153, %dma_start3A_154, %dma_start3A_155, %dma_start3A_156] : memref<2048x2x56x128xf32, #tpu.memory_space<hbm>> -> memref<1x2x50x128xf32, #tpu.memory_space<hbm>>
      %dma_start3A_158 = tpu.memref_squeeze %dma_start3A_157 : memref<1x2x50x128xf32, #tpu.memory_space<hbm>> -> memref<2x50x128xf32, #tpu.memory_space<hbm>>
      %dma_start3A_159 = arith.constant 0 : i32
      %dma_start3A_160 = arith.constant 0 : i32
      %dma_start3A_161 = arith.constant 0 : i32
      %dma_start3A_162 = tpu.memref_slice %arg5[%add3A_153, %dma_start3A_159, %dma_start3A_160, %dma_start3A_161] : memref<2048x2x56x128xf32, #tpu.memory_space<hbm>> -> memref<1x2x50x128xf32, #tpu.memory_space<hbm>>
      %dma_start3A_163 = tpu.memref_squeeze %dma_start3A_162 : memref<1x2x50x128xf32, #tpu.memory_space<hbm>> -> memref<2x50x128xf32, #tpu.memory_space<hbm>>
      tpu.enqueue_dma source(%arg11 : memref<2x50x128xf32, #tpu.memory_space<vmem>>) target(%dma_start3A_163 : memref<2x50x128xf32, #tpu.memory_space<hbm>>) target_semaphore(%arg15 : memref<!tpu.dma_semaphore, #tpu.memory_space<semaphore_mem>>)
    }
    %scan3A_31 = arith.constant 32 : i32
    %add3A_32 = arith.constant 62 : i32
    %add3A_33 = arith.addi %mul3A_2, %add3A_32 : i32
    %dma_wait3A = arith.constant 0 : i32
    %dma_wait3A_34 = arith.constant 0 : i32
    %dma_wait3A_35 = arith.constant 0 : i32
    %dma_wait3A_36 = tpu.memref_slice %arg5[%add3A_33, %dma_wait3A, %dma_wait3A_34, %dma_wait3A_35] : memref<2048x2x56x128xf32, #tpu.memory_space<hbm>> -> memref<1x2x50x128xf32, #tpu.memory_space<hbm>>
    %dma_wait3A_37 = tpu.memref_squeeze %dma_wait3A_36 : memref<1x2x50x128xf32, #tpu.memory_space<hbm>> -> memref<2x50x128xf32, #tpu.memory_space<hbm>>
    %dma_wait3A_38 = arith.constant 0 : i32
    %dma_wait3A_39 = arith.constant 0 : i32
    %dma_wait3A_40 = arith.constant 0 : i32
    %dma_wait3A_41 = tpu.memref_slice %arg5[%add3A_33, %dma_wait3A_38, %dma_wait3A_39, %dma_wait3A_40] : memref<2048x2x56x128xf32, #tpu.memory_space<hbm>> -> memref<1x2x50x128xf32, #tpu.memory_space<hbm>>
    %dma_wait3A_42 = tpu.memref_squeeze %dma_wait3A_41 : memref<1x2x50x128xf32, #tpu.memory_space<hbm>> -> memref<2x50x128xf32, #tpu.memory_space<hbm>>
    tpu.wait_dma2 semaphore(%arg14 : memref<!tpu.dma_semaphore, #tpu.memory_space<semaphore_mem>>) src(%arg10 : memref<2x50x128xf32, #tpu.memory_space<vmem>>) dst(%dma_wait3A_42 : memref<2x50x128xf32, #tpu.memory_space<hbm>>)
    %add3A_43 = arith.constant 63 : i32
    %add3A_44 = arith.addi %mul3A_2, %add3A_43 : i32
    %dma_wait3A_45 = arith.constant 0 : i32
    %dma_wait3A_46 = arith.constant 0 : i32
    %dma_wait3A_47 = arith.constant 0 : i32
    %dma_wait3A_48 = tpu.memref_slice %arg5[%add3A_44, %dma_wait3A_45, %dma_wait3A_46, %dma_wait3A_47] : memref<2048x2x56x128xf32, #tpu.memory_space<hbm>> -> memref<1x2x50x128xf32, #tpu.memory_space<hbm>>
    %dma_wait3A_49 = tpu.memref_squeeze %dma_wait3A_48 : memref<1x2x50x128xf32, #tpu.memory_space<hbm>> -> memref<2x50x128xf32, #tpu.memory_space<hbm>>
    %dma_wait3A_50 = arith.constant 0 : i32
    %dma_wait3A_51 = arith.constant 0 : i32
    %dma_wait3A_52 = arith.constant 0 : i32
    %dma_wait3A_53 = tpu.memref_slice %arg5[%add3A_44, %dma_wait3A_50, %dma_wait3A_51, %dma_wait3A_52] : memref<2048x2x56x128xf32, #tpu.memory_space<hbm>> -> memref<1x2x50x128xf32, #tpu.memory_space<hbm>>
    %dma_wait3A_54 = tpu.memref_squeeze %dma_wait3A_53 : memref<1x2x50x128xf32, #tpu.memory_space<hbm>> -> memref<2x50x128xf32, #tpu.memory_space<hbm>>
    tpu.wait_dma2 semaphore(%arg15 : memref<!tpu.dma_semaphore, #tpu.memory_space<semaphore_mem>>) src(%arg11 : memref<2x50x128xf32, #tpu.memory_space<vmem>>) dst(%dma_wait3A_54 : memref<2x50x128xf32, #tpu.memory_space<hbm>>)
    return
  }
}

module attributes {stable_mosaic.version = 14 : i64} {
  func.func @_transpose_body(%arg0: i32, %arg1: memref<128x2x56x128xf32, #tpu.memory_space<vmem>>, %arg2: memref<200x8x1x8x128xf32, #tpu.memory_space<vmem>>) attributes {dimension_semantics = [#tpu.dimension_semantics<arbitrary>], iteration_bounds = array<i64: 16>, scalar_prefetch = 0 : i64, scratch_operands = 0 : i64, tpu.core_type = #tpu.core_type<tc>, window_params = [{transform_indices = @transform_0, window_bounds = array<i64: 128, 2, 56, 128>}, {transform_indices = @transform_1, window_bounds = array<i64: 200, 8, 1, 8, 128>}]} {
    %scan3A = arith.constant 0 : i32
    %scan3A_0 = arith.constant 50 : i32
    %scan3A_1 = arith.addi %scan3A, %scan3A_0 : i32
    %scan3A_2 = arith.constant 1 : i32
    scf.for %scan3A_4 = %scan3A to %scan3A_1 step %scan3A_2  : i32 {
      %get3A = arith.constant 0 : index
      %get3A_5 = arith.constant 0 : index
      %get3A_6 = arith.index_cast %scan3A_4 : i32 to index
      %get3A_7 = arith.constant 0 : index
      %get3A_8 = vector.load %arg1[%get3A, %get3A_5, %get3A_6, %get3A_7] : memref<128x2x56x128xf32, #tpu.memory_space<vmem>>, vector<128x1x1x128xf32>
      %get3A_9 = vector.shape_cast %get3A_8 : vector<128x1x1x128xf32> to vector<128x128xf32>
      %transpose3A = tpu.transpose %get3A_9, [1, 0] : vector<128x128xf32> -> vector<128x128xf32>
      %reshape3A = vector.shape_cast %transpose3A : vector<128x128xf32> to vector<2x8x8x128xf32>
      %mul3A = arith.constant 2 : i32
      %mul3A_10 = arith.muli %mul3A, %scan3A_4 : i32
      %add3A = arith.constant 0 : i32
      %add3A_11 = arith.addi %add3A, %mul3A_10 : i32
      %swap3A = arith.index_cast %add3A_11 : i32 to index
      %swap3A_12 = arith.constant 0 : index
      %swap3A_13 = arith.constant 0 : index
      %swap3A_14 = arith.constant 0 : index
      %swap3A_15 = arith.constant 0 : index
      %swap3A_16 = vector.load %arg2[%swap3A, %swap3A_12, %swap3A_13, %swap3A_14, %swap3A_15] : memref<200x8x1x8x128xf32, #tpu.memory_space<vmem>>, vector<2x8x1x8x128xf32>
      %swap3A_17 = vector.shape_cast %swap3A_16 : vector<2x8x1x8x128xf32> to vector<2x8x8x128xf32>
      %swap3A_18 = vector.shape_cast %reshape3A : vector<2x8x8x128xf32> to vector<2x8x1x8x128xf32>
      tpu.vector_store %arg2[%swap3A, %swap3A_12, %swap3A_13, %swap3A_14, %swap3A_15], %swap3A_18 {strides = array<i32>} : memref<200x8x1x8x128xf32, #tpu.memory_space<vmem>>, vector<2x8x1x8x128xf32>,
      %get3A_19 = arith.constant 0 : index
      %get3A_20 = arith.constant 1 : index
      %get3A_21 = arith.index_cast %scan3A_4 : i32 to index
      %get3A_22 = arith.constant 0 : index
      %get3A_23 = vector.load %arg1[%get3A_19, %get3A_20, %get3A_21, %get3A_22] : memref<128x2x56x128xf32, #tpu.memory_space<vmem>>, vector<128x1x1x128xf32>
      %get3A_24 = vector.shape_cast %get3A_23 : vector<128x1x1x128xf32> to vector<128x128xf32>
      %transpose3A_25 = tpu.transpose %get3A_24, [1, 0] : vector<128x128xf32> -> vector<128x128xf32>
      %reshape3A_26 = vector.shape_cast %transpose3A_25 : vector<128x128xf32> to vector<2x8x8x128xf32>
      %mul3A_27 = arith.constant 2 : i32
      %mul3A_28 = arith.muli %mul3A_27, %scan3A_4 : i32
      %add3A_29 = arith.constant 100 : i32
      %add3A_30 = arith.addi %add3A_29, %mul3A_28 : i32
      %swap3A_31 = arith.index_cast %add3A_30 : i32 to index
      %swap3A_32 = arith.constant 0 : index
      %swap3A_33 = arith.constant 0 : index
      %swap3A_34 = arith.constant 0 : index
      %swap3A_35 = arith.constant 0 : index
      %swap3A_36 = vector.load %arg2[%swap3A_31, %swap3A_32, %swap3A_33, %swap3A_34, %swap3A_35] : memref<200x8x1x8x128xf32, #tpu.memory_space<vmem>>, vector<2x8x1x8x128xf32>
      %swap3A_37 = vector.shape_cast %swap3A_36 : vector<2x8x1x8x128xf32> to vector<2x8x8x128xf32>
      %swap3A_38 = vector.shape_cast %reshape3A_26 : vector<2x8x8x128xf32> to vector<2x8x1x8x128xf32>
      tpu.vector_store %arg2[%swap3A_31, %swap3A_32, %swap3A_33, %swap3A_34, %swap3A_35], %swap3A_38 {strides = array<i32>} : memref<200x8x1x8x128xf32, #tpu.memory_space<vmem>>, vector<2x8x1x8x128xf32>,
    }
    %scan3A_3 = arith.constant 50 : i32
    return
  }
  func.func @transform_0(%arg0: i32) -> (i32, i32, i32, i32) {
    %c0_i32 = arith.constant 0 : i32
    %c0_i32_0 = arith.constant 0 : i32
    %c0_i32_1 = arith.constant 0 : i32
    %c0_i32_2 = arith.constant 0 : i32
    return %arg0, %c0_i32, %c0_i32_0, %c0_i32_1 : i32, i32, i32, i32
  }
  func.func @transform_1(%arg0: i32) -> (i32, i32, i32, i32, i32) {
    %add3A = arith.constant 0 : i32
    %add3A_0 = arith.addi %add3A, %arg0 : i32
    %c0_i32 = arith.constant 0 : i32
    %c0_i32_1 = arith.constant 0 : i32
    %c0_i32_2 = arith.constant 0 : i32
    %c0_i32_3 = arith.constant 0 : i32
    %c0_i32_4 = arith.constant 0 : i32
    return %c0_i32, %c0_i32_1, %add3A_0, %c0_i32_2, %c0_i32_3 : i32, i32, i32, i32, i32
  }
}

module attributes {stable_mosaic.version = 14 : i64} {
  func.func @_transpose_alias_body(%arg0: i32, %arg1: memref<128x2x56x128xf32, #tpu.memory_space<vmem>>, %arg2: memref<200x8x32x8x128xf32, #tpu.memory_space<any>>, %arg3: memref<200x8x1x8x128xf32, #tpu.memory_space<vmem>>) attributes {dimension_semantics = [#tpu.dimension_semantics<arbitrary>], iteration_bounds = array<i64: 16>, scalar_prefetch = 0 : i64, scratch_operands = 0 : i64, tpu.core_type = #tpu.core_type<tc>, window_params = [{transform_indices = @transform_0, window_bounds = array<i64: 128, 2, 56, 128>}, {}, {transform_indices = @transform_2, window_bounds = array<i64: 200, 8, 1, 8, 128>}]} {
    %scan3A = arith.constant 0 : i32
    %scan3A_0 = arith.constant 50 : i32
    %scan3A_1 = arith.addi %scan3A, %scan3A_0 : i32
    %scan3A_2 = arith.constant 1 : i32
    scf.for %scan3A_4 = %scan3A to %scan3A_1 step %scan3A_2  : i32 {
      %get3A = arith.constant 0 : index
      %get3A_5 = arith.constant 0 : index
      %get3A_6 = arith.index_cast %scan3A_4 : i32 to index
      %get3A_7 = arith.constant 0 : index
      %get3A_8 = vector.load %arg1[%get3A, %get3A_5, %get3A_6, %get3A_7] : memref<128x2x56x128xf32, #tpu.memory_space<vmem>>, vector<128x1x1x128xf32>
      %get3A_9 = vector.shape_cast %get3A_8 : vector<128x1x1x128xf32> to vector<128x128xf32>
      %transpose3A = tpu.transpose %get3A_9, [1, 0] : vector<128x128xf32> -> vector<128x128xf32>
      %reshape3A = vector.shape_cast %transpose3A : vector<128x128xf32> to vector<2x8x8x128xf32>
      %mul3A = arith.constant 2 : i32
      %mul3A_10 = arith.muli %mul3A, %scan3A_4 : i32
      %add3A = arith.constant 0 : i32
      %add3A_11 = arith.addi %add3A, %mul3A_10 : i32
      %swap3A = arith.index_cast %add3A_11 : i32 to index
      %swap3A_12 = arith.constant 0 : index
      %swap3A_13 = arith.constant 0 : index
      %swap3A_14 = arith.constant 0 : index
      %swap3A_15 = arith.constant 0 : index
      %swap3A_16 = vector.load %arg3[%swap3A, %swap3A_12, %swap3A_13, %swap3A_14, %swap3A_15] : memref<200x8x1x8x128xf32, #tpu.memory_space<vmem>>, vector<2x8x1x8x128xf32>
      %swap3A_17 = vector.shape_cast %swap3A_16 : vector<2x8x1x8x128xf32> to vector<2x8x8x128xf32>
      %swap3A_18 = vector.shape_cast %reshape3A : vector<2x8x8x128xf32> to vector<2x8x1x8x128xf32>
      tpu.vector_store %arg3[%swap3A, %swap3A_12, %swap3A_13, %swap3A_14, %swap3A_15], %swap3A_18 {strides = array<i32>} : memref<200x8x1x8x128xf32, #tpu.memory_space<vmem>>, vector<2x8x1x8x128xf32>,
      %get3A_19 = arith.constant 0 : index
      %get3A_20 = arith.constant 1 : index
      %get3A_21 = arith.index_cast %scan3A_4 : i32 to index
      %get3A_22 = arith.constant 0 : index
      %get3A_23 = vector.load %arg1[%get3A_19, %get3A_20, %get3A_21, %get3A_22] : memref<128x2x56x128xf32, #tpu.memory_space<vmem>>, vector<128x1x1x128xf32>
      %get3A_24 = vector.shape_cast %get3A_23 : vector<128x1x1x128xf32> to vector<128x128xf32>
      %transpose3A_25 = tpu.transpose %get3A_24, [1, 0] : vector<128x128xf32> -> vector<128x128xf32>
      %reshape3A_26 = vector.shape_cast %transpose3A_25 : vector<128x128xf32> to vector<2x8x8x128xf32>
      %mul3A_27 = arith.constant 2 : i32
      %mul3A_28 = arith.muli %mul3A_27, %scan3A_4 : i32
      %add3A_29 = arith.constant 100 : i32
      %add3A_30 = arith.addi %add3A_29, %mul3A_28 : i32
      %swap3A_31 = arith.index_cast %add3A_30 : i32 to index
      %swap3A_32 = arith.constant 0 : index
      %swap3A_33 = arith.constant 0 : index
      %swap3A_34 = arith.constant 0 : index
      %swap3A_35 = arith.constant 0 : index
      %swap3A_36 = vector.load %arg3[%swap3A_31, %swap3A_32, %swap3A_33, %swap3A_34, %swap3A_35] : memref<200x8x1x8x128xf32, #tpu.memory_space<vmem>>, vector<2x8x1x8x128xf32>
      %swap3A_37 = vector.shape_cast %swap3A_36 : vector<2x8x1x8x128xf32> to vector<2x8x8x128xf32>
      %swap3A_38 = vector.shape_cast %reshape3A_26 : vector<2x8x8x128xf32> to vector<2x8x1x8x128xf32>
      tpu.vector_store %arg3[%swap3A_31, %swap3A_32, %swap3A_33, %swap3A_34, %swap3A_35], %swap3A_38 {strides = array<i32>} : memref<200x8x1x8x128xf32, #tpu.memory_space<vmem>>, vector<2x8x1x8x128xf32>,
    }
    %scan3A_3 = arith.constant 50 : i32
    return
  }
  func.func @transform_0(%arg0: i32) -> (i32, i32, i32, i32) {
    %c0_i32 = arith.constant 0 : i32
    %c0_i32_0 = arith.constant 0 : i32
    %c0_i32_1 = arith.constant 0 : i32
    %c0_i32_2 = arith.constant 0 : i32
    return %arg0, %c0_i32, %c0_i32_0, %c0_i32_1 : i32, i32, i32, i32
  }
  func.func @transform_2(%arg0: i32) -> (i32, i32, i32, i32, i32) {
    %add3A = arith.constant 16 : i32
    %add3A_0 = arith.addi %add3A, %arg0 : i32
    %c0_i32 = arith.constant 0 : i32
    %c0_i32_1 = arith.constant 0 : i32
    %c0_i32_2 = arith.constant 0 : i32
    %c0_i32_3 = arith.constant 0 : i32
    %c0_i32_4 = arith.constant 0 : i32
    return %c0_i32, %c0_i32_1, %add3A_0, %c0_i32_2, %c0_i32_3 : i32, i32, i32, i32, i32
  }
}

</mosaic_0001>

<sc_bundles>
// kernel: _tpe.6.cloned.1.call-start
scs
__scs_entry_jumppad:
0x0: {  	(pc) =	sbr.rel $0x88, $3  }
0x1: {  	(tag) =	ssettag $0x0;
	lr =	simm.s32 $0x1  }
0x2: {  	[smem:$0x3F9E] =	sst lr;
	_ =	strace $0xD0000000  }
0x3: {  	_ = 	snop  }
0x4: {  	_ = 	snop  }
0x5: {  	_ = 	snop  }
0x6: {  	_ = 	snop  }
0x7: {  	_ = 	snop  }
__scs_overlays_trampoline_lowered:
0x8: {  	[smem:$0x3FAD] =	sst s0  }
0x9: {  	[smem:$0x3FAE] =	sst s1  }
0xa: {  	[smem:$0x3FAF] =	sst s2  }
0xb: {  	[smem:$0x3FB0] =	sst s3  }
0xc: {  	[smem:$0x3FB1] =	sst s4  }
0xd: {  	[smem:$0x3FB2] =	sst s5  }
0xe: {  	[smem:$0x3FB3] =	sst s6  }
0xf: {  	[smem:$0x3FB4] =	sst s7  }
0x10: {  	[smem:$0x3FB5] =	sst s8  }
0x11: {  	[smem:$0x3FB6] =	sst s9;
	s0 =	simm.s32 @!p0 $0x0  }
0x12: {  	s1 =	sld [smem:$0x3F9C];
	s0 =	simm.s32 @p0 $0x1  }
0x13: {  	[smem:$0x3FB7] =	sst s0;
	s0 =	simm.s32 @!p1 $0x0  }
0x14: {  	s2 =	sld [smem:$0x3F9B];
	s0 =	simm.s32 @p1 $0x1  }
0x15: {  	[smem:$0x3FB8] =	sst s0;
	s0 =	simm.s32 @!p2 $0x0  }
0x16: {  	s3 =	sld [smem:$0x3FDB];
	s0 =	simm.s32 @p2 $0x1  }
0x17: {  	s4 =	simm.s32 $0x1BF5;
	[smem:$0x3FBA] =	sst s0  }
0x18: {  	s0 =	sld [smem:$0x3F9D];
	_ =	swait.ge [sflag:s4], $0x0  }
0x19: {  	s7 =	sld [smem:$0x3F9E]  }
0x1a: {  	s8 =	sadd.s32 $0xFFFFE003, lr  }
0x1b: {  	s9 =	sadd.s32 $0xFFFFFEF7, lr;
	s5 =	simm.s32 $0xFFFFFFFF;
	p2 =	slt.u32 s8, $0xFFFFF086  }
0x1c: {  	p1 =	slt.u32 s9, $0xF7A;
	s5 =	simm.s32 @!p2 $0x0  }
0x1d: {  	s5 =	simm.s32 @p1 $0x1;
	p0 =	seq.s32 s7, s2  }
0x1e: {  	s7 =	smul.u32 @!p0 $0xF7A, s2;
	p2 =	seq.s32 @!p0 s5, $0x0  }
0x1f: {  	s9 =	smul.u32 $0xF7A, s1;
	s8 =	simm.s32 @!p0 $0x1BF5;
	p2 =	por !p2, p0  }
0x20: {  	[sflag:s8] =	ssyncset.s32 @!p0 $0xFFFFF086;
	s6 =	sadd.s32 @!p0 s3, s7;
	s7 =	simm.s32 @!p0 $0x108  }
0x21: {  	s3 =	sadd.s32 s3, s9;
	s6 =	sadd.s32 @!p0 $0x88, s6;
	s7 =	simm.s32 @p2 $0x1082  }
0x22: {  	[simem:s7], [sflag:s8] =	dma.local @!p0 [hbm:s6], $0xF7A  }
0x23: {  	s9 =	sor.u32 $0xD0000000, s2;
	s6 =	simm.s32 $0x108;
	_ =	swait.ge @!p0 [sflag:s8], $0x0  }
0x24: {  	s3 =	sadd.s32 $0x88, s3;
	s6 =	simm.s32 @!p1 $0x1082;
	[sflag:s4] =	ssyncset.s32 $0xFFFFF086  }
0x25: {  	[simem:s6], [sflag:s4] =	dma.local [hbm:s3], $0xF7A  }
0x26: {  	[smem:$0x3F9E] =	sst s1;
	(tag) =	ssettag s2;
	_ =	strace s9  }
0x27: {  	s1 =	sld [smem:$0x3FAE]  }
0x28: {  	s2 =	sld [smem:$0x3FAF]  }
0x29: {  	s4 =	sld [smem:$0x3FB1]  }
0x2a: {  	p0 =	seq.s32 s5, $0x0;
	s5 =	sld [smem:$0x3FB2]  }
0x2b: {  	s6 =	sld [smem:$0x3FB3]  }
0x2c: {  	s7 =	sld [smem:$0x3FB4]  }
0x2d: {  	s3 =	simm.s32 $0x108;
	s8 =	sld [smem:$0x3FB5]  }
0x2e: {  	s3 =	simm.s32 @!p0 $0x1082;
	s9 =	sld [smem:$0x3FB6]  }
0x2f: {  	lr =	sadd.s32 s0, s3;
	s0 =	sld [smem:$0x3FAD]  }
0x30: {  	s3 =	sld [smem:$0x3FB0]  }
0x31: {  	[smem:$0x3FB9] =	sst s10  }
0x32: {  	s10 =	sld [smem:$0x3FB7];
	_ =	sdelay $0x3  }
0x33: {  	p0 =	seq.s32 s10, $0x1;
	s10 =	sld [smem:$0x3FB9];
	_ =	sdelay $0x3  }
0x34: {  	[smem:$0x3FB9] =	sst s10  }
0x35: {  	s10 =	sld [smem:$0x3FB8];
	_ =	sdelay $0x3  }
0x36: {  	p1 =	seq.s32 s10, $0x1;
	s10 =	sld [smem:$0x3FB9];
	_ =	sdelay $0x3  }
0x37: {  	[smem:$0x3FB9] =	sst s10  }
0x38: {  	s10 =	sld [smem:$0x3FBA]  }
0x39: {  	_ = 	snop;
	(pc) =	sbr.ind lr, $3  }
0x3a: {  	_ = 	snop  }
0x3b: {  	_ = 	snop  }
0x3c: {  	p2 =	seq.s32 s10, $0x1;
	s10 =	sld [smem:$0x3FB9]  }
0x3d: {  	_ =	shalt  }
0x3e: {  	_ =	shalt  }
0x3f: {  	_ =	shalt  }
0x40: {  	_ =	shalt  }
0x41: {  	_ =	shalt  }
0x42: {  	_ =	shalt  }
0x43: {  	_ =	shalt  }
0x44: {  	_ =	shalt  }
0x45: {  	_ =	shalt  }
0x46: {  	_ =	shalt  }
0x47: {  	_ =	shalt  }
0x48: {  	_ =	shalt  }
0x49: {  	_ =	shalt  }
0x4a: {  	_ =	shalt  }
0x4b: {  	_ =	shalt  }
0x4c: {  	_ =	shalt  }
0x4d: {  	_ =	shalt  }
0x4e: {  	_ =	shalt  }
0x4f: {  	_ =	shalt  }
0x50: {  	_ =	shalt  }
0x51: {  	_ =	shalt  }
0x52: {  	_ =	shalt  }
0x53: {  	_ =	shalt  }
0x54: {  	_ =	shalt  }
0x55: {  	_ =	shalt  }
0x56: {  	_ =	shalt  }
0x57: {  	_ =	shalt  }
0x58: {  	_ =	shalt  }
0x59: {  	_ =	shalt  }
0x5a: {  	_ =	shalt  }
0x5b: {  	_ =	shalt  }
0x5c: {  	_ =	shalt  }
0x5d: {  	_ =	shalt  }
0x5e: {  	_ =	shalt  }
0x5f: {  	_ =	shalt  }
0x60: {  	_ =	shalt  }
0x61: {  	_ =	shalt  }
0x62: {  	_ =	shalt  }
0x63: {  	_ =	shalt  }
0x64: {  	_ =	shalt  }
0x65: {  	_ =	shalt  }
0x66: {  	_ =	shalt  }
0x67: {  	_ =	shalt  }
0x68: {  	_ =	shalt  }
0x69: {  	_ =	shalt  }
0x6a: {  	_ =	shalt  }
0x6b: {  	_ =	shalt  }
0x6c: {  	_ =	shalt  }
0x6d: {  	_ =	shalt  }
0x6e: {  	_ =	shalt  }
0x6f: {  	_ =	shalt  }
0x70: {  	_ =	shalt  }
0x71: {  	_ =	shalt  }
0x72: {  	_ =	shalt  }
0x73: {  	_ =	shalt  }
0x74: {  	_ =	shalt  }
0x75: {  	_ =	shalt  }
0x76: {  	_ =	shalt  }
0x77: {  	_ =	shalt  }
0x78: {  	_ =	shalt  }
0x79: {  	_ =	shalt  }
0x7a: {  	_ =	shalt  }
0x7b: {  	_ =	shalt  }
0x7c: {  	_ =	shalt  }
0x7d: {  	_ =	shalt  }
0x7e: {  	_ =	shalt  }
0x7f: {  	_ =	shalt  }
0x80: {  	_ =	shalt  }
0x81: {  	_ =	shalt  }
0x82: {  	_ =	shalt  }
0x83: {  	_ =	shalt  }
0x84: {  	_ =	shalt  }
0x85: {  	_ =	shalt  }
0x86: {  	_ =	shalt  }
0x87: {  	_ =	shalt  }
.Lfunc_end0:
.L_simem_size_0:
called_computation_lowered:
.L_overlay_start_0:
0x88: {  	s2 =	sld [smem:$0x3FD9]  }
0x89: {  	s3 =	sld [smem:$0x3FFE];
	_ =	sdelay $0x1  }
0x8a: {  	s1 =	srdreg.scid  }
0x8b: {  	s0 =	sand.u32 $0x1, s1  }
0x8c: {  	s16 =	sshll.u32 s0, $0xA;
	s2 =	sadd.s32 s3, s2  }
0x8d: {  	s2 =	sadd.s32 s2, s16  }
0x8e: {  	[smem:$0x3FC5] =	sst s2  }
0x8f: {  	_ = 	snop  }
0x90: {  	(tm) =	ssettm $0x1  }
0x91: {  	s17 =	sld [smem:$0x3FFB];
	_ =	sdelay $0x3  }
0x92: {  	_ =	strace s17  }
0x93: {  	s2 =	sld [smem:$0x3FFC];
	_ =	sdelay $0x3  }
0x94: {  	_ =	strace s2  }
0x95: {  	s2 =	sld [smem:$0x3FFD];
	_ =	sdelay $0x3  }
0x96: {  	_ =	strace s2  }
0x97: {  	_ =	strace $0x8FFFFFFF  }
0x98: {  	s18 =	sld [smem:$0x3FDB];
	_ =	sdelay $0x1  }
0x99: {  	s19 =	simm.s32 $_scs_section_size  }
0x9a: {  	s4 =	simm.s32 $_size__tile_overlayer_lowered;
	s5 =	simm.s32 $_tile_overlayer_lowered  }
0x9b: {  	s22 =	simm.s32 $0x1BFF;
	s21 =	sshll.u32 s5, $0x1;
	s2 =	sadd.s32 s19, s18  }
0x9c: {  	s6 =	simm.s32 $0x0;
	s20 =	sshll.u32 s4, $0x1;
	s4 =	sadd.s32 s21, s2  }
0x9d: {  	[timem:s6], [sflag:s22] =	dma.local [hbm:s4], s20  }
0x9e: {  	_ =	swait.ge [sflag:s22], s20  }
0x9f: {  	s3 =	ssub.s32 $0x0, s20;
	[sflag:s22] =	ssyncset.done $0x0  }
0xa0: {  	[sflag:s22] =	ssyncadd.s32 s3;
	_ =	sdelay $0x1  }
0xa1: {  	s23 =	simm.s32 $0x1B8B  }
0xa2: {  	_ =	swait.ge [sflag:s23], $0x1  }
0xa3: {  	[sflag:s23] =	ssyncset.done $0x0  }
0xa4: {  	s25 =	simm.s32 $0x1B8E;
	s24 =	sld [smem:$0x3FFE];
	[sflag:s23] =	ssyncadd.s32 $0xFFFFFFFF  }
0xa5: {  	s26 =	simm.s32 $execute0_lowered;
	[smem:$0x3FD2] =	sst s25  }
0xa6: {  	s4 =	sshll.u32 s26, $0x1;
	_ =	strace $0x80000046;
	[dreg:$0x1] =	wrdreg $0xFFFFFFFF  }
0xa7: {  	s28 =	simm.s32 $_size_execute0_lowered;
	s2 =	sadd.s32 s2, s4;
	[dreg:$0x0] =	wrdreg $0x0  }
0xa8: {  	s4 =	sshll.u32 s28, $0x1;
	[dreg:$0x2] =	wrdreg s2  }
0xa9: {  	[dreg:$0x3] =	wrdreg s4  }
0xaa: {  	[dreg:$0x4] =	wrdreg $0xC0  }
0xab: {  	_ =	task [dreg:s6], $0x5FFFF  }
0xac: {  	[dreg:$0x1] =	wrdreg $0xFFFFFFFF  }
0xad: {  	[dreg:$0x0] =	wrdreg $0x60  }
0xae: {  	[dreg:$0x2] =	wrdreg s24  }
0xaf: {  	[dreg:$0x3] =	wrdreg $0x9  }
0xb0: {  	_ =	task.clear_ibuf [dreg:s6], $0x4FFFF;
	_ =	strace $0x90000046  }
0xb1: {  	s29 =	simm.s32 $0x9;
	_ =	strace $0x80000048  }
0xb2: {  	_ =	swait.ge [sflag:s29], $0x1  }
0xb3: {  	[sflag:s29] =	ssyncadd.s32 $0xFFFFFFFF  }
0xb4: {  	_ =	strace $0x90000048  }
0xb5: {  	_ =	sfence  }
0xb6: {  	s30 =	sld [smem:$0x0];
	_ =	sdelay $0x2  }
0xb7: {  	s31 =	sshll.u32 s1, $0xD;
	s1 =	sshrl.u32 s1, $0x2  }
0xb8: {  	s3 =	sand.u32 $0x4000, s31;
	s1 =	sadd.s32 s1, s30  }
0xb9: {  	s0 =	sor.u32 s3, s0;
	s1 =	sshll.u32 s1, $0x11  }
0xba: {  	s0 =	sor.u32 s1, s0  }
0xbb: {  	s0 =	sadd.s32 $0x8F2B, s0  }
0xbc: {  	[sflag:s0] =	ssyncadd.remote.s32 $0x1  }
0xbd: {  	_ =	sfence.sel $0xFFFF  }
0xbe: {  	[dreg:$0x0] =	wrdreg $0xFFFFFFFF;
	(pc) =	sbr.abs _section_cstart, $3  }
0xbf: {  	[dreg:$0x1] =	wrdreg $0xFFFFFFFF  }
0xc0: {  	_ =	task.clear_ibuf [dreg:s6], $0x2FFFF;
	_ =	strace $0x9FFFFFFF  }
0xc1: {  	(tm) =	ssettm $0x7FFFFFFF  }
tec
execute0_lowered:
.L_overlay_start_1:
0x0: {  	(tag) =	ssettag $0x1  }
0x1: {  	s1 =	srdreg.scid  }
0x2: {  	s0 =	stileid.u32;
	s6 =	rddreg [dreg:$0x0];
	s9 =	simm.s32 $0x3400  }
0x3: {  	s10 =	simm.s32 $0x5;
	s11 =	simm.s32 $0x64;
	s12 =	simm.s32 $0x6600  }
0x4: {  	s13 =	simm.s32 $0x68;
	s14 =	simm.s32 $0x7F00;
	s15 =	simm.s32 $0x9800  }
0x5: {  	s16 =	simm.s32 $0xB100;
	s17 =	simm.s32 $0x1;
	s18 =	simm.s32 $0x1900  }
0x6: {  	s19 =	simm.s32 $0x1C00;
	s20 =	simm.s32 $0xCA00;
	s21 =	simm.s32 $0x2  }
0x7: {  	s22 =	simm.s32 $0xFC00;
	s23 =	simm.s32 $0x3;
	s1 =	sand.u32 $0x1, s1  }
0x8: {  	s24 =	simm.s32 $0x4;
	s2 =	sshll.u32 s0, $0x7;
	s3 =	sshll.u32 s1, $0x6  }
0x9: {  	s25 =	simm.s32 $0x0;
	s1 =	ssub.s32 $0x2, s1;
	s2 =	sor.u32 s3, s2  }
0xa: {  	s3 =	simm.s32 $0x0;
	s8 =	sshrl.u32 s1, $0x1;
	s4 =	smul.u32 $0x1A, s2  }
0xb: {  	s5 =	sadd.s32 $0xC00, s6;
	[smem:$0x7FF] =	sst s3;
	s1 =	ssub.s32 s1, s8  }
0xc: {  	_ =	strace $0x80000047;
	s8 =	smax.u32 s1, $0x1;
	s7 =	sadd.s32 s4, s6  }
0xd: {  	s4 =	sadd.s32 $0x1AC00, s6;
	s6 =	sadd.s32 $0xDE200, s6;
	s7 =	sadd.s32 $0xDC00, s7  }
.LBB2_1:
0xe: {  	[tilespmem:s9], [sflag:$0x5] =	stream.linear.gather [hbm4b:s5+s3], $0x3200, $0x38;
	[tilespmem:$0x12E00] =	vst v63  }
0xf: {  	_ =	swait.ge [sflag:s10], $0x3200  }
0x10: {  	[sflag:s10] =	ssyncset.done $0x0  }
0x11: {  	[sflag:s10] =	ssyncadd.s32 $0xFFFFCE00  }
0x12: {  	[tilespmem:s3], [sflag:$0x5] =	stream.linear.gather [hbm4b:s7+s3], $0x3400, $0x38;
	[tilespmem:$0x12E00] =	vst v63  }
0x13: {  	_ =	swait.ge [sflag:s10], $0x3400  }
0x14: {  	[sflag:s10] =	ssyncset.done $0x0  }
0x15: {  	[sflag:s10] =	ssyncadd.s32 $0xFFFFCC00  }
0x16: {  	[tilespmem:s12], [sflag:$0x1] =	stream.indirect.gather [hbm4b:s4+s11], $0x40, s3, s11, $0xb8;
	[tilespmem:$0x12E00] =	vst v63  }
0x17: {  	s26 =	simm.s32 $0x0  }
0x18: {  	[tilespmem:s14], [sflag:$0x1] =	stream.indirect.gather [hbm4b:s4+s11], $0x40, s13, s11, $0xb8;
	[tilespmem:$0x12E00] =	vst v63  }
.LBB2_2:
0x19: {  	s28 =	sshllo.u32 s26, $0x1  }
0x1a: {  	s1 =	smul.u32 $0x340, s28;
	_ =	sdelay $0x1  }
0x1b: {  	s1 =	sshra.s32 s1, $0x2  }
0x1c: {  	[tilespmem:s15], [sflag:$0x2] =	stream.indirect.gather [hbm4b:s4+s11], $0x40, s1, s11, $0xb8;
	[tilespmem:$0x12E00] =	vst v63  }
0x1d: {  	s1 =	sadd.s32 $0x68, s1  }
0x1e: {  	[tilespmem:s16], [sflag:$0x2] =	stream.indirect.gather [hbm4b:s4+s11], $0x40, s1, s11, $0xb8;
	[tilespmem:$0x12E00] =	vst v63  }
0x1f: {  	_ =	swait.ge [sflag:s17], $0x1900  }
0x20: {  	[sflag:s17] =	ssyncset.done $0x0  }
0x21: {  	[sflag:s17] =	ssyncadd.s32 $0xFFFFE700  }
0x22: {  	_ =	swait.ge [sflag:s17], $0x1900  }
0x23: {  	p0 =	seq.s32 s26, $0x0;
	[sflag:s17] =	ssyncset.done $0x0  }
0x24: {  	s1 =	simm.s32 @!p0 $0x3;
	[sflag:s17] =	ssyncadd.s32 $0xFFFFE700  }
0x25: {  	_ =	swait.ge @!p0 [sflag:s1], $0x3200  }
0x26: {  	[sflag:s1] =	ssyncset.done @!p0 $0x0  }
0x27: {  	s29 =	simm.s32 $0x40;
	[sflag:s1] =	ssyncadd.s32 @!p0 $0xFFFFCE00  }
0x28: {  	v0 =	vld [tilespmem:s29+$0x7F30]  }
0x29: {  	v1 =	vld [tilespmem:s29+$0x4D30]  }
0x2a: {  	v2 =	vld [tilespmem:s29+$0x65C0]  }
0x2b: {  	v3 =	vld [tilespmem:s29+$0x33C0]  }
0x2c: {  	v4 =	vld [tilespmem:s29+$0x65D0]  }
0x2d: {  	v5 =	vld [tilespmem:s29+$0x33D0]  }
0x2e: {  	v6 =	vld [tilespmem:s29+$0x65E0]  }
0x2f: {  	v7 =	vld [tilespmem:s29+$0x65F0]  }
0x30: {  	v0 =	vadd.f32 v1, v0;
	v1 =	vld [tilespmem:s29+$0x33E0]  }
0x31: {  	v2 =	vadd.f32 v3, v2;
	v3 =	vld [tilespmem:s29+$0x6600]  }
0x32: {  	[tilespmem:s29+$0xE330] =	vst v0;
	v0 =	vld [tilespmem:s29+$0x33F0]  }
0x33: {  	[tilespmem:s29+$0xC9C0] =	vst v2;
	v2 =	vadd.f32 v5, v4;
	v4 =	vld [tilespmem:s29+$0x3400]  }
0x34: {  	v5 =	vld [tilespmem:s29+$0x3410]  }
0x35: {  	[tilespmem:s29+$0xC9D0] =	vst v2;
	v2 =	vld [tilespmem:s29+$0x6610];
	v1 =	vadd.f32 v1, v6  }
0x36: {  	v6 =	vld [tilespmem:s29+$0x3420]  }
0x37: {  	[tilespmem:s29+$0xC9E0] =	vst v1;
	v0 =	vadd.f32 v0, v7;
	v1 =	vld [tilespmem:s29+$0x6620]  }
0x38: {  	v7 =	vld [tilespmem:s29+$0x4CF0]  }
0x39: {  	[tilespmem:s29+$0xC9F0] =	vst v0;
	v0 =	vadd.f32 v4, v3;
	v3 =	vld [tilespmem:s29+$0x6630]  }
0x3a: {  	v4 =	vld [tilespmem:s29+$0x3430]  }
0x3b: {  	[tilespmem:s29+$0xCA00] =	vst v0;
	v0 =	vadd.f32 v5, v2;
	v2 =	vld [tilespmem:s29+$0x7EC0]  }
0x3c: {  	v5 =	vld [tilespmem:s29+$0x4CC0]  }
0x3d: {  	[tilespmem:s29+$0xCA10] =	vst v0;
	v0 =	vadd.f32 v6, v1;
	v1 =	vld [tilespmem:s29+$0x7ED0]  }
0x3e: {  	v6 =	vld [tilespmem:s29+$0x4CD0]  }
0x3f: {  	[tilespmem:s29+$0xCA20] =	vst v0;
	v0 =	vadd.f32 v4, v3;
	v3 =	vld [tilespmem:s29+$0x7EE0]  }
0x40: {  	v4 =	vld [tilespmem:s29+$0x4CE0]  }
0x41: {  	[tilespmem:s29+$0xCA30] =	vst v0;
	v0 =	vadd.f32 v5, v2;
	v5 =	vld [tilespmem:s29+$0x7EF0]  }
0x42: {  	v8 =	vld [tilespmem:s29+$0x4D00]  }
0x43: {  	[tilespmem:s29+$0xE2C0] =	vst v0;
	v0 =	vadd.f32 v6, v1;
	v6 =	vld [tilespmem:s29+$0x7F00]  }
0x44: {  	v2 =	vld [tilespmem:s29+$0x7F10]  }
0x45: {  	[tilespmem:s29+$0xE2D0] =	vst v0;
	v0 =	vadd.f32 v4, v3;
	v3 =	vld [tilespmem:s29+$0x4D10]  }
0x46: {  	v4 =	vld [tilespmem:s29+$0x4D20];
	v5 =	vadd.f32 v7, v5  }
0x47: {  	s31 =	simm.s32 $0xC0;
	[tilespmem:s29+$0xE2E0] =	vst v0;
	v0 =	vld [tilespmem:s29+$0x7F20]  }
0x48: {  	s30 =	sshll.u32 s26, $0x1;
	s1 =	simm.s32 $0x500;
	v1 =	vld [tilespmem:s31+$0x7F30];
	[tilespmem:s29+$0xE2F0] =	vst v5;
	v5 =	vadd.f32 v8, v6  }
.LBB2_3:
0x49: {  	p1 =	sne.s32 s1, $0x6300;
	v6 =	vld [tilespmem:s31+$0x4D30]  }
0x4a: {  	v7 =	vld [tilespmem:s31+$0x65C0];
	[tilespmem:s29+$0xE300] =	vst v5;
	v2 =	vadd.f32 v3, v2  }
0x4b: {  	v3 =	vld [tilespmem:s31+$0x33C0]  }
0x4c: {  	v5 =	vld [tilespmem:s31+$0x65D0];
	[tilespmem:s29+$0xE310] =	vst v2;
	v0 =	vadd.f32 v4, v0  }
0x4d: {  	v2 =	vld [tilespmem:s31+$0x33D0]  }
0x4e: {  	v4 =	vld [tilespmem:s31+$0x65E0];
	v1 =	vadd.f32 v6, v1;
	[tilespmem:s29+$0xE320] =	vst v0;
	s29 =	smov.u32 s31  }
0x4f: {  	v0 =	vld [tilespmem:s29+$0x33E0]  }
0x50: {  	v3 =	vadd.f32 v3, v7;
	v6 =	vld [tilespmem:s29+$0x65F0];
	[tilespmem:s29+$0xE330] =	vst v1  }
0x51: {  	v1 =	vld [tilespmem:s29+$0x33F0]  }
0x52: {  	[tilespmem:s29+$0xC9C0] =	vst v3;
	v2 =	vadd.f32 v2, v5;
	v3 =	vld [tilespmem:s29+$0x6600]  }
0x53: {  	v5 =	vld [tilespmem:s29+$0x3400]  }
0x54: {  	[tilespmem:s29+$0xC9D0] =	vst v2;
	v0 =	vadd.f32 v0, v4;
	v2 =	vld [tilespmem:s29+$0x6610]  }
0x55: {  	v4 =	vld [tilespmem:s29+$0x3410]  }
0x56: {  	[tilespmem:s29+$0xC9E0] =	vst v0;
	v0 =	vadd.f32 v1, v6;
	v1 =	vld [tilespmem:s29+$0x6620]  }
0x57: {  	v6 =	vld [tilespmem:s29+$0x3420]  }
0x58: {  	[tilespmem:s29+$0xC9F0] =	vst v0;
	v0 =	vadd.f32 v5, v3;
	v3 =	vld [tilespmem:s29+$0x6630]  }
0x59: {  	v5 =	vld [tilespmem:s29+$0x3430]  }
0x5a: {  	[tilespmem:s29+$0xCA00] =	vst v0;
	v0 =	vadd.f32 v4, v2;
	v2 =	vld [tilespmem:s29+$0x7EC0]  }
0x5b: {  	v4 =	vld [tilespmem:s29+$0x4CC0]  }
0x5c: {  	[tilespmem:s29+$0xCA10] =	vst v0;
	v0 =	vadd.f32 v6, v1;
	v1 =	vld [tilespmem:s29+$0x7ED0]  }
0x5d: {  	v6 =	vld [tilespmem:s29+$0x4CD0]  }
0x5e: {  	[tilespmem:s29+$0xCA20] =	vst v0;
	v0 =	vadd.f32 v5, v3;
	v3 =	vld [tilespmem:s29+$0x7EE0]  }
0x5f: {  	v5 =	vld [tilespmem:s29+$0x4CE0]  }
0x60: {  	[tilespmem:s29+$0xCA30] =	vst v0;
	v0 =	vadd.f32 v4, v2;
	v4 =	vld [tilespmem:s29+$0x7EF0]  }
0x61: {  	v7 =	vld [tilespmem:s29+$0x4CF0]  }
0x62: {  	[tilespmem:s29+$0xE2C0] =	vst v0;
	v0 =	vadd.f32 v6, v1;
	v6 =	vld [tilespmem:s29+$0x7F00]  }
0x63: {  	v8 =	vld [tilespmem:s29+$0x4D00]  }
.Ltmp0:
0x64: {  	[tilespmem:s29+$0xE2D0] =	vst v0;
	v0 =	vadd.f32 v5, v3;
	v2 =	vld [tilespmem:s29+$0x7F10];
	(pc) =	sbr.rel @p1 .LBB2_3-.Ltmp0, $4  }
0x65: {  	v3 =	vld [tilespmem:s29+$0x4D10]  }
0x66: {  	[tilespmem:s29+$0xE2E0] =	vst v0;
	v5 =	vadd.f32 v7, v4;
	v0 =	vld [tilespmem:s29+$0x7F20]  }
0x67: {  	s31 =	sshra.s32 s1, $0x2;
	v4 =	vld [tilespmem:s29+$0x4D20]  }
0x68: {  	s1 =	sadd.s32 $0x200, s1;
	v1 =	vld [tilespmem:s31+$0x7F30];
	[tilespmem:s29+$0xE2F0] =	vst v5;
	v5 =	vadd.f32 v8, v6  }
0x69: {  	v6 =	vld [tilespmem:s31+$0x4D30]  }
0x6a: {  	v7 =	vld [tilespmem:s31+$0x65C0];
	[tilespmem:s29+$0xE300] =	vst v5;
	v2 =	vadd.f32 v3, v2  }
0x6b: {  	v3 =	vld [tilespmem:s31+$0x33C0]  }
0x6c: {  	v5 =	vld [tilespmem:s31+$0x65D0];
	[tilespmem:s29+$0xE310] =	vst v2;
	v0 =	vadd.f32 v4, v0  }
0x6d: {  	v2 =	vld [tilespmem:s31+$0x33D0]  }
0x6e: {  	v4 =	vld [tilespmem:s31+$0x65E0];
	[tilespmem:s29+$0xE320] =	vst v0  }
0x6f: {  	v0 =	vadd.f32 v6, v1;
	v1 =	vld [tilespmem:s31+$0x33E0]  }
0x70: {  	v6 =	vld [tilespmem:s31+$0x65F0]  }
0x71: {  	v3 =	vadd.f32 v3, v7;
	[tilespmem:s31+$0xE330] =	vst v0;
	v0 =	vld [tilespmem:s31+$0x33F0]  }
0x72: {  	v7 =	vld [tilespmem:s31+$0x4D20]  }
0x73: {  	[tilespmem:s31+$0xC9C0] =	vst v3;
	v2 =	vadd.f32 v2, v5;
	v3 =	vld [tilespmem:s31+$0x6600]  }
0x74: {  	v5 =	vld [tilespmem:s31+$0x3400]  }
0x75: {  	[tilespmem:s31+$0xC9D0] =	vst v2;
	v2 =	vld [tilespmem:s31+$0x6610]  }
0x76: {  	v1 =	vadd.f32 v1, v4;
	v4 =	vld [tilespmem:s31+$0x3410]  }
0x77: {  	v0 =	vadd.f32 v0, v6;
	v6 =	vld [tilespmem:s31+$0x3420]  }
0x78: {  	[tilespmem:s31+$0xC9E0] =	vst v1;
	v1 =	vld [tilespmem:s31+$0x6620]  }
0x79: {  	[tilespmem:s31+$0xC9F0] =	vst v0;
	v0 =	vadd.f32 v5, v3;
	v3 =	vld [tilespmem:s31+$0x6630]  }
0x7a: {  	v5 =	vld [tilespmem:s31+$0x3430]  }
0x7b: {  	[tilespmem:s31+$0xCA00] =	vst v0;
	v0 =	vadd.f32 v4, v2;
	v2 =	vld [tilespmem:s31+$0x7EC0]  }
0x7c: {  	v4 =	vld [tilespmem:s31+$0x4CC0]  }
0x7d: {  	[tilespmem:s31+$0xCA10] =	vst v0;
	v0 =	vadd.f32 v6, v1;
	v1 =	vld [tilespmem:s31+$0x7ED0]  }
0x7e: {  	v6 =	vld [tilespmem:s31+$0x4CD0]  }
0x7f: {  	[tilespmem:s31+$0xCA20] =	vst v0;
	v0 =	vadd.f32 v5, v3;
	v3 =	vld [tilespmem:s31+$0x7EE0]  }
0x80: {  	v5 =	vld [tilespmem:s31+$0x4CE0]  }
0x81: {  	[tilespmem:s31+$0xCA30] =	vst v0;
	v0 =	vadd.f32 v4, v2;
	v2 =	vld [tilespmem:s31+$0x7EF0]  }
0x82: {  	v4 =	vld [tilespmem:s31+$0x4CF0]  }
0x83: {  	[tilespmem:s31+$0xE2C0] =	vst v0;
	v0 =	vadd.f32 v6, v1;
	v1 =	vld [tilespmem:s31+$0x7F00]  }
0x84: {  	v6 =	vld [tilespmem:s31+$0x4D00]  }
0x85: {  	[tilespmem:s31+$0xE2D0] =	vst v0;
	v0 =	vadd.f32 v5, v3;
	v3 =	vld [tilespmem:s31+$0x7F10]  }
0x86: {  	v5 =	vld [tilespmem:s31+$0x4D10]  }
0x87: {  	[tilespmem:s31+$0xE2E0] =	vst v0;
	v0 =	vld [tilespmem:s31+$0x7F20];
	_ =	sdelay $0x1  }
0x88: {  	v2 =	vadd.f32 v4, v2  }
0x89: {  	v1 =	vadd.f32 v6, v1  }
0x8a: {  	s1 =	sadd.s32 s2, s30;
	[tilespmem:s31+$0xE2F0] =	vst v2;
	v2 =	vadd.f32 v5, v3  }
0x8b: {  	s1 =	smul.u32 $0x700, s1;
	[tilespmem:s31+$0xE300] =	vst v1;
	v0 =	vadd.f32 v7, v0  }
0x8c: {  	p1 =	seq.s32 s26, $0x1F;
	[tilespmem:s31+$0xE310] =	vst v2  }
0x8d: {  	s1 =	sadd.s32 s6, s1;
	s29 =	smul.u32 @!p1 $0x680, s26;
	[tilespmem:s31+$0xE320] =	vst v0  }
0x8e: {  	[hbm4b:s1+s18] =	stream.strided.scatter [tilespmem:s20], [sflag:$0x3], $0x3200, s19, s18, $0x38;
	[tilespmem:$0x12E00] =	vst v63  }
0x8f: {  	s1 =	sshra.s32 @!p1 s29, $0x2  }
0x90: {  	s30 =	simm.s32 @!p1 $0x64;
	s31 =	simm.s32 @!p1 $0x6600;
	s29 =	sadd.s32 @!p1 $0x1A0, s1  }
0x91: {  	[tilespmem:s31], [sflag:$0x1] =	stream.indirect.gather @!p1 [hbm4b:s4+s30], $0x40, s29, s30, $0xb8;
	[tilespmem:$0x12E00] =	vst v63  }
0x92: {  	s1 =	sadd.s32 @!p1 $0x208, s1;
	s29 =	simm.s32 @!p1 $0x7F00  }
0x93: {  	[tilespmem:s29], [sflag:$0x1] =	stream.indirect.gather @!p1 [hbm4b:s4+s30], $0x40, s1, s30, $0xb8;
	[tilespmem:$0x12E00] =	vst v63  }
0x94: {  	_ =	swait.ge [sflag:s21], $0x1900  }
0x95: {  	[sflag:s21] =	ssyncset.done $0x0  }
0x96: {  	[sflag:s21] =	ssyncadd.s32 $0xFFFFE700  }
0x97: {  	_ =	swait.ge [sflag:s21], $0x1900  }
0x98: {  	[sflag:s21] =	ssyncset.done $0x0  }
0x99: {  	s1 =	simm.s32 @!p0 $0x4;
	[sflag:s21] =	ssyncadd.s32 $0xFFFFE700  }
0x9a: {  	_ =	swait.ge @!p0 [sflag:s1], $0x3200  }
0x9b: {  	[sflag:s1] =	ssyncset.done @!p0 $0x0  }
0x9c: {  	s29 =	simm.s32 $0x40;
	[sflag:s1] =	ssyncadd.s32 @!p0 $0xFFFFCE00  }
0x9d: {  	v0 =	vld [tilespmem:s29+$0xB130]  }
0x9e: {  	v1 =	vld [tilespmem:s29+$0x4D30]  }
0x9f: {  	v2 =	vld [tilespmem:s29+$0x97C0]  }
0xa0: {  	v3 =	vld [tilespmem:s29+$0x33C0]  }
0xa1: {  	v4 =	vld [tilespmem:s29+$0x97D0]  }
0xa2: {  	v5 =	vld [tilespmem:s29+$0x33D0]  }
0xa3: {  	v6 =	vld [tilespmem:s29+$0x97E0]  }
0xa4: {  	v7 =	vld [tilespmem:s29+$0x97F0]  }
0xa5: {  	v0 =	vadd.f32 v1, v0;
	v1 =	vld [tilespmem:s29+$0x33E0]  }
0xa6: {  	v2 =	vadd.f32 v3, v2;
	v3 =	vld [tilespmem:s29+$0x9800]  }
0xa7: {  	[tilespmem:s29+$0x11530] =	vst v0;
	v0 =	vld [tilespmem:s29+$0x33F0]  }
0xa8: {  	[tilespmem:s29+$0xFBC0] =	vst v2;
	v2 =	vadd.f32 v5, v4;
	v4 =	vld [tilespmem:s29+$0x3400]  }
0xa9: {  	v5 =	vld [tilespmem:s29+$0x3410]  }
0xaa: {  	[tilespmem:s29+$0xFBD0] =	vst v2;
	v2 =	vld [tilespmem:s29+$0x9810];
	v1 =	vadd.f32 v1, v6  }
0xab: {  	v6 =	vld [tilespmem:s29+$0x3420]  }
0xac: {  	[tilespmem:s29+$0xFBE0] =	vst v1;
	v0 =	vadd.f32 v0, v7;
	v1 =	vld [tilespmem:s29+$0x9820]  }
0xad: {  	v7 =	vld [tilespmem:s29+$0x4CF0]  }
0xae: {  	[tilespmem:s29+$0xFBF0] =	vst v0;
	v0 =	vadd.f32 v4, v3;
	v3 =	vld [tilespmem:s29+$0x9830]  }
0xaf: {  	v4 =	vld [tilespmem:s29+$0x3430]  }
0xb0: {  	[tilespmem:s29+$0xFC00] =	vst v0;
	v0 =	vadd.f32 v5, v2;
	v2 =	vld [tilespmem:s29+$0xB0C0]  }
0xb1: {  	v5 =	vld [tilespmem:s29+$0x4CC0]  }
0xb2: {  	[tilespmem:s29+$0xFC10] =	vst v0;
	v0 =	vadd.f32 v6, v1;
	v1 =	vld [tilespmem:s29+$0xB0D0]  }
0xb3: {  	v6 =	vld [tilespmem:s29+$0x4CD0]  }
0xb4: {  	[tilespmem:s29+$0xFC20] =	vst v0;
	v0 =	vadd.f32 v4, v3;
	v3 =	vld [tilespmem:s29+$0xB0E0]  }
0xb5: {  	v4 =	vld [tilespmem:s29+$0x4CE0]  }
0xb6: {  	[tilespmem:s29+$0xFC30] =	vst v0;
	v0 =	vadd.f32 v5, v2;
	v5 =	vld [tilespmem:s29+$0xB0F0]  }
0xb7: {  	v8 =	vld [tilespmem:s29+$0x4D00]  }
0xb8: {  	[tilespmem:s29+$0x114C0] =	vst v0;
	v0 =	vadd.f32 v6, v1;
	v6 =	vld [tilespmem:s29+$0xB100]  }
0xb9: {  	v2 =	vld [tilespmem:s29+$0xB110]  }
0xba: {  	[tilespmem:s29+$0x114D0] =	vst v0;
	v0 =	vadd.f32 v4, v3;
	v3 =	vld [tilespmem:s29+$0x4D10]  }
0xbb: {  	v4 =	vld [tilespmem:s29+$0x4D20];
	v5 =	vadd.f32 v7, v5  }
0xbc: {  	s30 =	simm.s32 $0xC0;
	[tilespmem:s29+$0x114E0] =	vst v0;
	v0 =	vld [tilespmem:s29+$0xB120]  }
0xbd: {  	s1 =	simm.s32 $0x500;
	v1 =	vld [tilespmem:s30+$0xB130];
	[tilespmem:s29+$0x114F0] =	vst v5;
	v5 =	vadd.f32 v8, v6  }
.LBB2_5:
0xbe: {  	p0 =	sne.s32 s1, $0x6300;
	v6 =	vld [tilespmem:s30+$0x4D30]  }
0xbf: {  	v7 =	vld [tilespmem:s30+$0x97C0];
	[tilespmem:s29+$0x11500] =	vst v5;
	v2 =	vadd.f32 v3, v2  }
0xc0: {  	v3 =	vld [tilespmem:s30+$0x33C0]  }
0xc1: {  	v5 =	vld [tilespmem:s30+$0x97D0];
	[tilespmem:s29+$0x11510] =	vst v2;
	v0 =	vadd.f32 v4, v0  }
0xc2: {  	v2 =	vld [tilespmem:s30+$0x33D0]  }
0xc3: {  	v4 =	vld [tilespmem:s30+$0x97E0];
	v1 =	vadd.f32 v6, v1;
	[tilespmem:s29+$0x11520] =	vst v0;
	s29 =	smov.u32 s30  }
0xc4: {  	v0 =	vld [tilespmem:s29+$0x33E0]  }
0xc5: {  	v3 =	vadd.f32 v3, v7;
	v6 =	vld [tilespmem:s29+$0x97F0];
	[tilespmem:s29+$0x11530] =	vst v1  }
0xc6: {  	v1 =	vld [tilespmem:s29+$0x33F0]  }
0xc7: {  	[tilespmem:s29+$0xFBC0] =	vst v3;
	v2 =	vadd.f32 v2, v5;
	v3 =	vld [tilespmem:s29+$0x9800]  }
0xc8: {  	v5 =	vld [tilespmem:s29+$0x3400]  }
0xc9: {  	[tilespmem:s29+$0xFBD0] =	vst v2;
	v0 =	vadd.f32 v0, v4;
	v2 =	vld [tilespmem:s29+$0x9810]  }
0xca: {  	v4 =	vld [tilespmem:s29+$0x3410]  }
0xcb: {  	[tilespmem:s29+$0xFBE0] =	vst v0;
	v0 =	vadd.f32 v1, v6;
	v1 =	vld [tilespmem:s29+$0x9820]  }
0xcc: {  	v6 =	vld [tilespmem:s29+$0x3420]  }
0xcd: {  	[tilespmem:s29+$0xFBF0] =	vst v0;
	v0 =	vadd.f32 v5, v3;
	v3 =	vld [tilespmem:s29+$0x9830]  }
0xce: {  	v5 =	vld [tilespmem:s29+$0x3430]  }
0xcf: {  	[tilespmem:s29+$0xFC00] =	vst v0;
	v0 =	vadd.f32 v4, v2;
	v2 =	vld [tilespmem:s29+$0xB0C0]  }
0xd0: {  	v4 =	vld [tilespmem:s29+$0x4CC0]  }
0xd1: {  	[tilespmem:s29+$0xFC10] =	vst v0;
	v0 =	vadd.f32 v6, v1;
	v1 =	vld [tilespmem:s29+$0xB0D0]  }
0xd2: {  	v6 =	vld [tilespmem:s29+$0x4CD0]  }
0xd3: {  	[tilespmem:s29+$0xFC20] =	vst v0;
	v0 =	vadd.f32 v5, v3;
	v3 =	vld [tilespmem:s29+$0xB0E0]  }
0xd4: {  	v5 =	vld [tilespmem:s29+$0x4CE0]  }
0xd5: {  	[tilespmem:s29+$0xFC30] =	vst v0;
	v0 =	vadd.f32 v4, v2;
	v4 =	vld [tilespmem:s29+$0xB0F0]  }
0xd6: {  	v7 =	vld [tilespmem:s29+$0x4CF0]  }
0xd7: {  	[tilespmem:s29+$0x114C0] =	vst v0;
	v0 =	vadd.f32 v6, v1;
	v6 =	vld [tilespmem:s29+$0xB100]  }
0xd8: {  	v8 =	vld [tilespmem:s29+$0x4D00]  }
.Ltmp1:
0xd9: {  	[tilespmem:s29+$0x114D0] =	vst v0;
	v0 =	vadd.f32 v5, v3;
	v2 =	vld [tilespmem:s29+$0xB110];
	(pc) =	sbr.rel @p0 .LBB2_5-.Ltmp1, $4  }
0xda: {  	v3 =	vld [tilespmem:s29+$0x4D10]  }
0xdb: {  	[tilespmem:s29+$0x114E0] =	vst v0;
	v5 =	vadd.f32 v7, v4;
	v0 =	vld [tilespmem:s29+$0xB120]  }
0xdc: {  	s30 =	sshra.s32 s1, $0x2;
	v4 =	vld [tilespmem:s29+$0x4D20]  }
0xdd: {  	s1 =	sadd.s32 $0x200, s1;
	v1 =	vld [tilespmem:s30+$0xB130];
	[tilespmem:s29+$0x114F0] =	vst v5;
	v5 =	vadd.f32 v8, v6  }
0xde: {  	v6 =	vld [tilespmem:s30+$0x4D30]  }
0xdf: {  	v7 =	vld [tilespmem:s30+$0x97C0];
	[tilespmem:s29+$0x11500] =	vst v5;
	v2 =	vadd.f32 v3, v2  }
0xe0: {  	v28 =	vld [tilespmem:s30+$0x33C0]  }
0xe1: {  	v5 =	vld [tilespmem:s30+$0x97D0];
	[tilespmem:s29+$0x11510] =	vst v2;
	v0 =	vadd.f32 v4, v0  }
0xe2: {  	v2 =	vld [tilespmem:s30+$0x33D0]  }
0xe3: {  	v29 =	vld [tilespmem:s30+$0x97E0];
	[tilespmem:s29+$0x11520] =	vst v0  }
0xe4: {  	v31 =	vld [tilespmem:s30+$0x33E0]  }
0xe5: {  	v32 =	vld [tilespmem:s30+$0x97F0]  }
0xe6: {  	v33 =	vld [tilespmem:s30+$0x33F0]  }
0xe7: {  	v34 =	vld [tilespmem:s30+$0x9800]  }
0xe8: {  	v35 =	vld [tilespmem:s30+$0x3400]  }
0xe9: {  	v36 =	vld [tilespmem:s30+$0x9810]  }
0xea: {  	v37 =	vld [tilespmem:s30+$0x3410]  }
0xeb: {  	v38 =	vld [tilespmem:s30+$0x9820]  }
0xec: {  	v39 =	vld [tilespmem:s30+$0x3420]  }
0xed: {  	v41 =	vld [tilespmem:s30+$0x9830]  }
0xee: {  	v42 =	vld [tilespmem:s30+$0x3430]  }
0xef: {  	v44 =	vld [tilespmem:s30+$0xB0C0]  }
0xf0: {  	v45 =	vld [tilespmem:s30+$0x4CC0]  }
0xf1: {  	v47 =	vld [tilespmem:s30+$0xB0D0]  }
0xf2: {  	v30 =	vadd.f32 v6, v1;
	v48 =	vld [tilespmem:s30+$0x4CD0]  }
0xf3: {  	v50 =	vld [tilespmem:s30+$0xB0E0];
	v3 =	vadd.f32 v28, v7  }
0xf4: {  	v51 =	vld [tilespmem:s30+$0x4CE0];
	[tilespmem:s30+$0x11530] =	vst v30;
	v2 =	vadd.f32 v2, v5  }
0xf5: {  	v53 =	vld [tilespmem:s30+$0xB0F0];
	[tilespmem:s30+$0xFBC0] =	vst v3;
	v1 =	vadd.f32 v31, v29  }
0xf6: {  	v54 =	vld [tilespmem:s30+$0x4CF0];
	[tilespmem:s30+$0xFBD0] =	vst v2;
	v0 =	vadd.f32 v33, v32  }
0xf7: {  	v56 =	vld [tilespmem:s30+$0xB100];
	v40 =	vadd.f32 v35, v34;
	[tilespmem:s30+$0xFBE0] =	vst v1  }
0xf8: {  	v57 =	vld [tilespmem:s30+$0x4D00];
	v43 =	vadd.f32 v37, v36;
	[tilespmem:s30+$0xFBF0] =	vst v0  }
0xf9: {  	v59 =	vld [tilespmem:s30+$0xB110];
	v46 =	vadd.f32 v39, v38;
	[tilespmem:s30+$0xFC00] =	vst v40  }
0xfa: {  	v60 =	vld [tilespmem:s30+$0x4D10];
	v49 =	vadd.f32 v42, v41;
	[tilespmem:s30+$0xFC10] =	vst v43  }
0xfb: {  	v61 =	vld [tilespmem:s30+$0xB120];
	v52 =	vadd.f32 v45, v44;
	[tilespmem:s30+$0xFC20] =	vst v46  }
0xfc: {  	v62 =	vld [tilespmem:s30+$0x4D20];
	v55 =	vadd.f32 v48, v47;
	[tilespmem:s30+$0xFC30] =	vst v49  }
0xfd: {  	v58 =	vadd.f32 v51, v50;
	[tilespmem:s30+$0x114C0] =	vst v52  }
0xfe: {  	s26 =	sadd.s32 $0x1, s26;
	v2 =	vadd.f32 v54, v53;
	[tilespmem:s30+$0x114D0] =	vst v55  }
0xff: {  	p0 =	sne.s32 s26, $0x20;
	v63 =	vadd.f32 v60, v59;
	[tilespmem:s30+$0x114E0] =	vst v58  }
.Ltmp2:
0x100: {  	s1 =	sadd.s32 s2, s28;
	v1 =	vadd.f32 v57, v56;
	[tilespmem:s30+$0x114F0] =	vst v2;
	(pc) =	sbr.rel @p0 .LBB2_2-.Ltmp2, $4  }
0x101: {  	s1 =	smul.u32 $0x700, s1;
	v0 =	vadd.f32 v62, v61;
	[tilespmem:s30+$0x11510] =	vst v63  }
0x102: {  	[tilespmem:s30+$0x11500] =	vst v1  }
0x103: {  	s1 =	sadd.s32 s6, s1;
	[tilespmem:s30+$0x11520] =	vst v0  }
0x104: {  	[hbm4b:s1+s18] =	stream.strided.scatter [tilespmem:s22], [sflag:$0x4], $0x3200, s19, s18, $0x38;
	[tilespmem:$0x12E00] =	vst v63  }
0x105: {  	s25 =	sadd.s32 $0x1, s25  }
0x106: {  	_ =	swait.ge [sflag:s23], $0x3200;
	p0 =	sne.s32 s25, s8  }
.Ltmp3:
0x107: {  	[sflag:s23] =	ssyncset.done $0x0;
	(pc) =	sbr.rel @p0 .LBB2_1-.Ltmp3, $4  }
0x108: {  	[sflag:s23] =	ssyncadd.s32 $0xFFFFCE00  }
0x109: {  	_ =	swait.ge [sflag:s24], $0x3200  }
0x10a: {  	[sflag:s24] =	ssyncset.done $0x0  }
0x10b: {  	[sflag:s24] =	ssyncadd.s32 $0xFFFFCE00  }
0x10c: {  	_ =	sfence.sel $0x180000  }
0x10d: {  	[bflag:$0x0] =	sbarrier.arrive $0xFFFF  }
0x10e: {  	_ =	strace $0x90000047  }
0x10f: {  	[bflag:$0x2] =	sbarrier.arrive $0xFFFF  }
0x110: {  	p0 =	sne.s32 s0, $0x0;
	s0 =	rddreg [dreg:$0x1]  }
0x111: {  	s0 =	sadd.s32 @!p0 $0x100000, s0  }
0x112: {  	[sflag:s0] =	ssyncadd.tile.s32 @!p0 $0x1;
	_ =	shalt  }
.Lfunc_end2:
_tile_overlayer_lowered:
.L_overlay_start_2:
0x113: {  	(tag) =	ssettag $0x2  }
0x114: {  	s0 =	rddreg [dreg:$0x0];
	s2 =	stileid.u32  }
0x115: {  	s1 =	rddreg [dreg:$0x1];
	p0 =	sne.s32 s2, $0x0  }
0x116: {  	s3 =	rddreg [dreg:$0x2];
	[bflag:$0x3] =	sbarrier.arrive $0xFFFF;
	s2 =	simm.s32 @!p0 $0x1C05  }
0x117: {  	[timem:s3], [sflag:s2] =	dma.local @!p0 [hbm:s0], s1  }
0x118: {  	s0 =	simm.s32 @!p0 $0x5  }
0x119: {  	_ =	swait.ge @!p0 [sflag:s0], s1  }
0x11a: {  	s1 =	ssub.s32 @!p0 $0x0, s1;
	[sflag:s0] =	ssyncset.done @!p0 $0x0  }
0x11b: {  	[sflag:s0] =	ssyncadd.s32 @!p0 s1  }
0x11c: {  	[bflag:$0x3] =	sbarrier.arrive $0xFFFF  }
0x11d: {  	_ =	shalt  }

// kernel: _tpe.9.cloned.1.call-start
scs
__scs_entry_jumppad:
0x0: {  	(pc) =	sbr.rel $0x88, $3  }
0x1: {  	(tag) =	ssettag $0x0;
	lr =	simm.s32 $0x1  }
0x2: {  	[smem:$0x3F9E] =	sst lr;
	_ =	strace $0xD0000000  }
0x3: {  	_ = 	snop  }
0x4: {  	_ = 	snop  }
0x5: {  	_ = 	snop  }
0x6: {  	_ = 	snop  }
0x7: {  	_ = 	snop  }
__scs_overlays_trampoline_lowered:
0x8: {  	[smem:$0x3FAD] =	sst s0  }
0x9: {  	[smem:$0x3FAE] =	sst s1  }
0xa: {  	[smem:$0x3FAF] =	sst s2  }
0xb: {  	[smem:$0x3FB0] =	sst s3  }
0xc: {  	[smem:$0x3FB1] =	sst s4  }
0xd: {  	[smem:$0x3FB2] =	sst s5  }
0xe: {  	[smem:$0x3FB3] =	sst s6  }
0xf: {  	[smem:$0x3FB4] =	sst s7  }
0x10: {  	[smem:$0x3FB5] =	sst s8  }
0x11: {  	[smem:$0x3FB6] =	sst s9;
	s0 =	simm.s32 @!p0 $0x0  }
0x12: {  	s1 =	sld [smem:$0x3F9C];
	s0 =	simm.s32 @p0 $0x1  }
0x13: {  	[smem:$0x3FB7] =	sst s0;
	s0 =	simm.s32 @!p1 $0x0  }
0x14: {  	s2 =	sld [smem:$0x3F9B];
	s0 =	simm.s32 @p1 $0x1  }
0x15: {  	[smem:$0x3FB8] =	sst s0;
	s0 =	simm.s32 @!p2 $0x0  }
0x16: {  	s3 =	sld [smem:$0x3FDB];
	s0 =	simm.s32 @p2 $0x1  }
0x17: {  	s4 =	simm.s32 $0x1BF5;
	[smem:$0x3FBA] =	sst s0  }
0x18: {  	s0 =	sld [smem:$0x3F9D];
	_ =	swait.ge [sflag:s4], $0x0  }
0x19: {  	s7 =	sld [smem:$0x3F9E]  }
0x1a: {  	s8 =	sadd.s32 $0xFFFFE003, lr  }
0x1b: {  	s9 =	sadd.s32 $0xFFFFFEF7, lr;
	s5 =	simm.s32 $0xFFFFFFFF;
	p2 =	slt.u32 s8, $0xFFFFF086  }
0x1c: {  	p1 =	slt.u32 s9, $0xF7A;
	s5 =	simm.s32 @!p2 $0x0  }
0x1d: {  	s5 =	simm.s32 @p1 $0x1;
	p0 =	seq.s32 s7, s2  }
0x1e: {  	s7 =	smul.u32 @!p0 $0xF7A, s2;
	p2 =	seq.s32 @!p0 s5, $0x0  }
0x1f: {  	s9 =	smul.u32 $0xF7A, s1;
	s8 =	simm.s32 @!p0 $0x1BF5;
	p2 =	por !p2, p0  }
0x20: {  	[sflag:s8] =	ssyncset.s32 @!p0 $0xFFFFF086;
	s6 =	sadd.s32 @!p0 s3, s7;
	s7 =	simm.s32 @!p0 $0x108  }
0x21: {  	s3 =	sadd.s32 s3, s9;
	s6 =	sadd.s32 @!p0 $0x88, s6;
	s7 =	simm.s32 @p2 $0x1082  }
0x22: {  	[simem:s7], [sflag:s8] =	dma.local @!p0 [hbm:s6], $0xF7A  }
0x23: {  	s9 =	sor.u32 $0xD0000000, s2;
	s6 =	simm.s32 $0x108;
	_ =	swait.ge @!p0 [sflag:s8], $0x0  }
0x24: {  	s3 =	sadd.s32 $0x88, s3;
	s6 =	simm.s32 @!p1 $0x1082;
	[sflag:s4] =	ssyncset.s32 $0xFFFFF086  }
0x25: {  	[simem:s6], [sflag:s4] =	dma.local [hbm:s3], $0xF7A  }
0x26: {  	[smem:$0x3F9E] =	sst s1;
	(tag) =	ssettag s2;
	_ =	strace s9  }
0x27: {  	s1 =	sld [smem:$0x3FAE]  }
0x28: {  	s2 =	sld [smem:$0x3FAF]  }
0x29: {  	s4 =	sld [smem:$0x3FB1]  }
0x2a: {  	p0 =	seq.s32 s5, $0x0;
	s5 =	sld [smem:$0x3FB2]  }
0x2b: {  	s6 =	sld [smem:$0x3FB3]  }
0x2c: {  	s7 =	sld [smem:$0x3FB4]  }
0x2d: {  	s3 =	simm.s32 $0x108;
	s8 =	sld [smem:$0x3FB5]  }
0x2e: {  	s3 =	simm.s32 @!p0 $0x1082;
	s9 =	sld [smem:$0x3FB6]  }
0x2f: {  	lr =	sadd.s32 s0, s3;
	s0 =	sld [smem:$0x3FAD]  }
0x30: {  	s3 =	sld [smem:$0x3FB0]  }
0x31: {  	[smem:$0x3FB9] =	sst s10  }
0x32: {  	s10 =	sld [smem:$0x3FB7];
	_ =	sdelay $0x3  }
0x33: {  	p0 =	seq.s32 s10, $0x1;
	s10 =	sld [smem:$0x3FB9];
	_ =	sdelay $0x3  }
0x34: {  	[smem:$0x3FB9] =	sst s10  }
0x35: {  	s10 =	sld [smem:$0x3FB8];
	_ =	sdelay $0x3  }
0x36: {  	p1 =	seq.s32 s10, $0x1;
	s10 =	sld [smem:$0x3FB9];
	_ =	sdelay $0x3  }
0x37: {  	[smem:$0x3FB9] =	sst s10  }
0x38: {  	s10 =	sld [smem:$0x3FBA]  }
0x39: {  	_ = 	snop;
	(pc) =	sbr.ind lr, $3  }
0x3a: {  	_ = 	snop  }
0x3b: {  	_ = 	snop  }
0x3c: {  	p2 =	seq.s32 s10, $0x1;
	s10 =	sld [smem:$0x3FB9]  }
0x3d: {  	_ =	shalt  }
0x3e: {  	_ =	shalt  }
0x3f: {  	_ =	shalt  }
0x40: {  	_ =	shalt  }
0x41: {  	_ =	shalt  }
0x42: {  	_ =	shalt  }
0x43: {  	_ =	shalt  }
0x44: {  	_ =	shalt  }
0x45: {  	_ =	shalt  }
0x46: {  	_ =	shalt  }
0x47: {  	_ =	shalt  }
0x48: {  	_ =	shalt  }
0x49: {  	_ =	shalt  }
0x4a: {  	_ =	shalt  }
0x4b: {  	_ =	shalt  }
0x4c: {  	_ =	shalt  }
0x4d: {  	_ =	shalt  }
0x4e: {  	_ =	shalt  }
0x4f: {  	_ =	shalt  }
0x50: {  	_ =	shalt  }
0x51: {  	_ =	shalt  }
0x52: {  	_ =	shalt  }
0x53: {  	_ =	shalt  }
0x54: {  	_ =	shalt  }
0x55: {  	_ =	shalt  }
0x56: {  	_ =	shalt  }
0x57: {  	_ =	shalt  }
0x58: {  	_ =	shalt  }
0x59: {  	_ =	shalt  }
0x5a: {  	_ =	shalt  }
0x5b: {  	_ =	shalt  }
0x5c: {  	_ =	shalt  }
0x5d: {  	_ =	shalt  }
0x5e: {  	_ =	shalt  }
0x5f: {  	_ =	shalt  }
0x60: {  	_ =	shalt  }
0x61: {  	_ =	shalt  }
0x62: {  	_ =	shalt  }
0x63: {  	_ =	shalt  }
0x64: {  	_ =	shalt  }
0x65: {  	_ =	shalt  }
0x66: {  	_ =	shalt  }
0x67: {  	_ =	shalt  }
0x68: {  	_ =	shalt  }
0x69: {  	_ =	shalt  }
0x6a: {  	_ =	shalt  }
0x6b: {  	_ =	shalt  }
0x6c: {  	_ =	shalt  }
0x6d: {  	_ =	shalt  }
0x6e: {  	_ =	shalt  }
0x6f: {  	_ =	shalt  }
0x70: {  	_ =	shalt  }
0x71: {  	_ =	shalt  }
0x72: {  	_ =	shalt  }
0x73: {  	_ =	shalt  }
0x74: {  	_ =	shalt  }
0x75: {  	_ =	shalt  }
0x76: {  	_ =	shalt  }
0x77: {  	_ =	shalt  }
0x78: {  	_ =	shalt  }
0x79: {  	_ =	shalt  }
0x7a: {  	_ =	shalt  }
0x7b: {  	_ =	shalt  }
0x7c: {  	_ =	shalt  }
0x7d: {  	_ =	shalt  }
0x7e: {  	_ =	shalt  }
0x7f: {  	_ =	shalt  }
0x80: {  	_ =	shalt  }
0x81: {  	_ =	shalt  }
0x82: {  	_ =	shalt  }
0x83: {  	_ =	shalt  }
0x84: {  	_ =	shalt  }
0x85: {  	_ =	shalt  }
0x86: {  	_ =	shalt  }
0x87: {  	_ =	shalt  }
.Lfunc_end0:
.L_simem_size_0:
called_computation.1_lowered:
.L_overlay_start_0:
0x88: {  	s2 =	sld [smem:$0x3FD9]  }
0x89: {  	s3 =	sld [smem:$0x3FFE];
	_ =	sdelay $0x1  }
0x8a: {  	s1 =	srdreg.scid  }
0x8b: {  	s0 =	sand.u32 $0x1, s1  }
0x8c: {  	s17 =	sshll.u32 s0, $0xA;
	s2 =	sadd.s32 s3, s2  }
0x8d: {  	s2 =	sadd.s32 s2, s17  }
0x8e: {  	[smem:$0x3FC5] =	sst s2  }
0x8f: {  	_ = 	snop  }
0x90: {  	(tm) =	ssettm $0x1  }
0x91: {  	s18 =	sld [smem:$0x3FFB];
	_ =	sdelay $0x3  }
0x92: {  	_ =	strace s18  }
0x93: {  	s2 =	sld [smem:$0x3FFC];
	_ =	sdelay $0x3  }
0x94: {  	_ =	strace s2  }
0x95: {  	s2 =	sld [smem:$0x3FFD];
	_ =	sdelay $0x3  }
0x96: {  	_ =	strace s2  }
0x97: {  	_ =	strace $0x8FFFFFFF  }
0x98: {  	s19 =	sld [smem:$0x3FDB];
	_ =	sdelay $0x1  }
0x99: {  	s20 =	simm.s32 $_scs_section_size  }
0x9a: {  	s4 =	simm.s32 $_size__tile_overlayer_lowered;
	s5 =	simm.s32 $_tile_overlayer_lowered  }
0x9b: {  	s6 =	simm.s32 $0x1BFF;
	s21 =	sshll.u32 s5, $0x1;
	s3 =	sadd.s32 s20, s19  }
0x9c: {  	s22 =	simm.s32 $0x0;
	s4 =	sshll.u32 s4, $0x1;
	s5 =	sadd.s32 s21, s3  }
0x9d: {  	[timem:s22], [sflag:s6] =	dma.local [hbm:s5], s4  }
0x9e: {  	_ =	swait.ge [sflag:s6], s4  }
0x9f: {  	s4 =	ssub.s32 $0x0, s4;
	[sflag:s6] =	ssyncset.done $0x0  }
0xa0: {  	[sflag:s6] =	ssyncadd.s32 s4;
	_ =	sdelay $0x1  }
0xa1: {  	s23 =	simm.s32 $0x1B8B  }
0xa2: {  	_ =	swait.ge [sflag:s23], $0x1  }
0xa3: {  	[sflag:s23] =	ssyncset.done $0x0  }
0xa4: {  	[sflag:s23] =	ssyncadd.s32 $0xFFFFFFFF  }
0xa5: {  	s4 =	sld [smem:$0x0]  }
0xa6: {  	s5 =	sand.u32 $0xFFFFFFFE, s1  }
0xa7: {  	p0 =	sne.s32 s1, s5  }
0xa8: {  	s5 =	sshll.u32 @p0 s5, $0xE  }
0xa9: {  	s5 =	sadd.s32 @p0 $0x11B8D, s5;
	s6 =	sshll.u32 @p0 s4, $0x11  }
0xaa: {  	s5 =	sor.u32 @p0 s6, s5  }
0xab: {  	[sflag:s5] =	ssyncadd.remote.s32 @p0 $0x1;
	_ =	sdelay $0x1  }
0xac: {  	s5 =	simm.s32 @p0 $0x1B8D  }
0xad: {  	_ =	swait.eq @p0 [sflag:s5], $0x1  }
0xae: {  	[sflag:s5] =	ssyncadd.s32 @p0 $0xFFFFFFFF  }
0xaf: {  	s6 =	sshll.u32 @!p0 s1, $0xE  }
0xb0: {  	s6 =	sor.u32 @!p0 $0x4000, s6;
	s5 =	simm.s32 @!p0 $0x1B8D  }
0xb1: {  	s4 =	sshll.u32 @!p0 s4, $0x11;
	s6 =	sadd.s32 @!p0 $0x11B8D, s6;
	_ =	swait.eq @!p0 [sflag:s5], $0x1  }
0xb2: {  	s4 =	sor.u32 @!p0 s4, s6;
	[sflag:s5] =	ssyncadd.s32 @!p0 $0xFFFFFFFF  }
0xb3: {  	s25 =	simm.s32 $0x1B8E;
	s24 =	sld [smem:$0x3FFE];
	[sflag:s4] =	ssyncadd.remote.s32 @!p0 $0x1  }
0xb4: {  	s26 =	simm.s32 $execute0_lowered;
	[smem:$0x3FD2] =	sst s25  }
0xb5: {  	s5 =	sshll.u32 s26, $0x1;
	_ =	strace $0x80000049;
	[dreg:$0x1] =	wrdreg $0xFFFFFFFF  }
0xb6: {  	s28 =	simm.s32 $_size_execute0_lowered;
	s3 =	sadd.s32 s3, s5;
	[dreg:$0x0] =	wrdreg $0x0  }
0xb7: {  	s5 =	sshll.u32 s28, $0x1;
	[dreg:$0x2] =	wrdreg s3  }
0xb8: {  	[dreg:$0x3] =	wrdreg s5  }
0xb9: {  	[dreg:$0x4] =	wrdreg $0xC0  }
0xba: {  	_ =	task [dreg:s22], $0x5FFFF  }
0xbb: {  	[dreg:$0x1] =	wrdreg $0xFFFFFFFF  }
0xbc: {  	[dreg:$0x0] =	wrdreg $0x60  }
0xbd: {  	[dreg:$0x2] =	wrdreg s24  }
0xbe: {  	[dreg:$0x3] =	wrdreg $0xA  }
0xbf: {  	_ =	task.clear_ibuf [dreg:s22], $0x4FFFF;
	_ =	strace $0x90000049  }
0xc0: {  	s29 =	simm.s32 $0xA;
	_ =	strace $0x8000004B  }
0xc1: {  	_ =	swait.ge [sflag:s29], $0x1  }
0xc2: {  	[sflag:s29] =	ssyncadd.s32 $0xFFFFFFFF  }
0xc3: {  	_ =	strace $0x9000004B  }
0xc4: {  	_ =	sfence  }
0xc5: {  	s30 =	sld [smem:$0x0];
	_ =	sdelay $0x2  }
0xc6: {  	s31 =	sshll.u32 s1, $0xD;
	s1 =	sshrl.u32 s1, $0x2  }
0xc7: {  	s4 =	sand.u32 $0x4000, s31;
	s1 =	sadd.s32 s1, s30  }
0xc8: {  	s0 =	sor.u32 s4, s0;
	s1 =	sshll.u32 s1, $0x11  }
0xc9: {  	s0 =	sor.u32 s1, s0  }
0xca: {  	s0 =	sadd.s32 $0x8F2B, s0  }
0xcb: {  	[sflag:s0] =	ssyncadd.remote.s32 $0x1  }
0xcc: {  	_ =	sfence.sel $0xFFFF  }
0xcd: {  	[dreg:$0x0] =	wrdreg $0xFFFFFFFF;
	(pc) =	sbr.abs _section_cstart, $3  }
0xce: {  	[dreg:$0x1] =	wrdreg $0xFFFFFFFF  }
0xcf: {  	_ =	task.clear_ibuf [dreg:s22], $0x2FFFF;
	_ =	strace $0x9FFFFFFF  }
0xd0: {  	(tm) =	ssettm $0x7FFFFFFF  }
0xd1: {  	_ =	shalt  }
tec
execute0_lowered:
.L_overlay_start_1:
0x0: {  	(tag) =	ssettag $0x1  }
0x1: {  	s1 =	srdreg.scid  }
0x2: {  	s0 =	stileid.u32;
	s6 =	rddreg [dreg:$0x0];
	s9 =	simm.s32 $0x3400  }
0x3: {  	s10 =	simm.s32 $0x5;
	s11 =	simm.s32 $0x64;
	s12 =	simm.s32 $0x6600  }
0x4: {  	s13 =	simm.s32 $0x68;
	s14 =	simm.s32 $0x7F00;
	s15 =	simm.s32 $0x9800  }
0x5: {  	s16 =	simm.s32 $0xB100;
	s17 =	simm.s32 $0x1;
	s18 =	simm.s32 $0x1900  }
0x6: {  	s19 =	simm.s32 $0x1C00;
	s20 =	simm.s32 $0xCA00;
	s21 =	simm.s32 $0x2  }
0x7: {  	s22 =	simm.s32 $0xFC00;
	s23 =	simm.s32 $0x3;
	s1 =	sand.u32 $0x1, s1  }
0x8: {  	s24 =	simm.s32 $0x4;
	s2 =	sshll.u32 s0, $0x7;
	s3 =	sshll.u32 s1, $0x6  }
0x9: {  	s25 =	simm.s32 $0x0;
	s1 =	ssub.s32 $0x2, s1;
	s2 =	sor.u32 s3, s2  }
0xa: {  	s3 =	simm.s32 $0x0;
	s8 =	sshrl.u32 s1, $0x1;
	s4 =	smul.u32 $0x1A, s2  }
0xb: {  	s5 =	sadd.s32 $0xC00, s6;
	[smem:$0x7FF] =	sst s3;
	s1 =	ssub.s32 s1, s8  }
0xc: {  	_ =	strace $0x8000004A;
	s7 =	sadd.s32 s4, s6;
	s4 =	sadd.s32 $0x1AC00, s6  }
0xd: {  	s8 =	smax.u32 s1, $0x1;
	s6 =	sadd.s32 $0x46B200, s6;
	s7 =	sadd.s32 $0x45E200, s7  }
.LBB2_1:
0xe: {  	[tilespmem:s9], [sflag:$0x5] =	stream.linear.gather [hbm4b:s5+s3], $0x3200, $0x38;
	[tilespmem:$0x12E00] =	vst v63  }
0xf: {  	_ =	swait.ge [sflag:s10], $0x3200  }
0x10: {  	[sflag:s10] =	ssyncset.done $0x0  }
0x11: {  	[sflag:s10] =	ssyncadd.s32 $0xFFFFCE00  }
0x12: {  	[tilespmem:s3], [sflag:$0x5] =	stream.linear.gather [hbm4b:s7+s3], $0x3400, $0x38;
	[tilespmem:$0x12E00] =	vst v63  }
0x13: {  	_ =	swait.ge [sflag:s10], $0x3400  }
0x14: {  	[sflag:s10] =	ssyncset.done $0x0  }
0x15: {  	[sflag:s10] =	ssyncadd.s32 $0xFFFFCC00  }
0x16: {  	[tilespmem:s12], [sflag:$0x1] =	stream.indirect.gather [hbm4b:s4+s11], $0x40, s3, s11, $0xb8;
	[tilespmem:$0x12E00] =	vst v63  }
0x17: {  	s26 =	simm.s32 $0x0  }
0x18: {  	[tilespmem:s14], [sflag:$0x1] =	stream.indirect.gather [hbm4b:s4+s11], $0x40, s13, s11, $0xb8;
	[tilespmem:$0x12E00] =	vst v63  }
.LBB2_2:
0x19: {  	s28 =	sshllo.u32 s26, $0x1  }
0x1a: {  	s1 =	smul.u32 $0x340, s28;
	_ =	sdelay $0x1  }
0x1b: {  	s1 =	sshra.s32 s1, $0x2  }
0x1c: {  	[tilespmem:s15], [sflag:$0x2] =	stream.indirect.gather [hbm4b:s4+s11], $0x40, s1, s11, $0xb8;
	[tilespmem:$0x12E00] =	vst v63  }
0x1d: {  	s1 =	sadd.s32 $0x68, s1  }
0x1e: {  	[tilespmem:s16], [sflag:$0x2] =	stream.indirect.gather [hbm4b:s4+s11], $0x40, s1, s11, $0xb8;
	[tilespmem:$0x12E00] =	vst v63  }
0x1f: {  	_ =	swait.ge [sflag:s17], $0x1900  }
0x20: {  	[sflag:s17] =	ssyncset.done $0x0  }
0x21: {  	[sflag:s17] =	ssyncadd.s32 $0xFFFFE700  }
0x22: {  	_ =	swait.ge [sflag:s17], $0x1900  }
0x23: {  	p0 =	seq.s32 s26, $0x0;
	[sflag:s17] =	ssyncset.done $0x0  }
0x24: {  	s1 =	simm.s32 @!p0 $0x3;
	[sflag:s17] =	ssyncadd.s32 $0xFFFFE700  }
0x25: {  	_ =	swait.ge @!p0 [sflag:s1], $0x3200  }
0x26: {  	[sflag:s1] =	ssyncset.done @!p0 $0x0  }
0x27: {  	s29 =	simm.s32 $0x40;
	[sflag:s1] =	ssyncadd.s32 @!p0 $0xFFFFCE00  }
0x28: {  	v0 =	vld [tilespmem:s29+$0x7F30]  }
0x29: {  	v1 =	vld [tilespmem:s29+$0x4D30]  }
0x2a: {  	v2 =	vld [tilespmem:s29+$0x65C0]  }
0x2b: {  	v3 =	vld [tilespmem:s29+$0x33C0]  }
0x2c: {  	v4 =	vld [tilespmem:s29+$0x65D0]  }
0x2d: {  	v5 =	vld [tilespmem:s29+$0x33D0]  }
0x2e: {  	v6 =	vld [tilespmem:s29+$0x65E0]  }
0x2f: {  	v7 =	vld [tilespmem:s29+$0x65F0]  }
0x30: {  	v0 =	vadd.f32 v1, v0;
	v1 =	vld [tilespmem:s29+$0x33E0]  }
0x31: {  	v2 =	vadd.f32 v3, v2;
	v3 =	vld [tilespmem:s29+$0x6600]  }
0x32: {  	[tilespmem:s29+$0xE330] =	vst v0;
	v0 =	vld [tilespmem:s29+$0x33F0]  }
0x33: {  	[tilespmem:s29+$0xC9C0] =	vst v2;
	v2 =	vadd.f32 v5, v4;
	v4 =	vld [tilespmem:s29+$0x3400]  }
0x34: {  	v5 =	vld [tilespmem:s29+$0x3410]  }
0x35: {  	[tilespmem:s29+$0xC9D0] =	vst v2;
	v2 =	vld [tilespmem:s29+$0x6610];
	v1 =	vadd.f32 v1, v6  }
0x36: {  	v6 =	vld [tilespmem:s29+$0x3420]  }
0x37: {  	[tilespmem:s29+$0xC9E0] =	vst v1;
	v0 =	vadd.f32 v0, v7;
	v1 =	vld [tilespmem:s29+$0x6620]  }
0x38: {  	v7 =	vld [tilespmem:s29+$0x4CF0]  }
0x39: {  	[tilespmem:s29+$0xC9F0] =	vst v0;
	v0 =	vadd.f32 v4, v3;
	v3 =	vld [tilespmem:s29+$0x6630]  }
0x3a: {  	v4 =	vld [tilespmem:s29+$0x3430]  }
0x3b: {  	[tilespmem:s29+$0xCA00] =	vst v0;
	v0 =	vadd.f32 v5, v2;
	v2 =	vld [tilespmem:s29+$0x7EC0]  }
0x3c: {  	v5 =	vld [tilespmem:s29+$0x4CC0]  }
0x3d: {  	[tilespmem:s29+$0xCA10] =	vst v0;
	v0 =	vadd.f32 v6, v1;
	v1 =	vld [tilespmem:s29+$0x7ED0]  }
0x3e: {  	v6 =	vld [tilespmem:s29+$0x4CD0]  }
0x3f: {  	[tilespmem:s29+$0xCA20] =	vst v0;
	v0 =	vadd.f32 v4, v3;
	v3 =	vld [tilespmem:s29+$0x7EE0]  }
0x40: {  	v4 =	vld [tilespmem:s29+$0x4CE0]  }
0x41: {  	[tilespmem:s29+$0xCA30] =	vst v0;
	v0 =	vadd.f32 v5, v2;
	v5 =	vld [tilespmem:s29+$0x7EF0]  }
0x42: {  	v8 =	vld [tilespmem:s29+$0x4D00]  }
0x43: {  	[tilespmem:s29+$0xE2C0] =	vst v0;
	v0 =	vadd.f32 v6, v1;
	v6 =	vld [tilespmem:s29+$0x7F00]  }
0x44: {  	v2 =	vld [tilespmem:s29+$0x7F10]  }
0x45: {  	[tilespmem:s29+$0xE2D0] =	vst v0;
	v0 =	vadd.f32 v4, v3;
	v3 =	vld [tilespmem:s29+$0x4D10]  }
0x46: {  	v4 =	vld [tilespmem:s29+$0x4D20];
	v5 =	vadd.f32 v7, v5  }
0x47: {  	s31 =	simm.s32 $0xC0;
	[tilespmem:s29+$0xE2E0] =	vst v0;
	v0 =	vld [tilespmem:s29+$0x7F20]  }
0x48: {  	s30 =	sshll.u32 s26, $0x1;
	s1 =	simm.s32 $0x500;
	v1 =	vld [tilespmem:s31+$0x7F30];
	[tilespmem:s29+$0xE2F0] =	vst v5;
	v5 =	vadd.f32 v8, v6  }
.LBB2_3:
0x49: {  	p1 =	sne.s32 s1, $0x6300;
	v6 =	vld [tilespmem:s31+$0x4D30]  }
0x4a: {  	v7 =	vld [tilespmem:s31+$0x65C0];
	[tilespmem:s29+$0xE300] =	vst v5;
	v2 =	vadd.f32 v3, v2  }
0x4b: {  	v3 =	vld [tilespmem:s31+$0x33C0]  }
0x4c: {  	v5 =	vld [tilespmem:s31+$0x65D0];
	[tilespmem:s29+$0xE310] =	vst v2;
	v0 =	vadd.f32 v4, v0  }
0x4d: {  	v2 =	vld [tilespmem:s31+$0x33D0]  }
0x4e: {  	v4 =	vld [tilespmem:s31+$0x65E0];
	v1 =	vadd.f32 v6, v1;
	[tilespmem:s29+$0xE320] =	vst v0;
	s29 =	smov.u32 s31  }
0x4f: {  	v0 =	vld [tilespmem:s29+$0x33E0]  }
0x50: {  	v3 =	vadd.f32 v3, v7;
	v6 =	vld [tilespmem:s29+$0x65F0];
	[tilespmem:s29+$0xE330] =	vst v1  }
0x51: {  	v1 =	vld [tilespmem:s29+$0x33F0]  }
0x52: {  	[tilespmem:s29+$0xC9C0] =	vst v3;
	v2 =	vadd.f32 v2, v5;
	v3 =	vld [tilespmem:s29+$0x6600]  }
0x53: {  	v5 =	vld [tilespmem:s29+$0x3400]  }
0x54: {  	[tilespmem:s29+$0xC9D0] =	vst v2;
	v0 =	vadd.f32 v0, v4;
	v2 =	vld [tilespmem:s29+$0x6610]  }
0x55: {  	v4 =	vld [tilespmem:s29+$0x3410]  }
0x56: {  	[tilespmem:s29+$0xC9E0] =	vst v0;
	v0 =	vadd.f32 v1, v6;
	v1 =	vld [tilespmem:s29+$0x6620]  }
0x57: {  	v6 =	vld [tilespmem:s29+$0x3420]  }
0x58: {  	[tilespmem:s29+$0xC9F0] =	vst v0;
	v0 =	vadd.f32 v5, v3;
	v3 =	vld [tilespmem:s29+$0x6630]  }
0x59: {  	v5 =	vld [tilespmem:s29+$0x3430]  }
0x5a: {  	[tilespmem:s29+$0xCA00] =	vst v0;
	v0 =	vadd.f32 v4, v2;
	v2 =	vld [tilespmem:s29+$0x7EC0]  }
0x5b: {  	v4 =	vld [tilespmem:s29+$0x4CC0]  }
0x5c: {  	[tilespmem:s29+$0xCA10] =	vst v0;
	v0 =	vadd.f32 v6, v1;
	v1 =	vld [tilespmem:s29+$0x7ED0]  }
0x5d: {  	v6 =	vld [tilespmem:s29+$0x4CD0]  }
0x5e: {  	[tilespmem:s29+$0xCA20] =	vst v0;
	v0 =	vadd.f32 v5, v3;
	v3 =	vld [tilespmem:s29+$0x7EE0]  }
0x5f: {  	v5 =	vld [tilespmem:s29+$0x4CE0]  }
0x60: {  	[tilespmem:s29+$0xCA30] =	vst v0;
	v0 =	vadd.f32 v4, v2;
	v4 =	vld [tilespmem:s29+$0x7EF0]  }
0x61: {  	v7 =	vld [tilespmem:s29+$0x4CF0]  }
0x62: {  	[tilespmem:s29+$0xE2C0] =	vst v0;
	v0 =	vadd.f32 v6, v1;
	v6 =	vld [tilespmem:s29+$0x7F00]  }
0x63: {  	v8 =	vld [tilespmem:s29+$0x4D00]  }
.Ltmp0:
0x64: {  	[tilespmem:s29+$0xE2D0] =	vst v0;
	v0 =	vadd.f32 v5, v3;
	v2 =	vld [tilespmem:s29+$0x7F10];
	(pc) =	sbr.rel @p1 .LBB2_3-.Ltmp0, $4  }
0x65: {  	v3 =	vld [tilespmem:s29+$0x4D10]  }
0x66: {  	[tilespmem:s29+$0xE2E0] =	vst v0;
	v5 =	vadd.f32 v7, v4;
	v0 =	vld [tilespmem:s29+$0x7F20]  }
0x67: {  	s31 =	sshra.s32 s1, $0x2;
	v4 =	vld [tilespmem:s29+$0x4D20]  }
0x68: {  	s1 =	sadd.s32 $0x200, s1;
	v1 =	vld [tilespmem:s31+$0x7F30];
	[tilespmem:s29+$0xE2F0] =	vst v5;
	v5 =	vadd.f32 v8, v6  }
0x69: {  	v6 =	vld [tilespmem:s31+$0x4D30]  }
0x6a: {  	v7 =	vld [tilespmem:s31+$0x65C0];
	[tilespmem:s29+$0xE300] =	vst v5;
	v2 =	vadd.f32 v3, v2  }
0x6b: {  	v3 =	vld [tilespmem:s31+$0x33C0]  }
0x6c: {  	v5 =	vld [tilespmem:s31+$0x65D0];
	[tilespmem:s29+$0xE310] =	vst v2;
	v0 =	vadd.f32 v4, v0  }
0x6d: {  	v2 =	vld [tilespmem:s31+$0x33D0]  }
0x6e: {  	v4 =	vld [tilespmem:s31+$0x65E0];
	[tilespmem:s29+$0xE320] =	vst v0  }
0x6f: {  	v0 =	vadd.f32 v6, v1;
	v1 =	vld [tilespmem:s31+$0x33E0]  }
0x70: {  	v6 =	vld [tilespmem:s31+$0x65F0]  }
0x71: {  	v3 =	vadd.f32 v3, v7;
	[tilespmem:s31+$0xE330] =	vst v0;
	v0 =	vld [tilespmem:s31+$0x33F0]  }
0x72: {  	v7 =	vld [tilespmem:s31+$0x4D20]  }
0x73: {  	[tilespmem:s31+$0xC9C0] =	vst v3;
	v2 =	vadd.f32 v2, v5;
	v3 =	vld [tilespmem:s31+$0x6600]  }
0x74: {  	v5 =	vld [tilespmem:s31+$0x3400]  }
0x75: {  	[tilespmem:s31+$0xC9D0] =	vst v2;
	v2 =	vld [tilespmem:s31+$0x6610]  }
0x76: {  	v1 =	vadd.f32 v1, v4;
	v4 =	vld [tilespmem:s31+$0x3410]  }
0x77: {  	v0 =	vadd.f32 v0, v6;
	v6 =	vld [tilespmem:s31+$0x3420]  }
0x78: {  	[tilespmem:s31+$0xC9E0] =	vst v1;
	v1 =	vld [tilespmem:s31+$0x6620]  }
0x79: {  	[tilespmem:s31+$0xC9F0] =	vst v0;
	v0 =	vadd.f32 v5, v3;
	v3 =	vld [tilespmem:s31+$0x6630]  }
0x7a: {  	v5 =	vld [tilespmem:s31+$0x3430]  }
0x7b: {  	[tilespmem:s31+$0xCA00] =	vst v0;
	v0 =	vadd.f32 v4, v2;
	v2 =	vld [tilespmem:s31+$0x7EC0]  }
0x7c: {  	v4 =	vld [tilespmem:s31+$0x4CC0]  }
0x7d: {  	[tilespmem:s31+$0xCA10] =	vst v0;
	v0 =	vadd.f32 v6, v1;
	v1 =	vld [tilespmem:s31+$0x7ED0]  }
0x7e: {  	v6 =	vld [tilespmem:s31+$0x4CD0]  }
0x7f: {  	[tilespmem:s31+$0xCA20] =	vst v0;
	v0 =	vadd.f32 v5, v3;
	v3 =	vld [tilespmem:s31+$0x7EE0]  }
0x80: {  	v5 =	vld [tilespmem:s31+$0x4CE0]  }
0x81: {  	[tilespmem:s31+$0xCA30] =	vst v0;
	v0 =	vadd.f32 v4, v2;
	v2 =	vld [tilespmem:s31+$0x7EF0]  }
0x82: {  	v4 =	vld [tilespmem:s31+$0x4CF0]  }
0x83: {  	[tilespmem:s31+$0xE2C0] =	vst v0;
	v0 =	vadd.f32 v6, v1;
	v1 =	vld [tilespmem:s31+$0x7F00]  }
0x84: {  	v6 =	vld [tilespmem:s31+$0x4D00]  }
0x85: {  	[tilespmem:s31+$0xE2D0] =	vst v0;
	v0 =	vadd.f32 v5, v3;
	v3 =	vld [tilespmem:s31+$0x7F10]  }
0x86: {  	v5 =	vld [tilespmem:s31+$0x4D10]  }
0x87: {  	[tilespmem:s31+$0xE2E0] =	vst v0;
	v0 =	vld [tilespmem:s31+$0x7F20];
	_ =	sdelay $0x1  }
0x88: {  	v2 =	vadd.f32 v4, v2  }
0x89: {  	v1 =	vadd.f32 v6, v1  }
0x8a: {  	s1 =	sadd.s32 s2, s30;
	[tilespmem:s31+$0xE2F0] =	vst v2;
	v2 =	vadd.f32 v5, v3  }
0x8b: {  	s1 =	smul.u32 $0x700, s1;
	[tilespmem:s31+$0xE300] =	vst v1;
	v0 =	vadd.f32 v7, v0  }
0x8c: {  	p1 =	seq.s32 s26, $0x1F;
	[tilespmem:s31+$0xE310] =	vst v2  }
0x8d: {  	s1 =	sadd.s32 s6, s1;
	s29 =	smul.u32 @!p1 $0x680, s26;
	[tilespmem:s31+$0xE320] =	vst v0  }
0x8e: {  	[hbm4b:s1+s18] =	stream.strided.scatter [tilespmem:s20], [sflag:$0x3], $0x3200, s19, s18, $0x38;
	[tilespmem:$0x12E00] =	vst v63  }
0x8f: {  	s1 =	sshra.s32 @!p1 s29, $0x2  }
0x90: {  	s30 =	simm.s32 @!p1 $0x64;
	s31 =	simm.s32 @!p1 $0x6600;
	s29 =	sadd.s32 @!p1 $0x1A0, s1  }
0x91: {  	[tilespmem:s31], [sflag:$0x1] =	stream.indirect.gather @!p1 [hbm4b:s4+s30], $0x40, s29, s30, $0xb8;
	[tilespmem:$0x12E00] =	vst v63  }
0x92: {  	s1 =	sadd.s32 @!p1 $0x208, s1;
	s29 =	simm.s32 @!p1 $0x7F00  }
0x93: {  	[tilespmem:s29], [sflag:$0x1] =	stream.indirect.gather @!p1 [hbm4b:s4+s30], $0x40, s1, s30, $0xb8;
	[tilespmem:$0x12E00] =	vst v63  }
0x94: {  	_ =	swait.ge [sflag:s21], $0x1900  }
0x95: {  	[sflag:s21] =	ssyncset.done $0x0  }
0x96: {  	[sflag:s21] =	ssyncadd.s32 $0xFFFFE700  }
0x97: {  	_ =	swait.ge [sflag:s21], $0x1900  }
0x98: {  	[sflag:s21] =	ssyncset.done $0x0  }
0x99: {  	s1 =	simm.s32 @!p0 $0x4;
	[sflag:s21] =	ssyncadd.s32 $0xFFFFE700  }
0x9a: {  	_ =	swait.ge @!p0 [sflag:s1], $0x3200  }
0x9b: {  	[sflag:s1] =	ssyncset.done @!p0 $0x0  }
0x9c: {  	s29 =	simm.s32 $0x40;
	[sflag:s1] =	ssyncadd.s32 @!p0 $0xFFFFCE00  }
0x9d: {  	v0 =	vld [tilespmem:s29+$0xB130]  }
0x9e: {  	v1 =	vld [tilespmem:s29+$0x4D30]  }
0x9f: {  	v2 =	vld [tilespmem:s29+$0x97C0]  }
0xa0: {  	v3 =	vld [tilespmem:s29+$0x33C0]  }
0xa1: {  	v4 =	vld [tilespmem:s29+$0x97D0]  }
0xa2: {  	v5 =	vld [tilespmem:s29+$0x33D0]  }
0xa3: {  	v6 =	vld [tilespmem:s29+$0x97E0]  }
0xa4: {  	v7 =	vld [tilespmem:s29+$0x97F0]  }
0xa5: {  	v0 =	vadd.f32 v1, v0;
	v1 =	vld [tilespmem:s29+$0x33E0]  }
0xa6: {  	v2 =	vadd.f32 v3, v2;
	v3 =	vld [tilespmem:s29+$0x9800]  }
0xa7: {  	[tilespmem:s29+$0x11530] =	vst v0;
	v0 =	vld [tilespmem:s29+$0x33F0]  }
0xa8: {  	[tilespmem:s29+$0xFBC0] =	vst v2;
	v2 =	vadd.f32 v5, v4;
	v4 =	vld [tilespmem:s29+$0x3400]  }
0xa9: {  	v5 =	vld [tilespmem:s29+$0x3410]  }
0xaa: {  	[tilespmem:s29+$0xFBD0] =	vst v2;
	v2 =	vld [tilespmem:s29+$0x9810];
	v1 =	vadd.f32 v1, v6  }
0xab: {  	v6 =	vld [tilespmem:s29+$0x3420]  }
0xac: {  	[tilespmem:s29+$0xFBE0] =	vst v1;
	v0 =	vadd.f32 v0, v7;
	v1 =	vld [tilespmem:s29+$0x9820]  }
0xad: {  	v7 =	vld [tilespmem:s29+$0x4CF0]  }
0xae: {  	[tilespmem:s29+$0xFBF0] =	vst v0;
	v0 =	vadd.f32 v4, v3;
	v3 =	vld [tilespmem:s29+$0x9830]  }
0xaf: {  	v4 =	vld [tilespmem:s29+$0x3430]  }
0xb0: {  	[tilespmem:s29+$0xFC00] =	vst v0;
	v0 =	vadd.f32 v5, v2;
	v2 =	vld [tilespmem:s29+$0xB0C0]  }
0xb1: {  	v5 =	vld [tilespmem:s29+$0x4CC0]  }
0xb2: {  	[tilespmem:s29+$0xFC10] =	vst v0;
	v0 =	vadd.f32 v6, v1;
	v1 =	vld [tilespmem:s29+$0xB0D0]  }
0xb3: {  	v6 =	vld [tilespmem:s29+$0x4CD0]  }
0xb4: {  	[tilespmem:s29+$0xFC20] =	vst v0;
	v0 =	vadd.f32 v4, v3;
	v3 =	vld [tilespmem:s29+$0xB0E0]  }
0xb5: {  	v4 =	vld [tilespmem:s29+$0x4CE0]  }
0xb6: {  	[tilespmem:s29+$0xFC30] =	vst v0;
	v0 =	vadd.f32 v5, v2;
	v5 =	vld [tilespmem:s29+$0xB0F0]  }
0xb7: {  	v8 =	vld [tilespmem:s29+$0x4D00]  }
0xb8: {  	[tilespmem:s29+$0x114C0] =	vst v0;
	v0 =	vadd.f32 v6, v1;
	v6 =	vld [tilespmem:s29+$0xB100]  }
0xb9: {  	v2 =	vld [tilespmem:s29+$0xB110]  }
0xba: {  	[tilespmem:s29+$0x114D0] =	vst v0;
	v0 =	vadd.f32 v4, v3;
	v3 =	vld [tilespmem:s29+$0x4D10]  }
0xbb: {  	v4 =	vld [tilespmem:s29+$0x4D20];
	v5 =	vadd.f32 v7, v5  }
0xbc: {  	s30 =	simm.s32 $0xC0;
	[tilespmem:s29+$0x114E0] =	vst v0;
	v0 =	vld [tilespmem:s29+$0xB120]  }
0xbd: {  	s1 =	simm.s32 $0x500;
	v1 =	vld [tilespmem:s30+$0xB130];
	[tilespmem:s29+$0x114F0] =	vst v5;
	v5 =	vadd.f32 v8, v6  }
.LBB2_5:
0xbe: {  	p0 =	sne.s32 s1, $0x6300;
	v6 =	vld [tilespmem:s30+$0x4D30]  }
0xbf: {  	v7 =	vld [tilespmem:s30+$0x97C0];
	[tilespmem:s29+$0x11500] =	vst v5;
	v2 =	vadd.f32 v3, v2  }
0xc0: {  	v3 =	vld [tilespmem:s30+$0x33C0]  }
0xc1: {  	v5 =	vld [tilespmem:s30+$0x97D0];
	[tilespmem:s29+$0x11510] =	vst v2;
	v0 =	vadd.f32 v4, v0  }
0xc2: {  	v2 =	vld [tilespmem:s30+$0x33D0]  }
0xc3: {  	v4 =	vld [tilespmem:s30+$0x97E0];
	v1 =	vadd.f32 v6, v1;
	[tilespmem:s29+$0x11520] =	vst v0;
	s29 =	smov.u32 s30  }
0xc4: {  	v0 =	vld [tilespmem:s29+$0x33E0]  }
0xc5: {  	v3 =	vadd.f32 v3, v7;
	v6 =	vld [tilespmem:s29+$0x97F0];
	[tilespmem:s29+$0x11530] =	vst v1  }
0xc6: {  	v1 =	vld [tilespmem:s29+$0x33F0]  }
0xc7: {  	[tilespmem:s29+$0xFBC0] =	vst v3;
	v2 =	vadd.f32 v2, v5;
	v3 =	vld [tilespmem:s29+$0x9800]  }
0xc8: {  	v5 =	vld [tilespmem:s29+$0x3400]  }
0xc9: {  	[tilespmem:s29+$0xFBD0] =	vst v2;
	v0 =	vadd.f32 v0, v4;
	v2 =	vld [tilespmem:s29+$0x9810]  }
0xca: {  	v4 =	vld [tilespmem:s29+$0x3410]  }
0xcb: {  	[tilespmem:s29+$0xFBE0] =	vst v0;
	v0 =	vadd.f32 v1, v6;
	v1 =	vld [tilespmem:s29+$0x9820]  }
0xcc: {  	v6 =	vld [tilespmem:s29+$0x3420]  }
0xcd: {  	[tilespmem:s29+$0xFBF0] =	vst v0;
	v0 =	vadd.f32 v5, v3;
	v3 =	vld [tilespmem:s29+$0x9830]  }
0xce: {  	v5 =	vld [tilespmem:s29+$0x3430]  }
0xcf: {  	[tilespmem:s29+$0xFC00] =	vst v0;
	v0 =	vadd.f32 v4, v2;
	v2 =	vld [tilespmem:s29+$0xB0C0]  }
0xd0: {  	v4 =	vld [tilespmem:s29+$0x4CC0]  }
0xd1: {  	[tilespmem:s29+$0xFC10] =	vst v0;
	v0 =	vadd.f32 v6, v1;
	v1 =	vld [tilespmem:s29+$0xB0D0]  }
0xd2: {  	v6 =	vld [tilespmem:s29+$0x4CD0]  }
0xd3: {  	[tilespmem:s29+$0xFC20] =	vst v0;
	v0 =	vadd.f32 v5, v3;
	v3 =	vld [tilespmem:s29+$0xB0E0]  }
0xd4: {  	v5 =	vld [tilespmem:s29+$0x4CE0]  }
0xd5: {  	[tilespmem:s29+$0xFC30] =	vst v0;
	v0 =	vadd.f32 v4, v2;
	v4 =	vld [tilespmem:s29+$0xB0F0]  }
0xd6: {  	v7 =	vld [tilespmem:s29+$0x4CF0]  }
0xd7: {  	[tilespmem:s29+$0x114C0] =	vst v0;
	v0 =	vadd.f32 v6, v1;
	v6 =	vld [tilespmem:s29+$0xB100]  }
0xd8: {  	v8 =	vld [tilespmem:s29+$0x4D00]  }
.Ltmp1:
0xd9: {  	[tilespmem:s29+$0x114D0] =	vst v0;
	v0 =	vadd.f32 v5, v3;
	v2 =	vld [tilespmem:s29+$0xB110];
	(pc) =	sbr.rel @p0 .LBB2_5-.Ltmp1, $4  }
0xda: {  	v3 =	vld [tilespmem:s29+$0x4D10]  }
0xdb: {  	[tilespmem:s29+$0x114E0] =	vst v0;
	v5 =	vadd.f32 v7, v4;
	v0 =	vld [tilespmem:s29+$0xB120]  }
0xdc: {  	s30 =	sshra.s32 s1, $0x2;
	v4 =	vld [tilespmem:s29+$0x4D20]  }
0xdd: {  	s1 =	sadd.s32 $0x200, s1;
	v1 =	vld [tilespmem:s30+$0xB130];
	[tilespmem:s29+$0x114F0] =	vst v5;
	v5 =	vadd.f32 v8, v6  }
0xde: {  	v6 =	vld [tilespmem:s30+$0x4D30]  }
0xdf: {  	v7 =	vld [tilespmem:s30+$0x97C0];
	[tilespmem:s29+$0x11500] =	vst v5;
	v2 =	vadd.f32 v3, v2  }
0xe0: {  	v28 =	vld [tilespmem:s30+$0x33C0]  }
0xe1: {  	v5 =	vld [tilespmem:s30+$0x97D0];
	[tilespmem:s29+$0x11510] =	vst v2;
	v0 =	vadd.f32 v4, v0  }
0xe2: {  	v2 =	vld [tilespmem:s30+$0x33D0]  }
0xe3: {  	v29 =	vld [tilespmem:s30+$0x97E0];
	[tilespmem:s29+$0x11520] =	vst v0  }
0xe4: {  	v31 =	vld [tilespmem:s30+$0x33E0]  }
0xe5: {  	v32 =	vld [tilespmem:s30+$0x97F0]  }
0xe6: {  	v33 =	vld [tilespmem:s30+$0x33F0]  }
0xe7: {  	v34 =	vld [tilespmem:s30+$0x9800]  }
0xe8: {  	v35 =	vld [tilespmem:s30+$0x3400]  }
0xe9: {  	v36 =	vld [tilespmem:s30+$0x9810]  }
0xea: {  	v37 =	vld [tilespmem:s30+$0x3410]  }
0xeb: {  	v38 =	vld [tilespmem:s30+$0x9820]  }
0xec: {  	v39 =	vld [tilespmem:s30+$0x3420]  }
0xed: {  	v41 =	vld [tilespmem:s30+$0x9830]  }
0xee: {  	v42 =	vld [tilespmem:s30+$0x3430]  }
0xef: {  	v44 =	vld [tilespmem:s30+$0xB0C0]  }
0xf0: {  	v45 =	vld [tilespmem:s30+$0x4CC0]  }
0xf1: {  	v47 =	vld [tilespmem:s30+$0xB0D0]  }
0xf2: {  	v30 =	vadd.f32 v6, v1;
	v48 =	vld [tilespmem:s30+$0x4CD0]  }
0xf3: {  	v50 =	vld [tilespmem:s30+$0xB0E0];
	v3 =	vadd.f32 v28, v7  }
0xf4: {  	v51 =	vld [tilespmem:s30+$0x4CE0];
	[tilespmem:s30+$0x11530] =	vst v30;
	v2 =	vadd.f32 v2, v5  }
0xf5: {  	v53 =	vld [tilespmem:s30+$0xB0F0];
	[tilespmem:s30+$0xFBC0] =	vst v3;
	v1 =	vadd.f32 v31, v29  }
0xf6: {  	v54 =	vld [tilespmem:s30+$0x4CF0];
	[tilespmem:s30+$0xFBD0] =	vst v2;
	v0 =	vadd.f32 v33, v32  }
0xf7: {  	v56 =	vld [tilespmem:s30+$0xB100];
	v40 =	vadd.f32 v35, v34;
	[tilespmem:s30+$0xFBE0] =	vst v1  }
0xf8: {  	v57 =	vld [tilespmem:s30+$0x4D00];
	v43 =	vadd.f32 v37, v36;
	[tilespmem:s30+$0xFBF0] =	vst v0  }
0xf9: {  	v59 =	vld [tilespmem:s30+$0xB110];
	v46 =	vadd.f32 v39, v38;
	[tilespmem:s30+$0xFC00] =	vst v40  }
0xfa: {  	v60 =	vld [tilespmem:s30+$0x4D10];
	v49 =	vadd.f32 v42, v41;
	[tilespmem:s30+$0xFC10] =	vst v43  }
0xfb: {  	v61 =	vld [tilespmem:s30+$0xB120];
	v52 =	vadd.f32 v45, v44;
	[tilespmem:s30+$0xFC20] =	vst v46  }
0xfc: {  	v62 =	vld [tilespmem:s30+$0x4D20];
	v55 =	vadd.f32 v48, v47;
	[tilespmem:s30+$0xFC30] =	vst v49  }
0xfd: {  	v58 =	vadd.f32 v51, v50;
	[tilespmem:s30+$0x114C0] =	vst v52  }
0xfe: {  	s26 =	sadd.s32 $0x1, s26;
	v2 =	vadd.f32 v54, v53;
	[tilespmem:s30+$0x114D0] =	vst v55  }
0xff: {  	p0 =	sne.s32 s26, $0x20;
	v63 =	vadd.f32 v60, v59;
	[tilespmem:s30+$0x114E0] =	vst v58  }
.Ltmp2:
0x100: {  	s1 =	sadd.s32 s2, s28;
	v1 =	vadd.f32 v57, v56;
	[tilespmem:s30+$0x114F0] =	vst v2;
	(pc) =	sbr.rel @p0 .LBB2_2-.Ltmp2, $4  }
0x101: {  	s1 =	smul.u32 $0x700, s1;
	v0 =	vadd.f32 v62, v61;
	[tilespmem:s30+$0x11510] =	vst v63  }
0x102: {  	[tilespmem:s30+$0x11500] =	vst v1  }
0x103: {  	s1 =	sadd.s32 s6, s1;
	[tilespmem:s30+$0x11520] =	vst v0  }
0x104: {  	[hbm4b:s1+s18] =	stream.strided.scatter [tilespmem:s22], [sflag:$0x4], $0x3200, s19, s18, $0x38;
	[tilespmem:$0x12E00] =	vst v63  }
0x105: {  	s25 =	sadd.s32 $0x1, s25  }
0x106: {  	_ =	swait.ge [sflag:s23], $0x3200;
	p0 =	sne.s32 s25, s8  }
.Ltmp3:
0x107: {  	[sflag:s23] =	ssyncset.done $0x0;
	(pc) =	sbr.rel @p0 .LBB2_1-.Ltmp3, $4  }
0x108: {  	[sflag:s23] =	ssyncadd.s32 $0xFFFFCE00  }
0x109: {  	_ =	swait.ge [sflag:s24], $0x3200  }
0x10a: {  	[sflag:s24] =	ssyncset.done $0x0  }
0x10b: {  	[sflag:s24] =	ssyncadd.s32 $0xFFFFCE00  }
0x10c: {  	_ =	sfence.sel $0x180000  }
0x10d: {  	[bflag:$0x0] =	sbarrier.arrive $0xFFFF  }
0x10e: {  	_ =	strace $0x9000004A  }
0x10f: {  	[bflag:$0x2] =	sbarrier.arrive $0xFFFF  }
0x110: {  	p0 =	sne.s32 s0, $0x0;
	s0 =	rddreg [dreg:$0x1]  }
0x111: {  	s0 =	sadd.s32 @!p0 $0x100000, s0  }
0x112: {  	[sflag:s0] =	ssyncadd.tile.s32 @!p0 $0x1;
	_ =	shalt  }
.Lfunc_end2:
_tile_overlayer_lowered:
.L_overlay_start_2:
0x113: {  	(tag) =	ssettag $0x2  }
0x114: {  	s0 =	rddreg [dreg:$0x0];
	s2 =	stileid.u32  }
0x115: {  	s1 =	rddreg [dreg:$0x1];
	p0 =	sne.s32 s2, $0x0  }
0x116: {  	s3 =	rddreg [dreg:$0x2];
	[bflag:$0x3] =	sbarrier.arrive $0xFFFF;
	s2 =	simm.s32 @!p0 $0x1C05  }
0x117: {  	[timem:s3], [sflag:s2] =	dma.local @!p0 [hbm:s0], s1  }
0x118: {  	s0 =	simm.s32 @!p0 $0x5  }
0x119: {  	_ =	swait.ge @!p0 [sflag:s0], s1  }
0x11a: {  	s1 =	ssub.s32 @!p0 $0x0, s1;
	[sflag:s0] =	ssyncset.done @!p0 $0x0  }
0x11b: {  	[sflag:s0] =	ssyncadd.s32 @!p0 s1  }
0x11c: {  	[bflag:$0x3] =	sbarrier.arrive $0xFFFF  }
0x11d: {  	_ =	shalt  }

</sc_bundles>
